<compile_context>
chip_gen: v7x
topology: tpu7x:2x2x1
jax: 0.10.2.dev20260603
libtpu: 0.0.44.dev20260713+nightly
codegen_flags: <defaults>
</compile_context>

<pallas_src>
import functools
import math

import jax
import jax.numpy as jnp
from jax import lax
from jax.experimental import pallas as pl
from jax.experimental.pallas import tpu as pltpu
from jax.experimental.pallas import tpu_sc as plsc

D_MODEL = 64
SCALE = math.sqrt(D_MODEL)
VOCAB = 1000000
TBLK = 8192
NTBLK = 62
T1_HALF = TBLK * NTBLK
_MAXBLK = VOCAB // TBLK
SEQ = 200
BATCH = 4096


def _transpose_body(lo_ref, hi_ref, t1_ref):
    eye = jnp.eye(D_MODEL, dtype=jnp.float32) * SCALE
    dims = (((0,), (0,)), ((), ()))
    t1_ref[:, 0:D_MODEL] = lax.dot_general(
        lo_ref[...], eye, dims, preferred_element_type=jnp.float32
    )
    t1_ref[:, D_MODEL:128] = lax.dot_general(
        hi_ref[...], eye, dims, preferred_element_type=jnp.float32
    )


def _transpose_table(tt):
    return pl.pallas_call(
        _transpose_body,
        grid=(NTBLK,),
        in_specs=[
            pl.BlockSpec((D_MODEL, TBLK), lambda i: (0, i)),
            pl.BlockSpec(
                (D_MODEL, TBLK),
                lambda i: (0, jnp.minimum(i + NTBLK, _MAXBLK)),
            ),
        ],
        out_specs=pl.BlockSpec((TBLK, 128), lambda i: (i, 0)),
        out_shape=jax.ShapeDtypeStruct((T1_HALF, 128), jnp.float32),
    )(tt, tt)


def _build_gather():
    info = plsc.get_sparse_core_info()
    nc, ns = info.num_cores, info.num_subcores
    nw = nc * ns
    n_sblk = BATCH // 128
    ntask = (SEQ // 8) * n_sblk // nw
    mesh = plsc.VectorSubcoreMesh(core_axis_name="c", subcore_axis_name="s")

    @functools.partial(
        pl.kernel,
        mesh=mesh,
        out_type=jax.ShapeDtypeStruct(
            (SEQ, 8, BATCH // 128, 8, 128), jnp.float32
        ),
        scratch_types=[
            pltpu.VMEM((8, 128), jnp.int32),
            pltpu.VMEM((128,), jnp.int32),
            pltpu.VMEM((128,), jnp.int32),
            pltpu.VMEM((128,), jnp.int32),
            pltpu.VMEM((128,), jnp.int32),
            pltpu.VMEM((128, 128), jnp.float32),
            pltpu.VMEM((128, 128), jnp.float32),
            pltpu.VMEM((8, 8, 128), jnp.float32),
            pltpu.VMEM((8, 8, 128), jnp.float32),
            pltpu.SemaphoreType.DMA,
            pltpu.SemaphoreType.DMA,
        ],
        compiler_params=pltpu.CompilerParams(
            use_tc_tiling_on_sc=False, needs_layout_passes=False
        ),
    )
    def gkern(t1_hbm, xt_hbm, out_hbm, xtile, idx0, idx1, half0, half1,
              gdst0, gdst1, slab0, slab1, gsem, wsem):
        wid = lax.axis_index("s") * nc + lax.axis_index("c")
        iota = lax.iota(jnp.int32, 16)
        rows = tuple(iota + g * 16 for g in range(8))

        def fire(p, idxbuf, halfbuf, gdst):
            for g in range(8):
                v = xtile[p, pl.ds(g * 16, 16)]
                ge = (v >= T1_HALF).astype(jnp.int32)
                idxbuf[pl.ds(g * 16, 16)] = v - ge * T1_HALF
                halfbuf[pl.ds(g * 16, 16)] = lax.shift_left(ge, 6)
            pltpu.make_async_copy(t1_hbm.at[idxbuf], gdst, gsem).start()

        def wait(idxbuf, gdst):
            pltpu.make_async_copy(t1_hbm.at[idxbuf], gdst, gsem).wait()

        def transpose(gdst, slab, halfbuf):
            halves = tuple(halfbuf[pl.ds(g * 16, 16)] for g in range(8))

            def d_body(d0, hs):
                cvec = jnp.bitwise_and(iota + d0, 63)
                di = lax.shift_right_logical(cvec, 3)
                dr = jnp.bitwise_and(cvec, 7)
                for g in range(8):
                    vals = plsc.load_gather(gdst, [rows[g], cvec + hs[g]])
                    plsc.store_scatter(slab, [di, dr, rows[g]], vals)
                return hs

            lax.fori_loop(0, D_MODEL, d_body, halves, unroll=8)

        def start_write(slab, p0p, sb):
            pltpu.make_async_copy(
                slab, out_hbm.at[p0p, :, sb, :, :], wsem
            ).start()

        def wait_write(slab, p0p, sb):
            pltpu.make_async_copy(
                slab, out_hbm.at[p0p, :, sb, :, :], wsem
            ).wait()

        def task_body(k, carry):
            t = wid * ntask + k
            pb = t // n_sblk
            sb = t % n_sblk
            p0 = pb * 8
            s0 = sb * 128
            pltpu.sync_copy(xt_hbm.at[pl.ds(p0, 8), pl.ds(s0, 128)], xtile)
            fire(0, idx0, half0, gdst0)

            def pair_body(j, carry2):
                p = 2 * j
                wait(idx0, gdst0)
                fire(p + 1, idx1, half1, gdst1)

                @pl.when(j > 0)
                def _():
                    wait_write(slab0, p0 + p - 2, sb)

                transpose(gdst0, slab0, half0)
                start_write(slab0, p0 + p, sb)
                wait(idx1, gdst1)

                @pl.when(j < 3)
                def _():
                    fire(p + 2, idx0, half0, gdst0)

                @pl.when(j > 0)
                def _():
                    wait_write(slab1, p0 + p - 1, sb)

                transpose(gdst1, slab1, half1)
                start_write(slab1, p0 + p + 1, sb)
                return carry2

            lax.fori_loop(0, 4, pair_body, 0)
            wait_write(slab0, p0 + 6, sb)
            wait_write(slab1, p0 + 7, sb)
            return carry

        lax.fori_loop(0, ntask, task_body, 0)

    return gkern


def kernel(x, emb_table):
    tt = emb_table.T
    xt = x.T.astype(jnp.int32)
    t1 = _transpose_table(tt)
    out5 = _build_gather()(t1, xt)
    out = jnp.transpose(out5, (2, 4, 0, 1, 3))
    return out.reshape(BATCH, SEQ, D_MODEL)

# --- scband reference (transcript-rebuilt; emitter-appended) ---
"""Pipeline reference for scband-embedding-90434831385208 (READ-ONLY COPY).

The authoritative reference and input builder live on the scoring server;
editing this copy changes nothing except your own understanding.
"""

import jax, jax.numpy as jnp
import numpy as np
import math

D_MODEL = 64
VOCAB = 1000000

def setup_inputs(seed: int = 0) -> dict:
    key = jax.random.key(seed)
    k1, k2 = jax.random.split(key)
    x = jax.random.randint(k1, (4096, 200), 0, VOCAB, dtype=jnp.int64) if jax.config.jax_enable_x64 else jax.random.randint(k1, (4096, 200), 0, VOCAB, dtype=jnp.int32)
    emb_table = jax.random.normal(k2, (VOCAB, D_MODEL), dtype=jnp.float32)
    return {"x": x, "emb_table": emb_table}

def reference(x, emb_table):
    # Faithful translation: embedding lookup scaled by sqrt(d_model)
    out = jnp.take(emb_table, x, axis=0) * math.sqrt(D_MODEL)
    return out

if __name__ == "__main__":
    import jax
    _d = setup_inputs()
    print(jax.jit(kernel)(*tuple(_d.values())))

</pallas_src>

<mosaic_0001>
#map = affine_map<(d0, d1) -> (0, 0)>
#map1 = affine_map<(d0, d1) -> (0, 0, 0, 0, 0)>
module attributes {stable_mosaic.version = 14 : i64} {
  func.func @gkern(%arg0: i32, %arg1: i32, %arg2: memref<507904x128xf32, #tpu.memory_space<hbm>>, %arg3: memref<200x4096xi32, #tpu.memory_space<hbm>>, %arg4: memref<200x8x32x8x128xf32, #tpu.memory_space<hbm>>, %arg5: memref<8x128xi32, #tpu.memory_space<vmem>>, %arg6: memref<128xi32, #tpu.memory_space<vmem>>, %arg7: memref<128xi32, #tpu.memory_space<vmem>>, %arg8: memref<128xi32, #tpu.memory_space<vmem>>, %arg9: memref<128xi32, #tpu.memory_space<vmem>>, %arg10: memref<128x128xf32, #tpu.memory_space<vmem>>, %arg11: memref<128x128xf32, #tpu.memory_space<vmem>>, %arg12: memref<8x8x128xf32, #tpu.memory_space<vmem>>, %arg13: memref<8x8x128xf32, #tpu.memory_space<vmem>>, %arg14: memref<!tpu.dma_semaphore, #tpu.memory_space<semaphore_mem>>, %arg15: memref<!tpu.dma_semaphore, #tpu.memory_space<semaphore_mem>>) attributes {dimension_semantics = [#tpu.dimension_semantics<core_parallel>, #tpu.dimension_semantics<subcore_parallel>], iteration_bounds = array<i64: 2, 16>, scalar_prefetch = 0 : i64, scratch_operands = 11 : i64, tpu.core_type = #tpu.core_type<sc_vector_subcore>, window_params = [{transform_indices = #map}, {transform_indices = #map}, {transform_indices = #map1}]} {
    %mul3A = arith.constant 2 : i32
    %mul3A_0 = arith.muli %arg1, %mul3A : i32
    %add3A = arith.addi %mul3A_0, %arg0 : i32
    %iota3A = tpu.iota {dimensions = array<i32: 0>} : vector<16xi32>
    %add3A_1 = arith.constant 0 : i32
    %add3A_2 = vector.broadcast %add3A_1 : i32 to vector<16xi32>
    %add3A_3 = arith.addi %iota3A, %add3A_2 : vector<16xi32>
    %add3A_4 = arith.constant 16 : i32
    %add3A_5 = vector.broadcast %add3A_4 : i32 to vector<16xi32>
    %add3A_6 = arith.addi %iota3A, %add3A_5 : vector<16xi32>
    %add3A_7 = arith.constant 32 : i32
    %add3A_8 = vector.broadcast %add3A_7 : i32 to vector<16xi32>
    %add3A_9 = arith.addi %iota3A, %add3A_8 : vector<16xi32>
    %add3A_10 = arith.constant 48 : i32
    %add3A_11 = vector.broadcast %add3A_10 : i32 to vector<16xi32>
    %add3A_12 = arith.addi %iota3A, %add3A_11 : vector<16xi32>
    %add3A_13 = arith.constant 64 : i32
    %add3A_14 = vector.broadcast %add3A_13 : i32 to vector<16xi32>
    %add3A_15 = arith.addi %iota3A, %add3A_14 : vector<16xi32>
    %add3A_16 = arith.constant 80 : i32
    %add3A_17 = vector.broadcast %add3A_16 : i32 to vector<16xi32>
    %add3A_18 = arith.addi %iota3A, %add3A_17 : vector<16xi32>
    %add3A_19 = arith.constant 96 : i32
    %add3A_20 = vector.broadcast %add3A_19 : i32 to vector<16xi32>
    %add3A_21 = arith.addi %iota3A, %add3A_20 : vector<16xi32>
    %add3A_22 = arith.constant 112 : i32
    %add3A_23 = vector.broadcast %add3A_22 : i32 to vector<16xi32>
    %add3A_24 = arith.addi %iota3A, %add3A_23 : vector<16xi32>
    %scan3A = arith.constant 0 : i32
    %scan3A_25 = arith.constant 0 : i32
    %scan3A_26 = arith.constant 25 : i32
    %scan3A_27 = arith.addi %scan3A_25, %scan3A_26 : i32
    %scan3A_28 = arith.constant 1 : i32
    scf.for %scan3A_30 = %scan3A_25 to %scan3A_27 step %scan3A_28  : i32 {
      %mul3A_31 = arith.constant 25 : i32
      %mul3A_32 = arith.muli %add3A, %mul3A_31 : i32
      %add3A_33 = arith.addi %mul3A_32, %scan3A_30 : i32
      %jit3A = arith.constant 32 : i32
      %div3A = arith.divsi %add3A_33, %jit3A : i32
      %sign3A = arith.constant 0 : i32
      %sign3A_34 = arith.cmpi sgt, %add3A_33, %sign3A : i32
      %sign3A_35 = arith.extui %sign3A_34 : i1 to i32
      %sign3A_36 = arith.constant 0 : i32
      %sign3A_37 = arith.cmpi slt, %add3A_33, %sign3A_36 : i32
      %sign3A_38 = arith.extui %sign3A_37 : i1 to i32
      %sign3A_39 = arith.subi %sign3A_35, %sign3A_38 : i32
      %sign3A_40 = arith.constant 0 : i32
      %sign3A_41 = arith.cmpi sgt, %jit3A, %sign3A_40 : i32
      %sign3A_42 = arith.extui %sign3A_41 : i1 to i32
      %sign3A_43 = arith.constant 0 : i32
      %sign3A_44 = arith.cmpi slt, %jit3A, %sign3A_43 : i32
      %sign3A_45 = arith.extui %sign3A_44 : i1 to i32
      %sign3A_46 = arith.subi %sign3A_42, %sign3A_45 : i32
      %ne3A = arith.cmpi ne, %sign3A_39, %sign3A_46 : i32
      %rem3A = arith.remsi %add3A_33, %jit3A : i32
      %ne3A_47 = arith.constant 0 : i32
      %ne3A_48 = arith.cmpi ne, %rem3A, %ne3A_47 : i32
      %and3A = arith.andi %ne3A, %ne3A_48 : i1
      %sub3A = arith.constant 1 : i32
      %sub3A_49 = arith.subi %div3A, %sub3A : i32
      %select_n3A = arith.select %and3A, %sub3A_49, %div3A : i32
      %jit3A_50 = arith.constant 32 : i32
      %eq3A = arith.constant 0 : i32
      %eq3A_51 = arith.cmpi eq, %jit3A_50, %eq3A : i32
      %jit3A_52 = arith.constant 1 : i32
      %select_n3A_53 = arith.select %eq3A_51, %jit3A_52, %jit3A_50 : i32
      %rem3A_54 = arith.remsi %add3A_33, %select_n3A_53 : i32
      %ne3A_55 = arith.constant 0 : i32
      %ne3A_56 = arith.cmpi ne, %rem3A_54, %ne3A_55 : i32
      %lt3A = arith.constant 0 : i32
      %lt3A_57 = arith.cmpi slt, %rem3A_54, %lt3A : i32
      %lt3A_58 = arith.constant 0 : i32
      %lt3A_59 = arith.cmpi slt, %select_n3A_53, %lt3A_58 : i32
      %ne3A_60 = arith.xori %lt3A_57, %lt3A_59 : i1
      %and3A_61 = arith.andi %ne3A_60, %ne3A_56 : i1
      %add3A_62 = arith.addi %rem3A_54, %select_n3A_53 : i32
      %select_n3A_63 = arith.select %and3A_61, %add3A_62, %rem3A_54 : i32
      %mul3A_64 = arith.constant 8 : i32
      %mul3A_65 = arith.muli %select_n3A, %mul3A_64 : i32
      %mul3A_66 = arith.constant 128 : i32
      %mul3A_67 = arith.muli %select_n3A_63, %mul3A_66 : i32
      "tpu.region"() ({
        %run_scoped3A = tpu.sem_alloc : memref<!tpu.dma_semaphore, #tpu.memory_space<semaphore_mem>>
        %dma_start3A_246 = tpu.memref_slice %arg3[%mul3A_65, %mul3A_67] : memref<200x4096xi32, #tpu.memory_space<hbm>> -> memref<8x128xi32, #tpu.memory_space<hbm>>
        %dma_start3A_247 = tpu.memref_slice %arg3[%mul3A_65, %mul3A_67] : memref<200x4096xi32, #tpu.memory_space<hbm>> -> memref<8x128xi32, #tpu.memory_space<hbm>>
        tpu.enqueue_dma source(%dma_start3A_247 : memref<8x128xi32, #tpu.memory_space<hbm>>) target(%arg5 : memref<8x128xi32, #tpu.memory_space<vmem>>) target_semaphore(%run_scoped3A : memref<!tpu.dma_semaphore, #tpu.memory_space<semaphore_mem>>)
        %dma_wait3A_248 = tpu.memref_slice %arg3[%mul3A_65, %mul3A_67] : memref<200x4096xi32, #tpu.memory_space<hbm>> -> memref<8x128xi32, #tpu.memory_space<hbm>>
        %dma_wait3A_249 = tpu.memref_slice %arg3[%mul3A_65, %mul3A_67] : memref<200x4096xi32, #tpu.memory_space<hbm>> -> memref<8x128xi32, #tpu.memory_space<hbm>>
        tpu.wait_dma2 semaphore(%run_scoped3A : memref<!tpu.dma_semaphore, #tpu.memory_space<semaphore_mem>>) src(%dma_wait3A_249 : memref<8x128xi32, #tpu.memory_space<hbm>>) dst(%arg5 : memref<8x128xi32, #tpu.memory_space<vmem>>)
        tpu.yield
      }) : () -> ()
      %get3A = arith.constant 0 : i32
      %get3A_68 = arith.index_cast %get3A : i32 to index
      %get3A_69 = arith.constant 0 : index
      %get3A_70 = tpu.vector_load %arg5[%get3A_68, %get3A_69] {strides = array<i32>} : memref<8x128xi32, #tpu.memory_space<vmem>>, vector<16xi32>,
      %ge3A = arith.constant 507904 : i32
      %ge3A_71 = vector.broadcast %ge3A : i32 to vector<16xi32>
      %ge3A_72 = arith.cmpi sge, %get3A_70, %ge3A_71 : vector<16xi32>
      %convert_element_type3A = arith.extui %ge3A_72 : vector<16xi1> to vector<16xi32>
      %mul3A_73 = arith.constant 507904 : i32
      %mul3A_74 = vector.broadcast %mul3A_73 : i32 to vector<16xi32>
      %mul3A_75 = arith.muli %convert_element_type3A, %mul3A_74 : vector<16xi32>
      %sub3A_76 = arith.subi %get3A_70, %mul3A_75 : vector<16xi32>
      %swap3A = arith.constant 0 : index
      %swap3A_77 = tpu.vector_load %arg6[%swap3A] {strides = array<i32>} : memref<128xi32, #tpu.memory_space<vmem>>, vector<16xi32>,
      tpu.vector_store %arg6[%swap3A], %sub3A_76 {strides = array<i32>} : memref<128xi32, #tpu.memory_space<vmem>>, vector<16xi32>,
      %shift_left3A = arith.constant 6 : i32
      %shift_left3A_78 = vector.broadcast %shift_left3A : i32 to vector<16xi32>
      %shift_left3A_79 = arith.shli %convert_element_type3A, %shift_left3A_78 : vector<16xi32>
      %swap3A_80 = arith.constant 0 : index
      %swap3A_81 = tpu.vector_load %arg8[%swap3A_80] {strides = array<i32>} : memref<128xi32, #tpu.memory_space<vmem>>, vector<16xi32>,
      tpu.vector_store %arg8[%swap3A_80], %shift_left3A_79 {strides = array<i32>} : memref<128xi32, #tpu.memory_space<vmem>>, vector<16xi32>,
      %get3A_82 = arith.constant 0 : i32
      %get3A_83 = arith.index_cast %get3A_82 : i32 to index
      %get3A_84 = arith.constant 16 : index
      %get3A_85 = tpu.vector_load %arg5[%get3A_83, %get3A_84] {strides = array<i32>} : memref<8x128xi32, #tpu.memory_space<vmem>>, vector<16xi32>,
      %ge3A_86 = arith.constant 507904 : i32
      %ge3A_87 = vector.broadcast %ge3A_86 : i32 to vector<16xi32>
      %ge3A_88 = arith.cmpi sge, %get3A_85, %ge3A_87 : vector<16xi32>
      %convert_element_type3A_89 = arith.extui %ge3A_88 : vector<16xi1> to vector<16xi32>
      %mul3A_90 = arith.constant 507904 : i32
      %mul3A_91 = vector.broadcast %mul3A_90 : i32 to vector<16xi32>
      %mul3A_92 = arith.muli %convert_element_type3A_89, %mul3A_91 : vector<16xi32>
      %sub3A_93 = arith.subi %get3A_85, %mul3A_92 : vector<16xi32>
      %swap3A_94 = arith.constant 16 : index
      %swap3A_95 = tpu.vector_load %arg6[%swap3A_94] {strides = array<i32>} : memref<128xi32, #tpu.memory_space<vmem>>, vector<16xi32>,
      tpu.vector_store %arg6[%swap3A_94], %sub3A_93 {strides = array<i32>} : memref<128xi32, #tpu.memory_space<vmem>>, vector<16xi32>,
      %shift_left3A_96 = arith.constant 6 : i32
      %shift_left3A_97 = vector.broadcast %shift_left3A_96 : i32 to vector<16xi32>
      %shift_left3A_98 = arith.shli %convert_element_type3A_89, %shift_left3A_97 : vector<16xi32>
      %swap3A_99 = arith.constant 16 : index
      %swap3A_100 = tpu.vector_load %arg8[%swap3A_99] {strides = array<i32>} : memref<128xi32, #tpu.memory_space<vmem>>, vector<16xi32>,
      tpu.vector_store %arg8[%swap3A_99], %shift_left3A_98 {strides = array<i32>} : memref<128xi32, #tpu.memory_space<vmem>>, vector<16xi32>,
      %get3A_101 = arith.constant 0 : i32
      %get3A_102 = arith.index_cast %get3A_101 : i32 to index
      %get3A_103 = arith.constant 32 : index
      %get3A_104 = tpu.vector_load %arg5[%get3A_102, %get3A_103] {strides = array<i32>} : memref<8x128xi32, #tpu.memory_space<vmem>>, vector<16xi32>,
      %ge3A_105 = arith.constant 507904 : i32
      %ge3A_106 = vector.broadcast %ge3A_105 : i32 to vector<16xi32>
      %ge3A_107 = arith.cmpi sge, %get3A_104, %ge3A_106 : vector<16xi32>
      %convert_element_type3A_108 = arith.extui %ge3A_107 : vector<16xi1> to vector<16xi32>
      %mul3A_109 = arith.constant 507904 : i32
      %mul3A_110 = vector.broadcast %mul3A_109 : i32 to vector<16xi32>
      %mul3A_111 = arith.muli %convert_element_type3A_108, %mul3A_110 : vector<16xi32>
      %sub3A_112 = arith.subi %get3A_104, %mul3A_111 : vector<16xi32>
      %swap3A_113 = arith.constant 32 : index
      %swap3A_114 = tpu.vector_load %arg6[%swap3A_113] {strides = array<i32>} : memref<128xi32, #tpu.memory_space<vmem>>, vector<16xi32>,
      tpu.vector_store %arg6[%swap3A_113], %sub3A_112 {strides = array<i32>} : memref<128xi32, #tpu.memory_space<vmem>>, vector<16xi32>,
      %shift_left3A_115 = arith.constant 6 : i32
      %shift_left3A_116 = vector.broadcast %shift_left3A_115 : i32 to vector<16xi32>
      %shift_left3A_117 = arith.shli %convert_element_type3A_108, %shift_left3A_116 : vector<16xi32>
      %swap3A_118 = arith.constant 32 : index
      %swap3A_119 = tpu.vector_load %arg8[%swap3A_118] {strides = array<i32>} : memref<128xi32, #tpu.memory_space<vmem>>, vector<16xi32>,
      tpu.vector_store %arg8[%swap3A_118], %shift_left3A_117 {strides = array<i32>} : memref<128xi32, #tpu.memory_space<vmem>>, vector<16xi32>,
      %get3A_120 = arith.constant 0 : i32
      %get3A_121 = arith.index_cast %get3A_120 : i32 to index
      %get3A_122 = arith.constant 48 : index
      %get3A_123 = tpu.vector_load %arg5[%get3A_121, %get3A_122] {strides = array<i32>} : memref<8x128xi32, #tpu.memory_space<vmem>>, vector<16xi32>,
      %ge3A_124 = arith.constant 507904 : i32
      %ge3A_125 = vector.broadcast %ge3A_124 : i32 to vector<16xi32>
      %ge3A_126 = arith.cmpi sge, %get3A_123, %ge3A_125 : vector<16xi32>
      %convert_element_type3A_127 = arith.extui %ge3A_126 : vector<16xi1> to vector<16xi32>
      %mul3A_128 = arith.constant 507904 : i32
      %mul3A_129 = vector.broadcast %mul3A_128 : i32 to vector<16xi32>
      %mul3A_130 = arith.muli %convert_element_type3A_127, %mul3A_129 : vector<16xi32>
      %sub3A_131 = arith.subi %get3A_123, %mul3A_130 : vector<16xi32>
      %swap3A_132 = arith.constant 48 : index
      %swap3A_133 = tpu.vector_load %arg6[%swap3A_132] {strides = array<i32>} : memref<128xi32, #tpu.memory_space<vmem>>, vector<16xi32>,
      tpu.vector_store %arg6[%swap3A_132], %sub3A_131 {strides = array<i32>} : memref<128xi32, #tpu.memory_space<vmem>>, vector<16xi32>,
      %shift_left3A_134 = arith.constant 6 : i32
      %shift_left3A_135 = vector.broadcast %shift_left3A_134 : i32 to vector<16xi32>
      %shift_left3A_136 = arith.shli %convert_element_type3A_127, %shift_left3A_135 : vector<16xi32>
      %swap3A_137 = arith.constant 48 : index
      %swap3A_138 = tpu.vector_load %arg8[%swap3A_137] {strides = array<i32>} : memref<128xi32, #tpu.memory_space<vmem>>, vector<16xi32>,
      tpu.vector_store %arg8[%swap3A_137], %shift_left3A_136 {strides = array<i32>} : memref<128xi32, #tpu.memory_space<vmem>>, vector<16xi32>,
      %get3A_139 = arith.constant 0 : i32
      %get3A_140 = arith.index_cast %get3A_139 : i32 to index
      %get3A_141 = arith.constant 64 : index
      %get3A_142 = tpu.vector_load %arg5[%get3A_140, %get3A_141] {strides = array<i32>} : memref<8x128xi32, #tpu.memory_space<vmem>>, vector<16xi32>,
      %ge3A_143 = arith.constant 507904 : i32
      %ge3A_144 = vector.broadcast %ge3A_143 : i32 to vector<16xi32>
      %ge3A_145 = arith.cmpi sge, %get3A_142, %ge3A_144 : vector<16xi32>
      %convert_element_type3A_146 = arith.extui %ge3A_145 : vector<16xi1> to vector<16xi32>
      %mul3A_147 = arith.constant 507904 : i32
      %mul3A_148 = vector.broadcast %mul3A_147 : i32 to vector<16xi32>
      %mul3A_149 = arith.muli %convert_element_type3A_146, %mul3A_148 : vector<16xi32>
      %sub3A_150 = arith.subi %get3A_142, %mul3A_149 : vector<16xi32>
      %swap3A_151 = arith.constant 64 : index
      %swap3A_152 = tpu.vector_load %arg6[%swap3A_151] {strides = array<i32>} : memref<128xi32, #tpu.memory_space<vmem>>, vector<16xi32>,
      tpu.vector_store %arg6[%swap3A_151], %sub3A_150 {strides = array<i32>} : memref<128xi32, #tpu.memory_space<vmem>>, vector<16xi32>,
      %shift_left3A_153 = arith.constant 6 : i32
      %shift_left3A_154 = vector.broadcast %shift_left3A_153 : i32 to vector<16xi32>
      %shift_left3A_155 = arith.shli %convert_element_type3A_146, %shift_left3A_154 : vector<16xi32>
      %swap3A_156 = arith.constant 64 : index
      %swap3A_157 = tpu.vector_load %arg8[%swap3A_156] {strides = array<i32>} : memref<128xi32, #tpu.memory_space<vmem>>, vector<16xi32>,
      tpu.vector_store %arg8[%swap3A_156], %shift_left3A_155 {strides = array<i32>} : memref<128xi32, #tpu.memory_space<vmem>>, vector<16xi32>,
      %get3A_158 = arith.constant 0 : i32
      %get3A_159 = arith.index_cast %get3A_158 : i32 to index
      %get3A_160 = arith.constant 80 : index
      %get3A_161 = tpu.vector_load %arg5[%get3A_159, %get3A_160] {strides = array<i32>} : memref<8x128xi32, #tpu.memory_space<vmem>>, vector<16xi32>,
      %ge3A_162 = arith.constant 507904 : i32
      %ge3A_163 = vector.broadcast %ge3A_162 : i32 to vector<16xi32>
      %ge3A_164 = arith.cmpi sge, %get3A_161, %ge3A_163 : vector<16xi32>
      %convert_element_type3A_165 = arith.extui %ge3A_164 : vector<16xi1> to vector<16xi32>
      %mul3A_166 = arith.constant 507904 : i32
      %mul3A_167 = vector.broadcast %mul3A_166 : i32 to vector<16xi32>
      %mul3A_168 = arith.muli %convert_element_type3A_165, %mul3A_167 : vector<16xi32>
      %sub3A_169 = arith.subi %get3A_161, %mul3A_168 : vector<16xi32>
      %swap3A_170 = arith.constant 80 : index
      %swap3A_171 = tpu.vector_load %arg6[%swap3A_170] {strides = array<i32>} : memref<128xi32, #tpu.memory_space<vmem>>, vector<16xi32>,
      tpu.vector_store %arg6[%swap3A_170], %sub3A_169 {strides = array<i32>} : memref<128xi32, #tpu.memory_space<vmem>>, vector<16xi32>,
      %shift_left3A_172 = arith.constant 6 : i32
      %shift_left3A_173 = vector.broadcast %shift_left3A_172 : i32 to vector<16xi32>
      %shift_left3A_174 = arith.shli %convert_element_type3A_165, %shift_left3A_173 : vector<16xi32>
      %swap3A_175 = arith.constant 80 : index
      %swap3A_176 = tpu.vector_load %arg8[%swap3A_175] {strides = array<i32>} : memref<128xi32, #tpu.memory_space<vmem>>, vector<16xi32>,
      tpu.vector_store %arg8[%swap3A_175], %shift_left3A_174 {strides = array<i32>} : memref<128xi32, #tpu.memory_space<vmem>>, vector<16xi32>,
      %get3A_177 = arith.constant 0 : i32
      %get3A_178 = arith.index_cast %get3A_177 : i32 to index
      %get3A_179 = arith.constant 96 : index
      %get3A_180 = tpu.vector_load %arg5[%get3A_178, %get3A_179] {strides = array<i32>} : memref<8x128xi32, #tpu.memory_space<vmem>>, vector<16xi32>,
      %ge3A_181 = arith.constant 507904 : i32
      %ge3A_182 = vector.broadcast %ge3A_181 : i32 to vector<16xi32>
      %ge3A_183 = arith.cmpi sge, %get3A_180, %ge3A_182 : vector<16xi32>
      %convert_element_type3A_184 = arith.extui %ge3A_183 : vector<16xi1> to vector<16xi32>
      %mul3A_185 = arith.constant 507904 : i32
      %mul3A_186 = vector.broadcast %mul3A_185 : i32 to vector<16xi32>
      %mul3A_187 = arith.muli %convert_element_type3A_184, %mul3A_186 : vector<16xi32>
      %sub3A_188 = arith.subi %get3A_180, %mul3A_187 : vector<16xi32>
      %swap3A_189 = arith.constant 96 : index
      %swap3A_190 = tpu.vector_load %arg6[%swap3A_189] {strides = array<i32>} : memref<128xi32, #tpu.memory_space<vmem>>, vector<16xi32>,
      tpu.vector_store %arg6[%swap3A_189], %sub3A_188 {strides = array<i32>} : memref<128xi32, #tpu.memory_space<vmem>>, vector<16xi32>,
      %shift_left3A_191 = arith.constant 6 : i32
      %shift_left3A_192 = vector.broadcast %shift_left3A_191 : i32 to vector<16xi32>
      %shift_left3A_193 = arith.shli %convert_element_type3A_184, %shift_left3A_192 : vector<16xi32>
      %swap3A_194 = arith.constant 96 : index
      %swap3A_195 = tpu.vector_load %arg8[%swap3A_194] {strides = array<i32>} : memref<128xi32, #tpu.memory_space<vmem>>, vector<16xi32>,
      tpu.vector_store %arg8[%swap3A_194], %shift_left3A_193 {strides = array<i32>} : memref<128xi32, #tpu.memory_space<vmem>>, vector<16xi32>,
      %get3A_196 = arith.constant 0 : i32
      %get3A_197 = arith.index_cast %get3A_196 : i32 to index
      %get3A_198 = arith.constant 112 : index
      %get3A_199 = tpu.vector_load %arg5[%get3A_197, %get3A_198] {strides = array<i32>} : memref<8x128xi32, #tpu.memory_space<vmem>>, vector<16xi32>,
      %ge3A_200 = arith.constant 507904 : i32
      %ge3A_201 = vector.broadcast %ge3A_200 : i32 to vector<16xi32>
      %ge3A_202 = arith.cmpi sge, %get3A_199, %ge3A_201 : vector<16xi32>
      %convert_element_type3A_203 = arith.extui %ge3A_202 : vector<16xi1> to vector<16xi32>
      %mul3A_204 = arith.constant 507904 : i32
      %mul3A_205 = vector.broadcast %mul3A_204 : i32 to vector<16xi32>
      %mul3A_206 = arith.muli %convert_element_type3A_203, %mul3A_205 : vector<16xi32>
      %sub3A_207 = arith.subi %get3A_199, %mul3A_206 : vector<16xi32>
      %swap3A_208 = arith.constant 112 : index
      %swap3A_209 = tpu.vector_load %arg6[%swap3A_208] {strides = array<i32>} : memref<128xi32, #tpu.memory_space<vmem>>, vector<16xi32>,
      tpu.vector_store %arg6[%swap3A_208], %sub3A_207 {strides = array<i32>} : memref<128xi32, #tpu.memory_space<vmem>>, vector<16xi32>,
      %shift_left3A_210 = arith.constant 6 : i32
      %shift_left3A_211 = vector.broadcast %shift_left3A_210 : i32 to vector<16xi32>
      %shift_left3A_212 = arith.shli %convert_element_type3A_203, %shift_left3A_211 : vector<16xi32>
      %swap3A_213 = arith.constant 112 : index
      %swap3A_214 = tpu.vector_load %arg8[%swap3A_213] {strides = array<i32>} : memref<128xi32, #tpu.memory_space<vmem>>, vector<16xi32>,
      tpu.vector_store %arg8[%swap3A_213], %shift_left3A_212 {strides = array<i32>} : memref<128xi32, #tpu.memory_space<vmem>>, vector<16xi32>,
      %dma_start3A = arith.constant 0 : i32
      %dma_start3A_215 = arith.constant 0 : i32
      %dma_start3A_216 = tpu.memref_slice %arg2[%dma_start3A, %dma_start3A_215] : memref<507904x128xf32, #tpu.memory_space<hbm>> -> memref<507904x128xf32, #tpu.memory_space<hbm>>
      tpu.enqueue_indirect_dma source(%dma_start3A_216 : memref<507904x128xf32, #tpu.memory_space<hbm>>) target(%arg10 : memref<128x128xf32, #tpu.memory_space<vmem>>) offsets(%arg6 : memref<128xi32, #tpu.memory_space<vmem>>) semaphore(%arg14 : memref<!tpu.dma_semaphore, #tpu.memory_space<semaphore_mem>>)
      %scan3A_217 = arith.constant 0 : i32
      %scan3A_218 = arith.constant 0 : i32
      %scan3A_219 = arith.constant 4 : i32
      %scan3A_220 = arith.addi %scan3A_218, %scan3A_219 : i32
      %scan3A_221 = arith.constant 1 : i32
      scf.for %scan3A_246 = %scan3A_218 to %scan3A_220 step %scan3A_221  : i32 {
        %mul3A_247 = arith.constant 2 : i32
        %mul3A_248 = arith.muli %mul3A_247, %scan3A_246 : i32
        %dma_wait3A_249 = arith.constant 0 : i32
        %dma_wait3A_250 = arith.constant 0 : i32
        %dma_wait3A_251 = tpu.memref_slice %arg2[%dma_wait3A_249, %dma_wait3A_250] : memref<507904x128xf32, #tpu.memory_space<hbm>> -> memref<507904x128xf32, #tpu.memory_space<hbm>>
        tpu.wait_indirect_dma semaphore(%arg14 : memref<!tpu.dma_semaphore, #tpu.memory_space<semaphore_mem>>) src(%dma_wait3A_251 : memref<507904x128xf32, #tpu.memory_space<hbm>>) dst(%arg10 : memref<128x128xf32, #tpu.memory_space<vmem>>)
        %add3A_252 = arith.constant 1 : i32
        %add3A_253 = arith.addi %mul3A_248, %add3A_252 : i32
        %get3A_254 = arith.index_cast %add3A_253 : i32 to index
        %get3A_255 = arith.constant 0 : index
        %get3A_256 = tpu.vector_load %arg5[%get3A_254, %get3A_255] {strides = array<i32>} : memref<8x128xi32, #tpu.memory_space<vmem>>, vector<16xi32>,
        %ge3A_257 = arith.constant 507904 : i32
        %ge3A_258 = vector.broadcast %ge3A_257 : i32 to vector<16xi32>
        %ge3A_259 = arith.cmpi sge, %get3A_256, %ge3A_258 : vector<16xi32>
        %convert_element_type3A_260 = arith.extui %ge3A_259 : vector<16xi1> to vector<16xi32>
        %mul3A_261 = arith.constant 507904 : i32
        %mul3A_262 = vector.broadcast %mul3A_261 : i32 to vector<16xi32>
        %mul3A_263 = arith.muli %convert_element_type3A_260, %mul3A_262 : vector<16xi32>
        %sub3A_264 = arith.subi %get3A_256, %mul3A_263 : vector<16xi32>
        %swap3A_265 = arith.constant 0 : index
        %swap3A_266 = tpu.vector_load %arg7[%swap3A_265] {strides = array<i32>} : memref<128xi32, #tpu.memory_space<vmem>>, vector<16xi32>,
        tpu.vector_store %arg7[%swap3A_265], %sub3A_264 {strides = array<i32>} : memref<128xi32, #tpu.memory_space<vmem>>, vector<16xi32>,
        %shift_left3A_267 = arith.constant 6 : i32
        %shift_left3A_268 = vector.broadcast %shift_left3A_267 : i32 to vector<16xi32>
        %shift_left3A_269 = arith.shli %convert_element_type3A_260, %shift_left3A_268 : vector<16xi32>
        %swap3A_270 = arith.constant 0 : index
        %swap3A_271 = tpu.vector_load %arg9[%swap3A_270] {strides = array<i32>} : memref<128xi32, #tpu.memory_space<vmem>>, vector<16xi32>,
        tpu.vector_store %arg9[%swap3A_270], %shift_left3A_269 {strides = array<i32>} : memref<128xi32, #tpu.memory_space<vmem>>, vector<16xi32>,
        %get3A_272 = arith.index_cast %add3A_253 : i32 to index
        %get3A_273 = arith.constant 16 : index
        %get3A_274 = tpu.vector_load %arg5[%get3A_272, %get3A_273] {strides = array<i32>} : memref<8x128xi32, #tpu.memory_space<vmem>>, vector<16xi32>,
        %ge3A_275 = arith.constant 507904 : i32
        %ge3A_276 = vector.broadcast %ge3A_275 : i32 to vector<16xi32>
        %ge3A_277 = arith.cmpi sge, %get3A_274, %ge3A_276 : vector<16xi32>
        %convert_element_type3A_278 = arith.extui %ge3A_277 : vector<16xi1> to vector<16xi32>
        %mul3A_279 = arith.constant 507904 : i32
        %mul3A_280 = vector.broadcast %mul3A_279 : i32 to vector<16xi32>
        %mul3A_281 = arith.muli %convert_element_type3A_278, %mul3A_280 : vector<16xi32>
        %sub3A_282 = arith.subi %get3A_274, %mul3A_281 : vector<16xi32>
        %swap3A_283 = arith.constant 16 : index
        %swap3A_284 = tpu.vector_load %arg7[%swap3A_283] {strides = array<i32>} : memref<128xi32, #tpu.memory_space<vmem>>, vector<16xi32>,
        tpu.vector_store %arg7[%swap3A_283], %sub3A_282 {strides = array<i32>} : memref<128xi32, #tpu.memory_space<vmem>>, vector<16xi32>,
        %shift_left3A_285 = arith.constant 6 : i32
        %shift_left3A_286 = vector.broadcast %shift_left3A_285 : i32 to vector<16xi32>
        %shift_left3A_287 = arith.shli %convert_element_type3A_278, %shift_left3A_286 : vector<16xi32>
        %swap3A_288 = arith.constant 16 : index
        %swap3A_289 = tpu.vector_load %arg9[%swap3A_288] {strides = array<i32>} : memref<128xi32, #tpu.memory_space<vmem>>, vector<16xi32>,
        tpu.vector_store %arg9[%swap3A_288], %shift_left3A_287 {strides = array<i32>} : memref<128xi32, #tpu.memory_space<vmem>>, vector<16xi32>,
        %get3A_290 = arith.index_cast %add3A_253 : i32 to index
        %get3A_291 = arith.constant 32 : index
        %get3A_292 = tpu.vector_load %arg5[%get3A_290, %get3A_291] {strides = array<i32>} : memref<8x128xi32, #tpu.memory_space<vmem>>, vector<16xi32>,
        %ge3A_293 = arith.constant 507904 : i32
        %ge3A_294 = vector.broadcast %ge3A_293 : i32 to vector<16xi32>
        %ge3A_295 = arith.cmpi sge, %get3A_292, %ge3A_294 : vector<16xi32>
        %convert_element_type3A_296 = arith.extui %ge3A_295 : vector<16xi1> to vector<16xi32>
        %mul3A_297 = arith.constant 507904 : i32
        %mul3A_298 = vector.broadcast %mul3A_297 : i32 to vector<16xi32>
        %mul3A_299 = arith.muli %convert_element_type3A_296, %mul3A_298 : vector<16xi32>
        %sub3A_300 = arith.subi %get3A_292, %mul3A_299 : vector<16xi32>
        %swap3A_301 = arith.constant 32 : index
        %swap3A_302 = tpu.vector_load %arg7[%swap3A_301] {strides = array<i32>} : memref<128xi32, #tpu.memory_space<vmem>>, vector<16xi32>,
        tpu.vector_store %arg7[%swap3A_301], %sub3A_300 {strides = array<i32>} : memref<128xi32, #tpu.memory_space<vmem>>, vector<16xi32>,
        %shift_left3A_303 = arith.constant 6 : i32
        %shift_left3A_304 = vector.broadcast %shift_left3A_303 : i32 to vector<16xi32>
        %shift_left3A_305 = arith.shli %convert_element_type3A_296, %shift_left3A_304 : vector<16xi32>
        %swap3A_306 = arith.constant 32 : index
        %swap3A_307 = tpu.vector_load %arg9[%swap3A_306] {strides = array<i32>} : memref<128xi32, #tpu.memory_space<vmem>>, vector<16xi32>,
        tpu.vector_store %arg9[%swap3A_306], %shift_left3A_305 {strides = array<i32>} : memref<128xi32, #tpu.memory_space<vmem>>, vector<16xi32>,
        %get3A_308 = arith.index_cast %add3A_253 : i32 to index
        %get3A_309 = arith.constant 48 : index
        %get3A_310 = tpu.vector_load %arg5[%get3A_308, %get3A_309] {strides = array<i32>} : memref<8x128xi32, #tpu.memory_space<vmem>>, vector<16xi32>,
        %ge3A_311 = arith.constant 507904 : i32
        %ge3A_312 = vector.broadcast %ge3A_311 : i32 to vector<16xi32>
        %ge3A_313 = arith.cmpi sge, %get3A_310, %ge3A_312 : vector<16xi32>
        %convert_element_type3A_314 = arith.extui %ge3A_313 : vector<16xi1> to vector<16xi32>
        %mul3A_315 = arith.constant 507904 : i32
        %mul3A_316 = vector.broadcast %mul3A_315 : i32 to vector<16xi32>
        %mul3A_317 = arith.muli %convert_element_type3A_314, %mul3A_316 : vector<16xi32>
        %sub3A_318 = arith.subi %get3A_310, %mul3A_317 : vector<16xi32>
        %swap3A_319 = arith.constant 48 : index
        %swap3A_320 = tpu.vector_load %arg7[%swap3A_319] {strides = array<i32>} : memref<128xi32, #tpu.memory_space<vmem>>, vector<16xi32>,
        tpu.vector_store %arg7[%swap3A_319], %sub3A_318 {strides = array<i32>} : memref<128xi32, #tpu.memory_space<vmem>>, vector<16xi32>,
        %shift_left3A_321 = arith.constant 6 : i32
        %shift_left3A_322 = vector.broadcast %shift_left3A_321 : i32 to vector<16xi32>
        %shift_left3A_323 = arith.shli %convert_element_type3A_314, %shift_left3A_322 : vector<16xi32>
        %swap3A_324 = arith.constant 48 : index
        %swap3A_325 = tpu.vector_load %arg9[%swap3A_324] {strides = array<i32>} : memref<128xi32, #tpu.memory_space<vmem>>, vector<16xi32>,
        tpu.vector_store %arg9[%swap3A_324], %shift_left3A_323 {strides = array<i32>} : memref<128xi32, #tpu.memory_space<vmem>>, vector<16xi32>,
        %get3A_326 = arith.index_cast %add3A_253 : i32 to index
        %get3A_327 = arith.constant 64 : index
        %get3A_328 = tpu.vector_load %arg5[%get3A_326, %get3A_327] {strides = array<i32>} : memref<8x128xi32, #tpu.memory_space<vmem>>, vector<16xi32>,
        %ge3A_329 = arith.constant 507904 : i32
        %ge3A_330 = vector.broadcast %ge3A_329 : i32 to vector<16xi32>
        %ge3A_331 = arith.cmpi sge, %get3A_328, %ge3A_330 : vector<16xi32>
        %convert_element_type3A_332 = arith.extui %ge3A_331 : vector<16xi1> to vector<16xi32>
        %mul3A_333 = arith.constant 507904 : i32
        %mul3A_334 = vector.broadcast %mul3A_333 : i32 to vector<16xi32>
        %mul3A_335 = arith.muli %convert_element_type3A_332, %mul3A_334 : vector<16xi32>
        %sub3A_336 = arith.subi %get3A_328, %mul3A_335 : vector<16xi32>
        %swap3A_337 = arith.constant 64 : index
        %swap3A_338 = tpu.vector_load %arg7[%swap3A_337] {strides = array<i32>} : memref<128xi32, #tpu.memory_space<vmem>>, vector<16xi32>,
        tpu.vector_store %arg7[%swap3A_337], %sub3A_336 {strides = array<i32>} : memref<128xi32, #tpu.memory_space<vmem>>, vector<16xi32>,
        %shift_left3A_339 = arith.constant 6 : i32
        %shift_left3A_340 = vector.broadcast %shift_left3A_339 : i32 to vector<16xi32>
        %shift_left3A_341 = arith.shli %convert_element_type3A_332, %shift_left3A_340 : vector<16xi32>
        %swap3A_342 = arith.constant 64 : index
        %swap3A_343 = tpu.vector_load %arg9[%swap3A_342] {strides = array<i32>} : memref<128xi32, #tpu.memory_space<vmem>>, vector<16xi32>,
        tpu.vector_store %arg9[%swap3A_342], %shift_left3A_341 {strides = array<i32>} : memref<128xi32, #tpu.memory_space<vmem>>, vector<16xi32>,
        %get3A_344 = arith.index_cast %add3A_253 : i32 to index
        %get3A_345 = arith.constant 80 : index
        %get3A_346 = tpu.vector_load %arg5[%get3A_344, %get3A_345] {strides = array<i32>} : memref<8x128xi32, #tpu.memory_space<vmem>>, vector<16xi32>,
        %ge3A_347 = arith.constant 507904 : i32
        %ge3A_348 = vector.broadcast %ge3A_347 : i32 to vector<16xi32>
        %ge3A_349 = arith.cmpi sge, %get3A_346, %ge3A_348 : vector<16xi32>
        %convert_element_type3A_350 = arith.extui %ge3A_349 : vector<16xi1> to vector<16xi32>
        %mul3A_351 = arith.constant 507904 : i32
        %mul3A_352 = vector.broadcast %mul3A_351 : i32 to vector<16xi32>
        %mul3A_353 = arith.muli %convert_element_type3A_350, %mul3A_352 : vector<16xi32>
        %sub3A_354 = arith.subi %get3A_346, %mul3A_353 : vector<16xi32>
        %swap3A_355 = arith.constant 80 : index
        %swap3A_356 = tpu.vector_load %arg7[%swap3A_355] {strides = array<i32>} : memref<128xi32, #tpu.memory_space<vmem>>, vector<16xi32>,
        tpu.vector_store %arg7[%swap3A_355], %sub3A_354 {strides = array<i32>} : memref<128xi32, #tpu.memory_space<vmem>>, vector<16xi32>,
        %shift_left3A_357 = arith.constant 6 : i32
        %shift_left3A_358 = vector.broadcast %shift_left3A_357 : i32 to vector<16xi32>
        %shift_left3A_359 = arith.shli %convert_element_type3A_350, %shift_left3A_358 : vector<16xi32>
        %swap3A_360 = arith.constant 80 : index
        %swap3A_361 = tpu.vector_load %arg9[%swap3A_360] {strides = array<i32>} : memref<128xi32, #tpu.memory_space<vmem>>, vector<16xi32>,
        tpu.vector_store %arg9[%swap3A_360], %shift_left3A_359 {strides = array<i32>} : memref<128xi32, #tpu.memory_space<vmem>>, vector<16xi32>,
        %get3A_362 = arith.index_cast %add3A_253 : i32 to index
        %get3A_363 = arith.constant 96 : index
        %get3A_364 = tpu.vector_load %arg5[%get3A_362, %get3A_363] {strides = array<i32>} : memref<8x128xi32, #tpu.memory_space<vmem>>, vector<16xi32>,
        %ge3A_365 = arith.constant 507904 : i32
        %ge3A_366 = vector.broadcast %ge3A_365 : i32 to vector<16xi32>
        %ge3A_367 = arith.cmpi sge, %get3A_364, %ge3A_366 : vector<16xi32>
        %convert_element_type3A_368 = arith.extui %ge3A_367 : vector<16xi1> to vector<16xi32>
        %mul3A_369 = arith.constant 507904 : i32
        %mul3A_370 = vector.broadcast %mul3A_369 : i32 to vector<16xi32>
        %mul3A_371 = arith.muli %convert_element_type3A_368, %mul3A_370 : vector<16xi32>
        %sub3A_372 = arith.subi %get3A_364, %mul3A_371 : vector<16xi32>
        %swap3A_373 = arith.constant 96 : index
        %swap3A_374 = tpu.vector_load %arg7[%swap3A_373] {strides = array<i32>} : memref<128xi32, #tpu.memory_space<vmem>>, vector<16xi32>,
        tpu.vector_store %arg7[%swap3A_373], %sub3A_372 {strides = array<i32>} : memref<128xi32, #tpu.memory_space<vmem>>, vector<16xi32>,
        %shift_left3A_375 = arith.constant 6 : i32
        %shift_left3A_376 = vector.broadcast %shift_left3A_375 : i32 to vector<16xi32>
        %shift_left3A_377 = arith.shli %convert_element_type3A_368, %shift_left3A_376 : vector<16xi32>
        %swap3A_378 = arith.constant 96 : index
        %swap3A_379 = tpu.vector_load %arg9[%swap3A_378] {strides = array<i32>} : memref<128xi32, #tpu.memory_space<vmem>>, vector<16xi32>,
        tpu.vector_store %arg9[%swap3A_378], %shift_left3A_377 {strides = array<i32>} : memref<128xi32, #tpu.memory_space<vmem>>, vector<16xi32>,
        %get3A_380 = arith.index_cast %add3A_253 : i32 to index
        %get3A_381 = arith.constant 112 : index
        %get3A_382 = tpu.vector_load %arg5[%get3A_380, %get3A_381] {strides = array<i32>} : memref<8x128xi32, #tpu.memory_space<vmem>>, vector<16xi32>,
        %ge3A_383 = arith.constant 507904 : i32
        %ge3A_384 = vector.broadcast %ge3A_383 : i32 to vector<16xi32>
        %ge3A_385 = arith.cmpi sge, %get3A_382, %ge3A_384 : vector<16xi32>
        %convert_element_type3A_386 = arith.extui %ge3A_385 : vector<16xi1> to vector<16xi32>
        %mul3A_387 = arith.constant 507904 : i32
        %mul3A_388 = vector.broadcast %mul3A_387 : i32 to vector<16xi32>
        %mul3A_389 = arith.muli %convert_element_type3A_386, %mul3A_388 : vector<16xi32>
        %sub3A_390 = arith.subi %get3A_382, %mul3A_389 : vector<16xi32>
        %swap3A_391 = arith.constant 112 : index
        %swap3A_392 = tpu.vector_load %arg7[%swap3A_391] {strides = array<i32>} : memref<128xi32, #tpu.memory_space<vmem>>, vector<16xi32>,
        tpu.vector_store %arg7[%swap3A_391], %sub3A_390 {strides = array<i32>} : memref<128xi32, #tpu.memory_space<vmem>>, vector<16xi32>,
        %shift_left3A_393 = arith.constant 6 : i32
        %shift_left3A_394 = vector.broadcast %shift_left3A_393 : i32 to vector<16xi32>
        %shift_left3A_395 = arith.shli %convert_element_type3A_386, %shift_left3A_394 : vector<16xi32>
        %swap3A_396 = arith.constant 112 : index
        %swap3A_397 = tpu.vector_load %arg9[%swap3A_396] {strides = array<i32>} : memref<128xi32, #tpu.memory_space<vmem>>, vector<16xi32>,
        tpu.vector_store %arg9[%swap3A_396], %shift_left3A_395 {strides = array<i32>} : memref<128xi32, #tpu.memory_space<vmem>>, vector<16xi32>,
        %dma_start3A_398 = arith.constant 0 : i32
        %dma_start3A_399 = arith.constant 0 : i32
        %dma_start3A_400 = tpu.memref_slice %arg2[%dma_start3A_398, %dma_start3A_399] : memref<507904x128xf32, #tpu.memory_space<hbm>> -> memref<507904x128xf32, #tpu.memory_space<hbm>>
        tpu.enqueue_indirect_dma source(%dma_start3A_400 : memref<507904x128xf32, #tpu.memory_space<hbm>>) target(%arg11 : memref<128x128xf32, #tpu.memory_space<vmem>>) offsets(%arg7 : memref<128xi32, #tpu.memory_space<vmem>>) semaphore(%arg14 : memref<!tpu.dma_semaphore, #tpu.memory_space<semaphore_mem>>)
        %gt3A = arith.constant 0 : i32
        %gt3A_401 = arith.cmpi sgt, %scan3A_246, %gt3A : i32
        %convert_element_type3A_402 = arith.extui %gt3A_401 : i1 to i32
        %cond3A = arith.constant 0 : i32
        %cond3A_403 = arith.cmpi ne, %convert_element_type3A_402, %cond3A : i32
        scf.if %cond3A_403 {
          %add3A_483 = arith.addi %mul3A_65, %mul3A_248 : i32
          %sub3A_484 = arith.constant 2 : i32
          %sub3A_485 = arith.subi %add3A_483, %sub3A_484 : i32
          %dma_wait3A_486 = arith.constant 0 : i32
          %dma_wait3A_487 = arith.constant 0 : i32
          %dma_wait3A_488 = arith.constant 0 : i32
          %dma_wait3A_489 = tpu.memref_slice %arg4[%sub3A_485, %dma_wait3A_486, %select_n3A_63, %dma_wait3A_487, %dma_wait3A_488] : memref<200x8x32x8x128xf32, #tpu.memory_space<hbm>> -> memref<1x8x1x8x128xf32, #tpu.memory_space<hbm>>
          %dma_wait3A_490 = tpu.memref_squeeze %dma_wait3A_489 : memref<1x8x1x8x128xf32, #tpu.memory_space<hbm>> -> memref<8x8x128xf32, #tpu.memory_space<hbm>>
          %dma_wait3A_491 = arith.constant 0 : i32
          %dma_wait3A_492 = arith.constant 0 : i32
          %dma_wait3A_493 = arith.constant 0 : i32
          %dma_wait3A_494 = tpu.memref_slice %arg4[%sub3A_485, %dma_wait3A_491, %select_n3A_63, %dma_wait3A_492, %dma_wait3A_493] : memref<200x8x32x8x128xf32, #tpu.memory_space<hbm>> -> memref<1x8x1x8x128xf32, #tpu.memory_space<hbm>>
          %dma_wait3A_495 = tpu.memref_squeeze %dma_wait3A_494 : memref<1x8x1x8x128xf32, #tpu.memory_space<hbm>> -> memref<8x8x128xf32, #tpu.memory_space<hbm>>
          tpu.wait_dma2 semaphore(%arg15 : memref<!tpu.dma_semaphore, #tpu.memory_space<semaphore_mem>>) src(%arg12 : memref<8x8x128xf32, #tpu.memory_space<vmem>>) dst(%dma_wait3A_495 : memref<8x8x128xf32, #tpu.memory_space<hbm>>)
        } else {
        }
        %get3A_404 = arith.constant 0 : index
        %get3A_405 = tpu.vector_load %arg8[%get3A_404] {strides = array<i32>} : memref<128xi32, #tpu.memory_space<vmem>>, vector<16xi32>,
        %get3A_406 = arith.constant 16 : index
        %get3A_407 = tpu.vector_load %arg8[%get3A_406] {strides = array<i32>} : memref<128xi32, #tpu.memory_space<vmem>>, vector<16xi32>,
        %get3A_408 = arith.constant 32 : index
        %get3A_409 = tpu.vector_load %arg8[%get3A_408] {strides = array<i32>} : memref<128xi32, #tpu.memory_space<vmem>>, vector<16xi32>,
        %get3A_410 = arith.constant 48 : index
        %get3A_411 = tpu.vector_load %arg8[%get3A_410] {strides = array<i32>} : memref<128xi32, #tpu.memory_space<vmem>>, vector<16xi32>,
        %get3A_412 = arith.constant 64 : index
        %get3A_413 = tpu.vector_load %arg8[%get3A_412] {strides = array<i32>} : memref<128xi32, #tpu.memory_space<vmem>>, vector<16xi32>,
        %get3A_414 = arith.constant 80 : index
        %get3A_415 = tpu.vector_load %arg8[%get3A_414] {strides = array<i32>} : memref<128xi32, #tpu.memory_space<vmem>>, vector<16xi32>,
        %get3A_416 = arith.constant 96 : index
        %get3A_417 = tpu.vector_load %arg8[%get3A_416] {strides = array<i32>} : memref<128xi32, #tpu.memory_space<vmem>>, vector<16xi32>,
        %get3A_418 = arith.constant 112 : index
        %get3A_419 = tpu.vector_load %arg8[%get3A_418] {strides = array<i32>} : memref<128xi32, #tpu.memory_space<vmem>>, vector<16xi32>,
        %scan3A_420 = arith.constant 0 : i32
        %scan3A_421 = arith.constant 64 : i32
        %scan3A_422 = arith.addi %scan3A_420, %scan3A_421 : i32
        %scan3A_423 = arith.constant 8 : i32
        scf.for %scan3A_483 = %scan3A_420 to %scan3A_422 step %scan3A_423  : i32 {
          %add3A_484 = vector.broadcast %scan3A_483 : i32 to vector<16xi32>
          %add3A_485 = arith.addi %iota3A, %add3A_484 : vector<16xi32>
          %and3A_486 = arith.constant 63 : i32
          %and3A_487 = vector.broadcast %and3A_486 : i32 to vector<16xi32>
          %and3A_488 = arith.andi %add3A_485, %and3A_487 : vector<16xi32>
          %shift_right_logical3A = arith.constant 3 : i32
          %shift_right_logical3A_489 = vector.broadcast %shift_right_logical3A : i32 to vector<16xi32>
          %shift_right_logical3A_490 = arith.shrui %and3A_488, %shift_right_logical3A_489 : vector<16xi32>
          %and3A_491 = arith.constant 7 : i32
          %and3A_492 = vector.broadcast %and3A_491 : i32 to vector<16xi32>
          %and3A_493 = arith.andi %and3A_488, %and3A_492 : vector<16xi32>
          %add3A_494 = arith.addi %and3A_488, %get3A_405 : vector<16xi32>
          %gather3A = tpu.vector_load_idx %arg10[%add3A_3, %add3A_494] : memref<128x128xf32, #tpu.memory_space<vmem>>[vector<16xi32>, vector<16xi32>], vector<16xf32>,
          tpu.vector_store_idx %arg12[%shift_right_logical3A_490, %and3A_493, %add3A_3], %gather3A : memref<8x8x128xf32, #tpu.memory_space<vmem>>[vector<16xi32>, vector<16xi32>, vector<16xi32>], vector<16xf32>,
          %add3A_495 = arith.addi %and3A_488, %get3A_407 : vector<16xi32>
          %gather3A_496 = tpu.vector_load_idx %arg10[%add3A_6, %add3A_495] : memref<128x128xf32, #tpu.memory_space<vmem>>[vector<16xi32>, vector<16xi32>], vector<16xf32>,
          tpu.vector_store_idx %arg12[%shift_right_logical3A_490, %and3A_493, %add3A_6], %gather3A_496 : memref<8x8x128xf32, #tpu.memory_space<vmem>>[vector<16xi32>, vector<16xi32>, vector<16xi32>], vector<16xf32>,
          %add3A_497 = arith.addi %and3A_488, %get3A_409 : vector<16xi32>
          %gather3A_498 = tpu.vector_load_idx %arg10[%add3A_9, %add3A_497] : memref<128x128xf32, #tpu.memory_space<vmem>>[vector<16xi32>, vector<16xi32>], vector<16xf32>,
          tpu.vector_store_idx %arg12[%shift_right_logical3A_490, %and3A_493, %add3A_9], %gather3A_498 : memref<8x8x128xf32, #tpu.memory_space<vmem>>[vector<16xi32>, vector<16xi32>, vector<16xi32>], vector<16xf32>,
          %add3A_499 = arith.addi %and3A_488, %get3A_411 : vector<16xi32>
          %gather3A_500 = tpu.vector_load_idx %arg10[%add3A_12, %add3A_499] : memref<128x128xf32, #tpu.memory_space<vmem>>[vector<16xi32>, vector<16xi32>], vector<16xf32>,
          tpu.vector_store_idx %arg12[%shift_right_logical3A_490, %and3A_493, %add3A_12], %gather3A_500 : memref<8x8x128xf32, #tpu.memory_space<vmem>>[vector<16xi32>, vector<16xi32>, vector<16xi32>], vector<16xf32>,
          %add3A_501 = arith.addi %and3A_488, %get3A_413 : vector<16xi32>
          %gather3A_502 = tpu.vector_load_idx %arg10[%add3A_15, %add3A_501] : memref<128x128xf32, #tpu.memory_space<vmem>>[vector<16xi32>, vector<16xi32>], vector<16xf32>,
          tpu.vector_store_idx %arg12[%shift_right_logical3A_490, %and3A_493, %add3A_15], %gather3A_502 : memref<8x8x128xf32, #tpu.memory_space<vmem>>[vector<16xi32>, vector<16xi32>, vector<16xi32>], vector<16xf32>,
          %add3A_503 = arith.addi %and3A_488, %get3A_415 : vector<16xi32>
          %gather3A_504 = tpu.vector_load_idx %arg10[%add3A_18, %add3A_503] : memref<128x128xf32, #tpu.memory_space<vmem>>[vector<16xi32>, vector<16xi32>], vector<16xf32>,
          tpu.vector_store_idx %arg12[%shift_right_logical3A_490, %and3A_493, %add3A_18], %gather3A_504 : memref<8x8x128xf32, #tpu.memory_space<vmem>>[vector<16xi32>, vector<16xi32>, vector<16xi32>], vector<16xf32>,
          %add3A_505 = arith.addi %and3A_488, %get3A_417 : vector<16xi32>
          %gather3A_506 = tpu.vector_load_idx %arg10[%add3A_21, %add3A_505] : memref<128x128xf32, #tpu.memory_space<vmem>>[vector<16xi32>, vector<16xi32>], vector<16xf32>,
          tpu.vector_store_idx %arg12[%shift_right_logical3A_490, %and3A_493, %add3A_21], %gather3A_506 : memref<8x8x128xf32, #tpu.memory_space<vmem>>[vector<16xi32>, vector<16xi32>, vector<16xi32>], vector<16xf32>,
          %add3A_507 = arith.addi %and3A_488, %get3A_419 : vector<16xi32>
          %gather3A_508 = tpu.vector_load_idx %arg10[%add3A_24, %add3A_507] : memref<128x128xf32, #tpu.memory_space<vmem>>[vector<16xi32>, vector<16xi32>], vector<16xf32>,
          tpu.vector_store_idx %arg12[%shift_right_logical3A_490, %and3A_493, %add3A_24], %gather3A_508 : memref<8x8x128xf32, #tpu.memory_space<vmem>>[vector<16xi32>, vector<16xi32>, vector<16xi32>], vector<16xf32>,
          %scan3A_509 = arith.constant 1 : i32
          %scan3A_510 = arith.addi %scan3A_483, %scan3A_509 : i32
          %add3A_511 = vector.broadcast %scan3A_510 : i32 to vector<16xi32>
          %add3A_512 = arith.addi %iota3A, %add3A_511 : vector<16xi32>
          %and3A_513 = arith.constant 63 : i32
          %and3A_514 = vector.broadcast %and3A_513 : i32 to vector<16xi32>
          %and3A_515 = arith.andi %add3A_512, %and3A_514 : vector<16xi32>
          %shift_right_logical3A_516 = arith.constant 3 : i32
          %shift_right_logical3A_517 = vector.broadcast %shift_right_logical3A_516 : i32 to vector<16xi32>
          %shift_right_logical3A_518 = arith.shrui %and3A_515, %shift_right_logical3A_517 : vector<16xi32>
          %and3A_519 = arith.constant 7 : i32
          %and3A_520 = vector.broadcast %and3A_519 : i32 to vector<16xi32>
          %and3A_521 = arith.andi %and3A_515, %and3A_520 : vector<16xi32>
          %add3A_522 = arith.addi %and3A_515, %get3A_405 : vector<16xi32>
          %gather3A_523 = tpu.vector_load_idx %arg10[%add3A_3, %add3A_522] : memref<128x128xf32, #tpu.memory_space<vmem>>[vector<16xi32>, vector<16xi32>], vector<16xf32>,
          tpu.vector_store_idx %arg12[%shift_right_logical3A_518, %and3A_521, %add3A_3], %gather3A_523 : memref<8x8x128xf32, #tpu.memory_space<vmem>>[vector<16xi32>, vector<16xi32>, vector<16xi32>], vector<16xf32>,
          %add3A_524 = arith.addi %and3A_515, %get3A_407 : vector<16xi32>
          %gather3A_525 = tpu.vector_load_idx %arg10[%add3A_6, %add3A_524] : memref<128x128xf32, #tpu.memory_space<vmem>>[vector<16xi32>, vector<16xi32>], vector<16xf32>,
          tpu.vector_store_idx %arg12[%shift_right_logical3A_518, %and3A_521, %add3A_6], %gather3A_525 : memref<8x8x128xf32, #tpu.memory_space<vmem>>[vector<16xi32>, vector<16xi32>, vector<16xi32>], vector<16xf32>,
          %add3A_526 = arith.addi %and3A_515, %get3A_409 : vector<16xi32>
          %gather3A_527 = tpu.vector_load_idx %arg10[%add3A_9, %add3A_526] : memref<128x128xf32, #tpu.memory_space<vmem>>[vector<16xi32>, vector<16xi32>], vector<16xf32>,
          tpu.vector_store_idx %arg12[%shift_right_logical3A_518, %and3A_521, %add3A_9], %gather3A_527 : memref<8x8x128xf32, #tpu.memory_space<vmem>>[vector<16xi32>, vector<16xi32>, vector<16xi32>], vector<16xf32>,
          %add3A_528 = arith.addi %and3A_515, %get3A_411 : vector<16xi32>
          %gather3A_529 = tpu.vector_load_idx %arg10[%add3A_12, %add3A_528] : memref<128x128xf32, #tpu.memory_space<vmem>>[vector<16xi32>, vector<16xi32>], vector<16xf32>,
          tpu.vector_store_idx %arg12[%shift_right_logical3A_518, %and3A_521, %add3A_12], %gather3A_529 : memref<8x8x128xf32, #tpu.memory_space<vmem>>[vector<16xi32>, vector<16xi32>, vector<16xi32>], vector<16xf32>,
          %add3A_530 = arith.addi %and3A_515, %get3A_413 : vector<16xi32>
          %gather3A_531 = tpu.vector_load_idx %arg10[%add3A_15, %add3A_530] : memref<128x128xf32, #tpu.memory_space<vmem>>[vector<16xi32>, vector<16xi32>], vector<16xf32>,
          tpu.vector_store_idx %arg12[%shift_right_logical3A_518, %and3A_521, %add3A_15], %gather3A_531 : memref<8x8x128xf32, #tpu.memory_space<vmem>>[vector<16xi32>, vector<16xi32>, vector<16xi32>], vector<16xf32>,
          %add3A_532 = arith.addi %and3A_515, %get3A_415 : vector<16xi32>
          %gather3A_533 = tpu.vector_load_idx %arg10[%add3A_18, %add3A_532] : memref<128x128xf32, #tpu.memory_space<vmem>>[vector<16xi32>, vector<16xi32>], vector<16xf32>,
          tpu.vector_store_idx %arg12[%shift_right_logical3A_518, %and3A_521, %add3A_18], %gather3A_533 : memref<8x8x128xf32, #tpu.memory_space<vmem>>[vector<16xi32>, vector<16xi32>, vector<16xi32>], vector<16xf32>,
          %add3A_534 = arith.addi %and3A_515, %get3A_417 : vector<16xi32>
          %gather3A_535 = tpu.vector_load_idx %arg10[%add3A_21, %add3A_534] : memref<128x128xf32, #tpu.memory_space<vmem>>[vector<16xi32>, vector<16xi32>], vector<16xf32>,
          tpu.vector_store_idx %arg12[%shift_right_logical3A_518, %and3A_521, %add3A_21], %gather3A_535 : memref<8x8x128xf32, #tpu.memory_space<vmem>>[vector<16xi32>, vector<16xi32>, vector<16xi32>], vector<16xf32>,
          %add3A_536 = arith.addi %and3A_515, %get3A_419 : vector<16xi32>
          %gather3A_537 = tpu.vector_load_idx %arg10[%add3A_24, %add3A_536] : memref<128x128xf32, #tpu.memory_space<vmem>>[vector<16xi32>, vector<16xi32>], vector<16xf32>,
          tpu.vector_store_idx %arg12[%shift_right_logical3A_518, %and3A_521, %add3A_24], %gather3A_537 : memref<8x8x128xf32, #tpu.memory_space<vmem>>[vector<16xi32>, vector<16xi32>, vector<16xi32>], vector<16xf32>,
          %scan3A_538 = arith.constant 2 : i32
          %scan3A_539 = arith.addi %scan3A_483, %scan3A_538 : i32
          %add3A_540 = vector.broadcast %scan3A_539 : i32 to vector<16xi32>
          %add3A_541 = arith.addi %iota3A, %add3A_540 : vector<16xi32>
          %and3A_542 = arith.constant 63 : i32
          %and3A_543 = vector.broadcast %and3A_542 : i32 to vector<16xi32>
          %and3A_544 = arith.andi %add3A_541, %and3A_543 : vector<16xi32>
          %shift_right_logical3A_545 = arith.constant 3 : i32
          %shift_right_logical3A_546 = vector.broadcast %shift_right_logical3A_545 : i32 to vector<16xi32>
          %shift_right_logical3A_547 = arith.shrui %and3A_544, %shift_right_logical3A_546 : vector<16xi32>
          %and3A_548 = arith.constant 7 : i32
          %and3A_549 = vector.broadcast %and3A_548 : i32 to vector<16xi32>
          %and3A_550 = arith.andi %and3A_544, %and3A_549 : vector<16xi32>
          %add3A_551 = arith.addi %and3A_544, %get3A_405 : vector<16xi32>
          %gather3A_552 = tpu.vector_load_idx %arg10[%add3A_3, %add3A_551] : memref<128x128xf32, #tpu.memory_space<vmem>>[vector<16xi32>, vector<16xi32>], vector<16xf32>,
          tpu.vector_store_idx %arg12[%shift_right_logical3A_547, %and3A_550, %add3A_3], %gather3A_552 : memref<8x8x128xf32, #tpu.memory_space<vmem>>[vector<16xi32>, vector<16xi32>, vector<16xi32>], vector<16xf32>,
          %add3A_553 = arith.addi %and3A_544, %get3A_407 : vector<16xi32>
          %gather3A_554 = tpu.vector_load_idx %arg10[%add3A_6, %add3A_553] : memref<128x128xf32, #tpu.memory_space<vmem>>[vector<16xi32>, vector<16xi32>], vector<16xf32>,
          tpu.vector_store_idx %arg12[%shift_right_logical3A_547, %and3A_550, %add3A_6], %gather3A_554 : memref<8x8x128xf32, #tpu.memory_space<vmem>>[vector<16xi32>, vector<16xi32>, vector<16xi32>], vector<16xf32>,
          %add3A_555 = arith.addi %and3A_544, %get3A_409 : vector<16xi32>
          %gather3A_556 = tpu.vector_load_idx %arg10[%add3A_9, %add3A_555] : memref<128x128xf32, #tpu.memory_space<vmem>>[vector<16xi32>, vector<16xi32>], vector<16xf32>,
          tpu.vector_store_idx %arg12[%shift_right_logical3A_547, %and3A_550, %add3A_9], %gather3A_556 : memref<8x8x128xf32, #tpu.memory_space<vmem>>[vector<16xi32>, vector<16xi32>, vector<16xi32>], vector<16xf32>,
          %add3A_557 = arith.addi %and3A_544, %get3A_411 : vector<16xi32>
          %gather3A_558 = tpu.vector_load_idx %arg10[%add3A_12, %add3A_557] : memref<128x128xf32, #tpu.memory_space<vmem>>[vector<16xi32>, vector<16xi32>], vector<16xf32>,
          tpu.vector_store_idx %arg12[%shift_right_logical3A_547, %and3A_550, %add3A_12], %gather3A_558 : memref<8x8x128xf32, #tpu.memory_space<vmem>>[vector<16xi32>, vector<16xi32>, vector<16xi32>], vector<16xf32>,
          %add3A_559 = arith.addi %and3A_544, %get3A_413 : vector<16xi32>
          %gather3A_560 = tpu.vector_load_idx %arg10[%add3A_15, %add3A_559] : memref<128x128xf32, #tpu.memory_space<vmem>>[vector<16xi32>, vector<16xi32>], vector<16xf32>,
          tpu.vector_store_idx %arg12[%shift_right_logical3A_547, %and3A_550, %add3A_15], %gather3A_560 : memref<8x8x128xf32, #tpu.memory_space<vmem>>[vector<16xi32>, vector<16xi32>, vector<16xi32>], vector<16xf32>,
          %add3A_561 = arith.addi %and3A_544, %get3A_415 : vector<16xi32>
          %gather3A_562 = tpu.vector_load_idx %arg10[%add3A_18, %add3A_561] : memref<128x128xf32, #tpu.memory_space<vmem>>[vector<16xi32>, vector<16xi32>], vector<16xf32>,
          tpu.vector_store_idx %arg12[%shift_right_logical3A_547, %and3A_550, %add3A_18], %gather3A_562 : memref<8x8x128xf32, #tpu.memory_space<vmem>>[vector<16xi32>, vector<16xi32>, vector<16xi32>], vector<16xf32>,
          %add3A_563 = arith.addi %and3A_544, %get3A_417 : vector<16xi32>
          %gather3A_564 = tpu.vector_load_idx %arg10[%add3A_21, %add3A_563] : memref<128x128xf32, #tpu.memory_space<vmem>>[vector<16xi32>, vector<16xi32>], vector<16xf32>,
          tpu.vector_store_idx %arg12[%shift_right_logical3A_547, %and3A_550, %add3A_21], %gather3A_564 : memref<8x8x128xf32, #tpu.memory_space<vmem>>[vector<16xi32>, vector<16xi32>, vector<16xi32>], vector<16xf32>,
          %add3A_565 = arith.addi %and3A_544, %get3A_419 : vector<16xi32>
          %gather3A_566 = tpu.vector_load_idx %arg10[%add3A_24, %add3A_565] : memref<128x128xf32, #tpu.memory_space<vmem>>[vector<16xi32>, vector<16xi32>], vector<16xf32>,
          tpu.vector_store_idx %arg12[%shift_right_logical3A_547, %and3A_550, %add3A_24], %gather3A_566 : memref<8x8x128xf32, #tpu.memory_space<vmem>>[vector<16xi32>, vector<16xi32>, vector<16xi32>], vector<16xf32>,
          %scan3A_567 = arith.constant 3 : i32
          %scan3A_568 = arith.addi %scan3A_483, %scan3A_567 : i32
          %add3A_569 = vector.broadcast %scan3A_568 : i32 to vector<16xi32>
          %add3A_570 = arith.addi %iota3A, %add3A_569 : vector<16xi32>
          %and3A_571 = arith.constant 63 : i32
          %and3A_572 = vector.broadcast %and3A_571 : i32 to vector<16xi32>
          %and3A_573 = arith.andi %add3A_570, %and3A_572 : vector<16xi32>
          %shift_right_logical3A_574 = arith.constant 3 : i32
          %shift_right_logical3A_575 = vector.broadcast %shift_right_logical3A_574 : i32 to vector<16xi32>
          %shift_right_logical3A_576 = arith.shrui %and3A_573, %shift_right_logical3A_575 : vector<16xi32>
          %and3A_577 = arith.constant 7 : i32
          %and3A_578 = vector.broadcast %and3A_577 : i32 to vector<16xi32>
          %and3A_579 = arith.andi %and3A_573, %and3A_578 : vector<16xi32>
          %add3A_580 = arith.addi %and3A_573, %get3A_405 : vector<16xi32>
          %gather3A_581 = tpu.vector_load_idx %arg10[%add3A_3, %add3A_580] : memref<128x128xf32, #tpu.memory_space<vmem>>[vector<16xi32>, vector<16xi32>], vector<16xf32>,
          tpu.vector_store_idx %arg12[%shift_right_logical3A_576, %and3A_579, %add3A_3], %gather3A_581 : memref<8x8x128xf32, #tpu.memory_space<vmem>>[vector<16xi32>, vector<16xi32>, vector<16xi32>], vector<16xf32>,
          %add3A_582 = arith.addi %and3A_573, %get3A_407 : vector<16xi32>
          %gather3A_583 = tpu.vector_load_idx %arg10[%add3A_6, %add3A_582] : memref<128x128xf32, #tpu.memory_space<vmem>>[vector<16xi32>, vector<16xi32>], vector<16xf32>,
          tpu.vector_store_idx %arg12[%shift_right_logical3A_576, %and3A_579, %add3A_6], %gather3A_583 : memref<8x8x128xf32, #tpu.memory_space<vmem>>[vector<16xi32>, vector<16xi32>, vector<16xi32>], vector<16xf32>,
          %add3A_584 = arith.addi %and3A_573, %get3A_409 : vector<16xi32>
          %gather3A_585 = tpu.vector_load_idx %arg10[%add3A_9, %add3A_584] : memref<128x128xf32, #tpu.memory_space<vmem>>[vector<16xi32>, vector<16xi32>], vector<16xf32>,
          tpu.vector_store_idx %arg12[%shift_right_logical3A_576, %and3A_579, %add3A_9], %gather3A_585 : memref<8x8x128xf32, #tpu.memory_space<vmem>>[vector<16xi32>, vector<16xi32>, vector<16xi32>], vector<16xf32>,
          %add3A_586 = arith.addi %and3A_573, %get3A_411 : vector<16xi32>
          %gather3A_587 = tpu.vector_load_idx %arg10[%add3A_12, %add3A_586] : memref<128x128xf32, #tpu.memory_space<vmem>>[vector<16xi32>, vector<16xi32>], vector<16xf32>,
          tpu.vector_store_idx %arg12[%shift_right_logical3A_576, %and3A_579, %add3A_12], %gather3A_587 : memref<8x8x128xf32, #tpu.memory_space<vmem>>[vector<16xi32>, vector<16xi32>, vector<16xi32>], vector<16xf32>,
          %add3A_588 = arith.addi %and3A_573, %get3A_413 : vector<16xi32>
          %gather3A_589 = tpu.vector_load_idx %arg10[%add3A_15, %add3A_588] : memref<128x128xf32, #tpu.memory_space<vmem>>[vector<16xi32>, vector<16xi32>], vector<16xf32>,
          tpu.vector_store_idx %arg12[%shift_right_logical3A_576, %and3A_579, %add3A_15], %gather3A_589 : memref<8x8x128xf32, #tpu.memory_space<vmem>>[vector<16xi32>, vector<16xi32>, vector<16xi32>], vector<16xf32>,
          %add3A_590 = arith.addi %and3A_573, %get3A_415 : vector<16xi32>
          %gather3A_591 = tpu.vector_load_idx %arg10[%add3A_18, %add3A_590] : memref<128x128xf32, #tpu.memory_space<vmem>>[vector<16xi32>, vector<16xi32>], vector<16xf32>,
          tpu.vector_store_idx %arg12[%shift_right_logical3A_576, %and3A_579, %add3A_18], %gather3A_591 : memref<8x8x128xf32, #tpu.memory_space<vmem>>[vector<16xi32>, vector<16xi32>, vector<16xi32>], vector<16xf32>,
          %add3A_592 = arith.addi %and3A_573, %get3A_417 : vector<16xi32>
          %gather3A_593 = tpu.vector_load_idx %arg10[%add3A_21, %add3A_592] : memref<128x128xf32, #tpu.memory_space<vmem>>[vector<16xi32>, vector<16xi32>], vector<16xf32>,
          tpu.vector_store_idx %arg12[%shift_right_logical3A_576, %and3A_579, %add3A_21], %gather3A_593 : memref<8x8x128xf32, #tpu.memory_space<vmem>>[vector<16xi32>, vector<16xi32>, vector<16xi32>], vector<16xf32>,
          %add3A_594 = arith.addi %and3A_573, %get3A_419 : vector<16xi32>
          %gather3A_595 = tpu.vector_load_idx %arg10[%add3A_24, %add3A_594] : memref<128x128xf32, #tpu.memory_space<vmem>>[vector<16xi32>, vector<16xi32>], vector<16xf32>,
          tpu.vector_store_idx %arg12[%shift_right_logical3A_576, %and3A_579, %add3A_24], %gather3A_595 : memref<8x8x128xf32, #tpu.memory_space<vmem>>[vector<16xi32>, vector<16xi32>, vector<16xi32>], vector<16xf32>,
          %scan3A_596 = arith.constant 4 : i32
          %scan3A_597 = arith.addi %scan3A_483, %scan3A_596 : i32
          %add3A_598 = vector.broadcast %scan3A_597 : i32 to vector<16xi32>
          %add3A_599 = arith.addi %iota3A, %add3A_598 : vector<16xi32>
          %and3A_600 = arith.constant 63 : i32
          %and3A_601 = vector.broadcast %and3A_600 : i32 to vector<16xi32>
          %and3A_602 = arith.andi %add3A_599, %and3A_601 : vector<16xi32>
          %shift_right_logical3A_603 = arith.constant 3 : i32
          %shift_right_logical3A_604 = vector.broadcast %shift_right_logical3A_603 : i32 to vector<16xi32>
          %shift_right_logical3A_605 = arith.shrui %and3A_602, %shift_right_logical3A_604 : vector<16xi32>
          %and3A_606 = arith.constant 7 : i32
          %and3A_607 = vector.broadcast %and3A_606 : i32 to vector<16xi32>
          %and3A_608 = arith.andi %and3A_602, %and3A_607 : vector<16xi32>
          %add3A_609 = arith.addi %and3A_602, %get3A_405 : vector<16xi32>
          %gather3A_610 = tpu.vector_load_idx %arg10[%add3A_3, %add3A_609] : memref<128x128xf32, #tpu.memory_space<vmem>>[vector<16xi32>, vector<16xi32>], vector<16xf32>,
          tpu.vector_store_idx %arg12[%shift_right_logical3A_605, %and3A_608, %add3A_3], %gather3A_610 : memref<8x8x128xf32, #tpu.memory_space<vmem>>[vector<16xi32>, vector<16xi32>, vector<16xi32>], vector<16xf32>,
          %add3A_611 = arith.addi %and3A_602, %get3A_407 : vector<16xi32>
          %gather3A_612 = tpu.vector_load_idx %arg10[%add3A_6, %add3A_611] : memref<128x128xf32, #tpu.memory_space<vmem>>[vector<16xi32>, vector<16xi32>], vector<16xf32>,
          tpu.vector_store_idx %arg12[%shift_right_logical3A_605, %and3A_608, %add3A_6], %gather3A_612 : memref<8x8x128xf32, #tpu.memory_space<vmem>>[vector<16xi32>, vector<16xi32>, vector<16xi32>], vector<16xf32>,
          %add3A_613 = arith.addi %and3A_602, %get3A_409 : vector<16xi32>
          %gather3A_614 = tpu.vector_load_idx %arg10[%add3A_9, %add3A_613] : memref<128x128xf32, #tpu.memory_space<vmem>>[vector<16xi32>, vector<16xi32>], vector<16xf32>,
          tpu.vector_store_idx %arg12[%shift_right_logical3A_605, %and3A_608, %add3A_9], %gather3A_614 : memref<8x8x128xf32, #tpu.memory_space<vmem>>[vector<16xi32>, vector<16xi32>, vector<16xi32>], vector<16xf32>,
          %add3A_615 = arith.addi %and3A_602, %get3A_411 : vector<16xi32>
          %gather3A_616 = tpu.vector_load_idx %arg10[%add3A_12, %add3A_615] : memref<128x128xf32, #tpu.memory_space<vmem>>[vector<16xi32>, vector<16xi32>], vector<16xf32>,
          tpu.vector_store_idx %arg12[%shift_right_logical3A_605, %and3A_608, %add3A_12], %gather3A_616 : memref<8x8x128xf32, #tpu.memory_space<vmem>>[vector<16xi32>, vector<16xi32>, vector<16xi32>], vector<16xf32>,
          %add3A_617 = arith.addi %and3A_602, %get3A_413 : vector<16xi32>
          %gather3A_618 = tpu.vector_load_idx %arg10[%add3A_15, %add3A_617] : memref<128x128xf32, #tpu.memory_space<vmem>>[vector<16xi32>, vector<16xi32>], vector<16xf32>,
          tpu.vector_store_idx %arg12[%shift_right_logical3A_605, %and3A_608, %add3A_15], %gather3A_618 : memref<8x8x128xf32, #tpu.memory_space<vmem>>[vector<16xi32>, vector<16xi32>, vector<16xi32>], vector<16xf32>,
          %add3A_619 = arith.addi %and3A_602, %get3A_415 : vector<16xi32>
          %gather3A_620 = tpu.vector_load_idx %arg10[%add3A_18, %add3A_619] : memref<128x128xf32, #tpu.memory_space<vmem>>[vector<16xi32>, vector<16xi32>], vector<16xf32>,
          tpu.vector_store_idx %arg12[%shift_right_logical3A_605, %and3A_608, %add3A_18], %gather3A_620 : memref<8x8x128xf32, #tpu.memory_space<vmem>>[vector<16xi32>, vector<16xi32>, vector<16xi32>], vector<16xf32>,
          %add3A_621 = arith.addi %and3A_602, %get3A_417 : vector<16xi32>
          %gather3A_622 = tpu.vector_load_idx %arg10[%add3A_21, %add3A_621] : memref<128x128xf32, #tpu.memory_space<vmem>>[vector<16xi32>, vector<16xi32>], vector<16xf32>,
          tpu.vector_store_idx %arg12[%shift_right_logical3A_605, %and3A_608, %add3A_21], %gather3A_622 : memref<8x8x128xf32, #tpu.memory_space<vmem>>[vector<16xi32>, vector<16xi32>, vector<16xi32>], vector<16xf32>,
          %add3A_623 = arith.addi %and3A_602, %get3A_419 : vector<16xi32>
          %gather3A_624 = tpu.vector_load_idx %arg10[%add3A_24, %add3A_623] : memref<128x128xf32, #tpu.memory_space<vmem>>[vector<16xi32>, vector<16xi32>], vector<16xf32>,
          tpu.vector_store_idx %arg12[%shift_right_logical3A_605, %and3A_608, %add3A_24], %gather3A_624 : memref<8x8x128xf32, #tpu.memory_space<vmem>>[vector<16xi32>, vector<16xi32>, vector<16xi32>], vector<16xf32>,
          %scan3A_625 = arith.constant 5 : i32
          %scan3A_626 = arith.addi %scan3A_483, %scan3A_625 : i32
          %add3A_627 = vector.broadcast %scan3A_626 : i32 to vector<16xi32>
          %add3A_628 = arith.addi %iota3A, %add3A_627 : vector<16xi32>
          %and3A_629 = arith.constant 63 : i32
          %and3A_630 = vector.broadcast %and3A_629 : i32 to vector<16xi32>
          %and3A_631 = arith.andi %add3A_628, %and3A_630 : vector<16xi32>
          %shift_right_logical3A_632 = arith.constant 3 : i32
          %shift_right_logical3A_633 = vector.broadcast %shift_right_logical3A_632 : i32 to vector<16xi32>
          %shift_right_logical3A_634 = arith.shrui %and3A_631, %shift_right_logical3A_633 : vector<16xi32>
          %and3A_635 = arith.constant 7 : i32
          %and3A_636 = vector.broadcast %and3A_635 : i32 to vector<16xi32>
          %and3A_637 = arith.andi %and3A_631, %and3A_636 : vector<16xi32>
          %add3A_638 = arith.addi %and3A_631, %get3A_405 : vector<16xi32>
          %gather3A_639 = tpu.vector_load_idx %arg10[%add3A_3, %add3A_638] : memref<128x128xf32, #tpu.memory_space<vmem>>[vector<16xi32>, vector<16xi32>], vector<16xf32>,
          tpu.vector_store_idx %arg12[%shift_right_logical3A_634, %and3A_637, %add3A_3], %gather3A_639 : memref<8x8x128xf32, #tpu.memory_space<vmem>>[vector<16xi32>, vector<16xi32>, vector<16xi32>], vector<16xf32>,
          %add3A_640 = arith.addi %and3A_631, %get3A_407 : vector<16xi32>
          %gather3A_641 = tpu.vector_load_idx %arg10[%add3A_6, %add3A_640] : memref<128x128xf32, #tpu.memory_space<vmem>>[vector<16xi32>, vector<16xi32>], vector<16xf32>,
          tpu.vector_store_idx %arg12[%shift_right_logical3A_634, %and3A_637, %add3A_6], %gather3A_641 : memref<8x8x128xf32, #tpu.memory_space<vmem>>[vector<16xi32>, vector<16xi32>, vector<16xi32>], vector<16xf32>,
          %add3A_642 = arith.addi %and3A_631, %get3A_409 : vector<16xi32>
          %gather3A_643 = tpu.vector_load_idx %arg10[%add3A_9, %add3A_642] : memref<128x128xf32, #tpu.memory_space<vmem>>[vector<16xi32>, vector<16xi32>], vector<16xf32>,
          tpu.vector_store_idx %arg12[%shift_right_logical3A_634, %and3A_637, %add3A_9], %gather3A_643 : memref<8x8x128xf32, #tpu.memory_space<vmem>>[vector<16xi32>, vector<16xi32>, vector<16xi32>], vector<16xf32>,
          %add3A_644 = arith.addi %and3A_631, %get3A_411 : vector<16xi32>
          %gather3A_645 = tpu.vector_load_idx %arg10[%add3A_12, %add3A_644] : memref<128x128xf32, #tpu.memory_space<vmem>>[vector<16xi32>, vector<16xi32>], vector<16xf32>,
          tpu.vector_store_idx %arg12[%shift_right_logical3A_634, %and3A_637, %add3A_12], %gather3A_645 : memref<8x8x128xf32, #tpu.memory_space<vmem>>[vector<16xi32>, vector<16xi32>, vector<16xi32>], vector<16xf32>,
          %add3A_646 = arith.addi %and3A_631, %get3A_413 : vector<16xi32>
          %gather3A_647 = tpu.vector_load_idx %arg10[%add3A_15, %add3A_646] : memref<128x128xf32, #tpu.memory_space<vmem>>[vector<16xi32>, vector<16xi32>], vector<16xf32>,
          tpu.vector_store_idx %arg12[%shift_right_logical3A_634, %and3A_637, %add3A_15], %gather3A_647 : memref<8x8x128xf32, #tpu.memory_space<vmem>>[vector<16xi32>, vector<16xi32>, vector<16xi32>], vector<16xf32>,
          %add3A_648 = arith.addi %and3A_631, %get3A_415 : vector<16xi32>
          %gather3A_649 = tpu.vector_load_idx %arg10[%add3A_18, %add3A_648] : memref<128x128xf32, #tpu.memory_space<vmem>>[vector<16xi32>, vector<16xi32>], vector<16xf32>,
          tpu.vector_store_idx %arg12[%shift_right_logical3A_634, %and3A_637, %add3A_18], %gather3A_649 : memref<8x8x128xf32, #tpu.memory_space<vmem>>[vector<16xi32>, vector<16xi32>, vector<16xi32>], vector<16xf32>,
          %add3A_650 = arith.addi %and3A_631, %get3A_417 : vector<16xi32>
          %gather3A_651 = tpu.vector_load_idx %arg10[%add3A_21, %add3A_650] : memref<128x128xf32, #tpu.memory_space<vmem>>[vector<16xi32>, vector<16xi32>], vector<16xf32>,
          tpu.vector_store_idx %arg12[%shift_right_logical3A_634, %and3A_637, %add3A_21], %gather3A_651 : memref<8x8x128xf32, #tpu.memory_space<vmem>>[vector<16xi32>, vector<16xi32>, vector<16xi32>], vector<16xf32>,
          %add3A_652 = arith.addi %and3A_631, %get3A_419 : vector<16xi32>
          %gather3A_653 = tpu.vector_load_idx %arg10[%add3A_24, %add3A_652] : memref<128x128xf32, #tpu.memory_space<vmem>>[vector<16xi32>, vector<16xi32>], vector<16xf32>,
          tpu.vector_store_idx %arg12[%shift_right_logical3A_634, %and3A_637, %add3A_24], %gather3A_653 : memref<8x8x128xf32, #tpu.memory_space<vmem>>[vector<16xi32>, vector<16xi32>, vector<16xi32>], vector<16xf32>,
          %scan3A_654 = arith.constant 6 : i32
          %scan3A_655 = arith.addi %scan3A_483, %scan3A_654 : i32
          %add3A_656 = vector.broadcast %scan3A_655 : i32 to vector<16xi32>
          %add3A_657 = arith.addi %iota3A, %add3A_656 : vector<16xi32>
          %and3A_658 = arith.constant 63 : i32
          %and3A_659 = vector.broadcast %and3A_658 : i32 to vector<16xi32>
          %and3A_660 = arith.andi %add3A_657, %and3A_659 : vector<16xi32>
          %shift_right_logical3A_661 = arith.constant 3 : i32
          %shift_right_logical3A_662 = vector.broadcast %shift_right_logical3A_661 : i32 to vector<16xi32>
          %shift_right_logical3A_663 = arith.shrui %and3A_660, %shift_right_logical3A_662 : vector<16xi32>
          %and3A_664 = arith.constant 7 : i32
          %and3A_665 = vector.broadcast %and3A_664 : i32 to vector<16xi32>
          %and3A_666 = arith.andi %and3A_660, %and3A_665 : vector<16xi32>
          %add3A_667 = arith.addi %and3A_660, %get3A_405 : vector<16xi32>
          %gather3A_668 = tpu.vector_load_idx %arg10[%add3A_3, %add3A_667] : memref<128x128xf32, #tpu.memory_space<vmem>>[vector<16xi32>, vector<16xi32>], vector<16xf32>,
          tpu.vector_store_idx %arg12[%shift_right_logical3A_663, %and3A_666, %add3A_3], %gather3A_668 : memref<8x8x128xf32, #tpu.memory_space<vmem>>[vector<16xi32>, vector<16xi32>, vector<16xi32>], vector<16xf32>,
          %add3A_669 = arith.addi %and3A_660, %get3A_407 : vector<16xi32>
          %gather3A_670 = tpu.vector_load_idx %arg10[%add3A_6, %add3A_669] : memref<128x128xf32, #tpu.memory_space<vmem>>[vector<16xi32>, vector<16xi32>], vector<16xf32>,
          tpu.vector_store_idx %arg12[%shift_right_logical3A_663, %and3A_666, %add3A_6], %gather3A_670 : memref<8x8x128xf32, #tpu.memory_space<vmem>>[vector<16xi32>, vector<16xi32>, vector<16xi32>], vector<16xf32>,
          %add3A_671 = arith.addi %and3A_660, %get3A_409 : vector<16xi32>
          %gather3A_672 = tpu.vector_load_idx %arg10[%add3A_9, %add3A_671] : memref<128x128xf32, #tpu.memory_space<vmem>>[vector<16xi32>, vector<16xi32>], vector<16xf32>,
          tpu.vector_store_idx %arg12[%shift_right_logical3A_663, %and3A_666, %add3A_9], %gather3A_672 : memref<8x8x128xf32, #tpu.memory_space<vmem>>[vector<16xi32>, vector<16xi32>, vector<16xi32>], vector<16xf32>,
          %add3A_673 = arith.addi %and3A_660, %get3A_411 : vector<16xi32>
          %gather3A_674 = tpu.vector_load_idx %arg10[%add3A_12, %add3A_673] : memref<128x128xf32, #tpu.memory_space<vmem>>[vector<16xi32>, vector<16xi32>], vector<16xf32>,
          tpu.vector_store_idx %arg12[%shift_right_logical3A_663, %and3A_666, %add3A_12], %gather3A_674 : memref<8x8x128xf32, #tpu.memory_space<vmem>>[vector<16xi32>, vector<16xi32>, vector<16xi32>], vector<16xf32>,
          %add3A_675 = arith.addi %and3A_660, %get3A_413 : vector<16xi32>
          %gather3A_676 = tpu.vector_load_idx %arg10[%add3A_15, %add3A_675] : memref<128x128xf32, #tpu.memory_space<vmem>>[vector<16xi32>, vector<16xi32>], vector<16xf32>,
          tpu.vector_store_idx %arg12[%shift_right_logical3A_663, %and3A_666, %add3A_15], %gather3A_676 : memref<8x8x128xf32, #tpu.memory_space<vmem>>[vector<16xi32>, vector<16xi32>, vector<16xi32>], vector<16xf32>,
          %add3A_677 = arith.addi %and3A_660, %get3A_415 : vector<16xi32>
          %gather3A_678 = tpu.vector_load_idx %arg10[%add3A_18, %add3A_677] : memref<128x128xf32, #tpu.memory_space<vmem>>[vector<16xi32>, vector<16xi32>], vector<16xf32>,
          tpu.vector_store_idx %arg12[%shift_right_logical3A_663, %and3A_666, %add3A_18], %gather3A_678 : memref<8x8x128xf32, #tpu.memory_space<vmem>>[vector<16xi32>, vector<16xi32>, vector<16xi32>], vector<16xf32>,
          %add3A_679 = arith.addi %and3A_660, %get3A_417 : vector<16xi32>
          %gather3A_680 = tpu.vector_load_idx %arg10[%add3A_21, %add3A_679] : memref<128x128xf32, #tpu.memory_space<vmem>>[vector<16xi32>, vector<16xi32>], vector<16xf32>,
          tpu.vector_store_idx %arg12[%shift_right_logical3A_663, %and3A_666, %add3A_21], %gather3A_680 : memref<8x8x128xf32, #tpu.memory_space<vmem>>[vector<16xi32>, vector<16xi32>, vector<16xi32>], vector<16xf32>,
          %add3A_681 = arith.addi %and3A_660, %get3A_419 : vector<16xi32>
          %gather3A_682 = tpu.vector_load_idx %arg10[%add3A_24, %add3A_681] : memref<128x128xf32, #tpu.memory_space<vmem>>[vector<16xi32>, vector<16xi32>], vector<16xf32>,
          tpu.vector_store_idx %arg12[%shift_right_logical3A_663, %and3A_666, %add3A_24], %gather3A_682 : memref<8x8x128xf32, #tpu.memory_space<vmem>>[vector<16xi32>, vector<16xi32>, vector<16xi32>], vector<16xf32>,
          %scan3A_683 = arith.constant 7 : i32
          %scan3A_684 = arith.addi %scan3A_483, %scan3A_683 : i32
          %add3A_685 = vector.broadcast %scan3A_684 : i32 to vector<16xi32>
          %add3A_686 = arith.addi %iota3A, %add3A_685 : vector<16xi32>
          %and3A_687 = arith.constant 63 : i32
          %and3A_688 = vector.broadcast %and3A_687 : i32 to vector<16xi32>
          %and3A_689 = arith.andi %add3A_686, %and3A_688 : vector<16xi32>
          %shift_right_logical3A_690 = arith.constant 3 : i32
          %shift_right_logical3A_691 = vector.broadcast %shift_right_logical3A_690 : i32 to vector<16xi32>
          %shift_right_logical3A_692 = arith.shrui %and3A_689, %shift_right_logical3A_691 : vector<16xi32>
          %and3A_693 = arith.constant 7 : i32
          %and3A_694 = vector.broadcast %and3A_693 : i32 to vector<16xi32>
          %and3A_695 = arith.andi %and3A_689, %and3A_694 : vector<16xi32>
          %add3A_696 = arith.addi %and3A_689, %get3A_405 : vector<16xi32>
          %gather3A_697 = tpu.vector_load_idx %arg10[%add3A_3, %add3A_696] : memref<128x128xf32, #tpu.memory_space<vmem>>[vector<16xi32>, vector<16xi32>], vector<16xf32>,
          tpu.vector_store_idx %arg12[%shift_right_logical3A_692, %and3A_695, %add3A_3], %gather3A_697 : memref<8x8x128xf32, #tpu.memory_space<vmem>>[vector<16xi32>, vector<16xi32>, vector<16xi32>], vector<16xf32>,
          %add3A_698 = arith.addi %and3A_689, %get3A_407 : vector<16xi32>
          %gather3A_699 = tpu.vector_load_idx %arg10[%add3A_6, %add3A_698] : memref<128x128xf32, #tpu.memory_space<vmem>>[vector<16xi32>, vector<16xi32>], vector<16xf32>,
          tpu.vector_store_idx %arg12[%shift_right_logical3A_692, %and3A_695, %add3A_6], %gather3A_699 : memref<8x8x128xf32, #tpu.memory_space<vmem>>[vector<16xi32>, vector<16xi32>, vector<16xi32>], vector<16xf32>,
          %add3A_700 = arith.addi %and3A_689, %get3A_409 : vector<16xi32>
          %gather3A_701 = tpu.vector_load_idx %arg10[%add3A_9, %add3A_700] : memref<128x128xf32, #tpu.memory_space<vmem>>[vector<16xi32>, vector<16xi32>], vector<16xf32>,
          tpu.vector_store_idx %arg12[%shift_right_logical3A_692, %and3A_695, %add3A_9], %gather3A_701 : memref<8x8x128xf32, #tpu.memory_space<vmem>>[vector<16xi32>, vector<16xi32>, vector<16xi32>], vector<16xf32>,
          %add3A_702 = arith.addi %and3A_689, %get3A_411 : vector<16xi32>
          %gather3A_703 = tpu.vector_load_idx %arg10[%add3A_12, %add3A_702] : memref<128x128xf32, #tpu.memory_space<vmem>>[vector<16xi32>, vector<16xi32>], vector<16xf32>,
          tpu.vector_store_idx %arg12[%shift_right_logical3A_692, %and3A_695, %add3A_12], %gather3A_703 : memref<8x8x128xf32, #tpu.memory_space<vmem>>[vector<16xi32>, vector<16xi32>, vector<16xi32>], vector<16xf32>,
          %add3A_704 = arith.addi %and3A_689, %get3A_413 : vector<16xi32>
          %gather3A_705 = tpu.vector_load_idx %arg10[%add3A_15, %add3A_704] : memref<128x128xf32, #tpu.memory_space<vmem>>[vector<16xi32>, vector<16xi32>], vector<16xf32>,
          tpu.vector_store_idx %arg12[%shift_right_logical3A_692, %and3A_695, %add3A_15], %gather3A_705 : memref<8x8x128xf32, #tpu.memory_space<vmem>>[vector<16xi32>, vector<16xi32>, vector<16xi32>], vector<16xf32>,
          %add3A_706 = arith.addi %and3A_689, %get3A_415 : vector<16xi32>
          %gather3A_707 = tpu.vector_load_idx %arg10[%add3A_18, %add3A_706] : memref<128x128xf32, #tpu.memory_space<vmem>>[vector<16xi32>, vector<16xi32>], vector<16xf32>,
          tpu.vector_store_idx %arg12[%shift_right_logical3A_692, %and3A_695, %add3A_18], %gather3A_707 : memref<8x8x128xf32, #tpu.memory_space<vmem>>[vector<16xi32>, vector<16xi32>, vector<16xi32>], vector<16xf32>,
          %add3A_708 = arith.addi %and3A_689, %get3A_417 : vector<16xi32>
          %gather3A_709 = tpu.vector_load_idx %arg10[%add3A_21, %add3A_708] : memref<128x128xf32, #tpu.memory_space<vmem>>[vector<16xi32>, vector<16xi32>], vector<16xf32>,
          tpu.vector_store_idx %arg12[%shift_right_logical3A_692, %and3A_695, %add3A_21], %gather3A_709 : memref<8x8x128xf32, #tpu.memory_space<vmem>>[vector<16xi32>, vector<16xi32>, vector<16xi32>], vector<16xf32>,
          %add3A_710 = arith.addi %and3A_689, %get3A_419 : vector<16xi32>
          %gather3A_711 = tpu.vector_load_idx %arg10[%add3A_24, %add3A_710] : memref<128x128xf32, #tpu.memory_space<vmem>>[vector<16xi32>, vector<16xi32>], vector<16xf32>,
          tpu.vector_store_idx %arg12[%shift_right_logical3A_692, %and3A_695, %add3A_24], %gather3A_711 : memref<8x8x128xf32, #tpu.memory_space<vmem>>[vector<16xi32>, vector<16xi32>, vector<16xi32>], vector<16xf32>,
        }
        %scan3A_424 = arith.constant 64 : i32
        %add3A_425 = arith.addi %mul3A_65, %mul3A_248 : i32
        %dma_start3A_426 = arith.constant 0 : i32
        %dma_start3A_427 = arith.constant 0 : i32
        %dma_start3A_428 = arith.constant 0 : i32
        %dma_start3A_429 = tpu.memref_slice %arg4[%add3A_425, %dma_start3A_426, %select_n3A_63, %dma_start3A_427, %dma_start3A_428] : memref<200x8x32x8x128xf32, #tpu.memory_space<hbm>> -> memref<1x8x1x8x128xf32, #tpu.memory_space<hbm>>
        %dma_start3A_430 = tpu.memref_squeeze %dma_start3A_429 : memref<1x8x1x8x128xf32, #tpu.memory_space<hbm>> -> memref<8x8x128xf32, #tpu.memory_space<hbm>>
        %dma_start3A_431 = arith.constant 0 : i32
        %dma_start3A_432 = arith.constant 0 : i32
        %dma_start3A_433 = arith.constant 0 : i32
        %dma_start3A_434 = tpu.memref_slice %arg4[%add3A_425, %dma_start3A_431, %select_n3A_63, %dma_start3A_432, %dma_start3A_433] : memref<200x8x32x8x128xf32, #tpu.memory_space<hbm>> -> memref<1x8x1x8x128xf32, #tpu.memory_space<hbm>>
        %dma_start3A_435 = tpu.memref_squeeze %dma_start3A_434 : memref<1x8x1x8x128xf32, #tpu.memory_space<hbm>> -> memref<8x8x128xf32, #tpu.memory_space<hbm>>
        tpu.enqueue_dma source(%arg12 : memref<8x8x128xf32, #tpu.memory_space<vmem>>) target(%dma_start3A_435 : memref<8x8x128xf32, #tpu.memory_space<hbm>>) target_semaphore(%arg15 : memref<!tpu.dma_semaphore, #tpu.memory_space<semaphore_mem>>)
        %dma_wait3A_436 = arith.constant 0 : i32
        %dma_wait3A_437 = arith.constant 0 : i32
        %dma_wait3A_438 = tpu.memref_slice %arg2[%dma_wait3A_436, %dma_wait3A_437] : memref<507904x128xf32, #tpu.memory_space<hbm>> -> memref<507904x128xf32, #tpu.memory_space<hbm>>
        tpu.wait_indirect_dma semaphore(%arg14 : memref<!tpu.dma_semaphore, #tpu.memory_space<semaphore_mem>>) src(%dma_wait3A_438 : memref<507904x128xf32, #tpu.memory_space<hbm>>) dst(%arg11 : memref<128x128xf32, #tpu.memory_space<vmem>>)
        %lt3A_439 = arith.constant 3 : i32
        %lt3A_440 = arith.cmpi slt, %scan3A_246, %lt3A_439 : i32
        %convert_element_type3A_441 = arith.extui %lt3A_440 : i1 to i32
        %cond3A_442 = arith.constant 0 : i32
        %cond3A_443 = arith.cmpi ne, %convert_element_type3A_441, %cond3A_442 : i32
        scf.if %cond3A_443 {
          %add3A_483 = arith.constant 2 : i32
          %add3A_484 = arith.addi %mul3A_248, %add3A_483 : i32
          %get3A_485 = arith.index_cast %add3A_484 : i32 to index
          %get3A_486 = arith.constant 0 : index
          %get3A_487 = tpu.vector_load %arg5[%get3A_485, %get3A_486] {strides = array<i32>} : memref<8x128xi32, #tpu.memory_space<vmem>>, vector<16xi32>,
          %ge3A_488 = arith.constant 507904 : i32
          %ge3A_489 = vector.broadcast %ge3A_488 : i32 to vector<16xi32>
          %ge3A_490 = arith.cmpi sge, %get3A_487, %ge3A_489 : vector<16xi32>
          %convert_element_type3A_491 = arith.extui %ge3A_490 : vector<16xi1> to vector<16xi32>
          %mul3A_492 = arith.constant 507904 : i32
          %mul3A_493 = vector.broadcast %mul3A_492 : i32 to vector<16xi32>
          %mul3A_494 = arith.muli %convert_element_type3A_491, %mul3A_493 : vector<16xi32>
          %sub3A_495 = arith.subi %get3A_487, %mul3A_494 : vector<16xi32>
          %swap3A_496 = arith.constant 0 : index
          %swap3A_497 = tpu.vector_load %arg6[%swap3A_496] {strides = array<i32>} : memref<128xi32, #tpu.memory_space<vmem>>, vector<16xi32>,
          tpu.vector_store %arg6[%swap3A_496], %sub3A_495 {strides = array<i32>} : memref<128xi32, #tpu.memory_space<vmem>>, vector<16xi32>,
          %shift_left3A_498 = arith.constant 6 : i32
          %shift_left3A_499 = vector.broadcast %shift_left3A_498 : i32 to vector<16xi32>
          %shift_left3A_500 = arith.shli %convert_element_type3A_491, %shift_left3A_499 : vector<16xi32>
          %swap3A_501 = arith.constant 0 : index
          %swap3A_502 = tpu.vector_load %arg8[%swap3A_501] {strides = array<i32>} : memref<128xi32, #tpu.memory_space<vmem>>, vector<16xi32>,
          tpu.vector_store %arg8[%swap3A_501], %shift_left3A_500 {strides = array<i32>} : memref<128xi32, #tpu.memory_space<vmem>>, vector<16xi32>,
          %get3A_503 = arith.index_cast %add3A_484 : i32 to index
          %get3A_504 = arith.constant 16 : index
          %get3A_505 = tpu.vector_load %arg5[%get3A_503, %get3A_504] {strides = array<i32>} : memref<8x128xi32, #tpu.memory_space<vmem>>, vector<16xi32>,
          %ge3A_506 = arith.constant 507904 : i32
          %ge3A_507 = vector.broadcast %ge3A_506 : i32 to vector<16xi32>
          %ge3A_508 = arith.cmpi sge, %get3A_505, %ge3A_507 : vector<16xi32>
          %convert_element_type3A_509 = arith.extui %ge3A_508 : vector<16xi1> to vector<16xi32>
          %mul3A_510 = arith.constant 507904 : i32
          %mul3A_511 = vector.broadcast %mul3A_510 : i32 to vector<16xi32>
          %mul3A_512 = arith.muli %convert_element_type3A_509, %mul3A_511 : vector<16xi32>
          %sub3A_513 = arith.subi %get3A_505, %mul3A_512 : vector<16xi32>
          %swap3A_514 = arith.constant 16 : index
          %swap3A_515 = tpu.vector_load %arg6[%swap3A_514] {strides = array<i32>} : memref<128xi32, #tpu.memory_space<vmem>>, vector<16xi32>,
          tpu.vector_store %arg6[%swap3A_514], %sub3A_513 {strides = array<i32>} : memref<128xi32, #tpu.memory_space<vmem>>, vector<16xi32>,
          %shift_left3A_516 = arith.constant 6 : i32
          %shift_left3A_517 = vector.broadcast %shift_left3A_516 : i32 to vector<16xi32>
          %shift_left3A_518 = arith.shli %convert_element_type3A_509, %shift_left3A_517 : vector<16xi32>
          %swap3A_519 = arith.constant 16 : index
          %swap3A_520 = tpu.vector_load %arg8[%swap3A_519] {strides = array<i32>} : memref<128xi32, #tpu.memory_space<vmem>>, vector<16xi32>,
          tpu.vector_store %arg8[%swap3A_519], %shift_left3A_518 {strides = array<i32>} : memref<128xi32, #tpu.memory_space<vmem>>, vector<16xi32>,
          %get3A_521 = arith.index_cast %add3A_484 : i32 to index
          %get3A_522 = arith.constant 32 : index
          %get3A_523 = tpu.vector_load %arg5[%get3A_521, %get3A_522] {strides = array<i32>} : memref<8x128xi32, #tpu.memory_space<vmem>>, vector<16xi32>,
          %ge3A_524 = arith.constant 507904 : i32
          %ge3A_525 = vector.broadcast %ge3A_524 : i32 to vector<16xi32>
          %ge3A_526 = arith.cmpi sge, %get3A_523, %ge3A_525 : vector<16xi32>
          %convert_element_type3A_527 = arith.extui %ge3A_526 : vector<16xi1> to vector<16xi32>
          %mul3A_528 = arith.constant 507904 : i32
          %mul3A_529 = vector.broadcast %mul3A_528 : i32 to vector<16xi32>
          %mul3A_530 = arith.muli %convert_element_type3A_527, %mul3A_529 : vector<16xi32>
          %sub3A_531 = arith.subi %get3A_523, %mul3A_530 : vector<16xi32>
          %swap3A_532 = arith.constant 32 : index
          %swap3A_533 = tpu.vector_load %arg6[%swap3A_532] {strides = array<i32>} : memref<128xi32, #tpu.memory_space<vmem>>, vector<16xi32>,
          tpu.vector_store %arg6[%swap3A_532], %sub3A_531 {strides = array<i32>} : memref<128xi32, #tpu.memory_space<vmem>>, vector<16xi32>,
          %shift_left3A_534 = arith.constant 6 : i32
          %shift_left3A_535 = vector.broadcast %shift_left3A_534 : i32 to vector<16xi32>
          %shift_left3A_536 = arith.shli %convert_element_type3A_527, %shift_left3A_535 : vector<16xi32>
          %swap3A_537 = arith.constant 32 : index
          %swap3A_538 = tpu.vector_load %arg8[%swap3A_537] {strides = array<i32>} : memref<128xi32, #tpu.memory_space<vmem>>, vector<16xi32>,
          tpu.vector_store %arg8[%swap3A_537], %shift_left3A_536 {strides = array<i32>} : memref<128xi32, #tpu.memory_space<vmem>>, vector<16xi32>,
          %get3A_539 = arith.index_cast %add3A_484 : i32 to index
          %get3A_540 = arith.constant 48 : index
          %get3A_541 = tpu.vector_load %arg5[%get3A_539, %get3A_540] {strides = array<i32>} : memref<8x128xi32, #tpu.memory_space<vmem>>, vector<16xi32>,
          %ge3A_542 = arith.constant 507904 : i32
          %ge3A_543 = vector.broadcast %ge3A_542 : i32 to vector<16xi32>
          %ge3A_544 = arith.cmpi sge, %get3A_541, %ge3A_543 : vector<16xi32>
          %convert_element_type3A_545 = arith.extui %ge3A_544 : vector<16xi1> to vector<16xi32>
          %mul3A_546 = arith.constant 507904 : i32
          %mul3A_547 = vector.broadcast %mul3A_546 : i32 to vector<16xi32>
          %mul3A_548 = arith.muli %convert_element_type3A_545, %mul3A_547 : vector<16xi32>
          %sub3A_549 = arith.subi %get3A_541, %mul3A_548 : vector<16xi32>
          %swap3A_550 = arith.constant 48 : index
          %swap3A_551 = tpu.vector_load %arg6[%swap3A_550] {strides = array<i32>} : memref<128xi32, #tpu.memory_space<vmem>>, vector<16xi32>,
          tpu.vector_store %arg6[%swap3A_550], %sub3A_549 {strides = array<i32>} : memref<128xi32, #tpu.memory_space<vmem>>, vector<16xi32>,
          %shift_left3A_552 = arith.constant 6 : i32
          %shift_left3A_553 = vector.broadcast %shift_left3A_552 : i32 to vector<16xi32>
          %shift_left3A_554 = arith.shli %convert_element_type3A_545, %shift_left3A_553 : vector<16xi32>
          %swap3A_555 = arith.constant 48 : index
          %swap3A_556 = tpu.vector_load %arg8[%swap3A_555] {strides = array<i32>} : memref<128xi32, #tpu.memory_space<vmem>>, vector<16xi32>,
          tpu.vector_store %arg8[%swap3A_555], %shift_left3A_554 {strides = array<i32>} : memref<128xi32, #tpu.memory_space<vmem>>, vector<16xi32>,
          %get3A_557 = arith.index_cast %add3A_484 : i32 to index
          %get3A_558 = arith.constant 64 : index
          %get3A_559 = tpu.vector_load %arg5[%get3A_557, %get3A_558] {strides = array<i32>} : memref<8x128xi32, #tpu.memory_space<vmem>>, vector<16xi32>,
          %ge3A_560 = arith.constant 507904 : i32
          %ge3A_561 = vector.broadcast %ge3A_560 : i32 to vector<16xi32>
          %ge3A_562 = arith.cmpi sge, %get3A_559, %ge3A_561 : vector<16xi32>
          %convert_element_type3A_563 = arith.extui %ge3A_562 : vector<16xi1> to vector<16xi32>
          %mul3A_564 = arith.constant 507904 : i32
          %mul3A_565 = vector.broadcast %mul3A_564 : i32 to vector<16xi32>
          %mul3A_566 = arith.muli %convert_element_type3A_563, %mul3A_565 : vector<16xi32>
          %sub3A_567 = arith.subi %get3A_559, %mul3A_566 : vector<16xi32>
          %swap3A_568 = arith.constant 64 : index
          %swap3A_569 = tpu.vector_load %arg6[%swap3A_568] {strides = array<i32>} : memref<128xi32, #tpu.memory_space<vmem>>, vector<16xi32>,
          tpu.vector_store %arg6[%swap3A_568], %sub3A_567 {strides = array<i32>} : memref<128xi32, #tpu.memory_space<vmem>>, vector<16xi32>,
          %shift_left3A_570 = arith.constant 6 : i32
          %shift_left3A_571 = vector.broadcast %shift_left3A_570 : i32 to vector<16xi32>
          %shift_left3A_572 = arith.shli %convert_element_type3A_563, %shift_left3A_571 : vector<16xi32>
          %swap3A_573 = arith.constant 64 : index
          %swap3A_574 = tpu.vector_load %arg8[%swap3A_573] {strides = array<i32>} : memref<128xi32, #tpu.memory_space<vmem>>, vector<16xi32>,
          tpu.vector_store %arg8[%swap3A_573], %shift_left3A_572 {strides = array<i32>} : memref<128xi32, #tpu.memory_space<vmem>>, vector<16xi32>,
          %get3A_575 = arith.index_cast %add3A_484 : i32 to index
          %get3A_576 = arith.constant 80 : index
          %get3A_577 = tpu.vector_load %arg5[%get3A_575, %get3A_576] {strides = array<i32>} : memref<8x128xi32, #tpu.memory_space<vmem>>, vector<16xi32>,
          %ge3A_578 = arith.constant 507904 : i32
          %ge3A_579 = vector.broadcast %ge3A_578 : i32 to vector<16xi32>
          %ge3A_580 = arith.cmpi sge, %get3A_577, %ge3A_579 : vector<16xi32>
          %convert_element_type3A_581 = arith.extui %ge3A_580 : vector<16xi1> to vector<16xi32>
          %mul3A_582 = arith.constant 507904 : i32
          %mul3A_583 = vector.broadcast %mul3A_582 : i32 to vector<16xi32>
          %mul3A_584 = arith.muli %convert_element_type3A_581, %mul3A_583 : vector<16xi32>
          %sub3A_585 = arith.subi %get3A_577, %mul3A_584 : vector<16xi32>
          %swap3A_586 = arith.constant 80 : index
          %swap3A_587 = tpu.vector_load %arg6[%swap3A_586] {strides = array<i32>} : memref<128xi32, #tpu.memory_space<vmem>>, vector<16xi32>,
          tpu.vector_store %arg6[%swap3A_586], %sub3A_585 {strides = array<i32>} : memref<128xi32, #tpu.memory_space<vmem>>, vector<16xi32>,
          %shift_left3A_588 = arith.constant 6 : i32
          %shift_left3A_589 = vector.broadcast %shift_left3A_588 : i32 to vector<16xi32>
          %shift_left3A_590 = arith.shli %convert_element_type3A_581, %shift_left3A_589 : vector<16xi32>
          %swap3A_591 = arith.constant 80 : index
          %swap3A_592 = tpu.vector_load %arg8[%swap3A_591] {strides = array<i32>} : memref<128xi32, #tpu.memory_space<vmem>>, vector<16xi32>,
          tpu.vector_store %arg8[%swap3A_591], %shift_left3A_590 {strides = array<i32>} : memref<128xi32, #tpu.memory_space<vmem>>, vector<16xi32>,
          %get3A_593 = arith.index_cast %add3A_484 : i32 to index
          %get3A_594 = arith.constant 96 : index
          %get3A_595 = tpu.vector_load %arg5[%get3A_593, %get3A_594] {strides = array<i32>} : memref<8x128xi32, #tpu.memory_space<vmem>>, vector<16xi32>,
          %ge3A_596 = arith.constant 507904 : i32
          %ge3A_597 = vector.broadcast %ge3A_596 : i32 to vector<16xi32>
          %ge3A_598 = arith.cmpi sge, %get3A_595, %ge3A_597 : vector<16xi32>
          %convert_element_type3A_599 = arith.extui %ge3A_598 : vector<16xi1> to vector<16xi32>
          %mul3A_600 = arith.constant 507904 : i32
          %mul3A_601 = vector.broadcast %mul3A_600 : i32 to vector<16xi32>
          %mul3A_602 = arith.muli %convert_element_type3A_599, %mul3A_601 : vector<16xi32>
          %sub3A_603 = arith.subi %get3A_595, %mul3A_602 : vector<16xi32>
          %swap3A_604 = arith.constant 96 : index
          %swap3A_605 = tpu.vector_load %arg6[%swap3A_604] {strides = array<i32>} : memref<128xi32, #tpu.memory_space<vmem>>, vector<16xi32>,
          tpu.vector_store %arg6[%swap3A_604], %sub3A_603 {strides = array<i32>} : memref<128xi32, #tpu.memory_space<vmem>>, vector<16xi32>,
          %shift_left3A_606 = arith.constant 6 : i32
          %shift_left3A_607 = vector.broadcast %shift_left3A_606 : i32 to vector<16xi32>
          %shift_left3A_608 = arith.shli %convert_element_type3A_599, %shift_left3A_607 : vector<16xi32>
          %swap3A_609 = arith.constant 96 : index
          %swap3A_610 = tpu.vector_load %arg8[%swap3A_609] {strides = array<i32>} : memref<128xi32, #tpu.memory_space<vmem>>, vector<16xi32>,
          tpu.vector_store %arg8[%swap3A_609], %shift_left3A_608 {strides = array<i32>} : memref<128xi32, #tpu.memory_space<vmem>>, vector<16xi32>,
          %get3A_611 = arith.index_cast %add3A_484 : i32 to index
          %get3A_612 = arith.constant 112 : index
          %get3A_613 = tpu.vector_load %arg5[%get3A_611, %get3A_612] {strides = array<i32>} : memref<8x128xi32, #tpu.memory_space<vmem>>, vector<16xi32>,
          %ge3A_614 = arith.constant 507904 : i32
          %ge3A_615 = vector.broadcast %ge3A_614 : i32 to vector<16xi32>
          %ge3A_616 = arith.cmpi sge, %get3A_613, %ge3A_615 : vector<16xi32>
          %convert_element_type3A_617 = arith.extui %ge3A_616 : vector<16xi1> to vector<16xi32>
          %mul3A_618 = arith.constant 507904 : i32
          %mul3A_619 = vector.broadcast %mul3A_618 : i32 to vector<16xi32>
          %mul3A_620 = arith.muli %convert_element_type3A_617, %mul3A_619 : vector<16xi32>
          %sub3A_621 = arith.subi %get3A_613, %mul3A_620 : vector<16xi32>
          %swap3A_622 = arith.constant 112 : index
          %swap3A_623 = tpu.vector_load %arg6[%swap3A_622] {strides = array<i32>} : memref<128xi32, #tpu.memory_space<vmem>>, vector<16xi32>,
          tpu.vector_store %arg6[%swap3A_622], %sub3A_621 {strides = array<i32>} : memref<128xi32, #tpu.memory_space<vmem>>, vector<16xi32>,
          %shift_left3A_624 = arith.constant 6 : i32
          %shift_left3A_625 = vector.broadcast %shift_left3A_624 : i32 to vector<16xi32>
          %shift_left3A_626 = arith.shli %convert_element_type3A_617, %shift_left3A_625 : vector<16xi32>
          %swap3A_627 = arith.constant 112 : index
          %swap3A_628 = tpu.vector_load %arg8[%swap3A_627] {strides = array<i32>} : memref<128xi32, #tpu.memory_space<vmem>>, vector<16xi32>,
          tpu.vector_store %arg8[%swap3A_627], %shift_left3A_626 {strides = array<i32>} : memref<128xi32, #tpu.memory_space<vmem>>, vector<16xi32>,
          %dma_start3A_629 = arith.constant 0 : i32
          %dma_start3A_630 = arith.constant 0 : i32
          %dma_start3A_631 = tpu.memref_slice %arg2[%dma_start3A_629, %dma_start3A_630] : memref<507904x128xf32, #tpu.memory_space<hbm>> -> memref<507904x128xf32, #tpu.memory_space<hbm>>
          tpu.enqueue_indirect_dma source(%dma_start3A_631 : memref<507904x128xf32, #tpu.memory_space<hbm>>) target(%arg10 : memref<128x128xf32, #tpu.memory_space<vmem>>) offsets(%arg6 : memref<128xi32, #tpu.memory_space<vmem>>) semaphore(%arg14 : memref<!tpu.dma_semaphore, #tpu.memory_space<semaphore_mem>>)
        } else {
        }
        %gt3A_444 = arith.constant 0 : i32
        %gt3A_445 = arith.cmpi sgt, %scan3A_246, %gt3A_444 : i32
        %convert_element_type3A_446 = arith.extui %gt3A_445 : i1 to i32
        %cond3A_447 = arith.constant 0 : i32
        %cond3A_448 = arith.cmpi ne, %convert_element_type3A_446, %cond3A_447 : i32
        scf.if %cond3A_448 {
          %add3A_483 = arith.addi %mul3A_65, %mul3A_248 : i32
          %sub3A_484 = arith.constant 1 : i32
          %sub3A_485 = arith.subi %add3A_483, %sub3A_484 : i32
          %dma_wait3A_486 = arith.constant 0 : i32
          %dma_wait3A_487 = arith.constant 0 : i32
          %dma_wait3A_488 = arith.constant 0 : i32
          %dma_wait3A_489 = tpu.memref_slice %arg4[%sub3A_485, %dma_wait3A_486, %select_n3A_63, %dma_wait3A_487, %dma_wait3A_488] : memref<200x8x32x8x128xf32, #tpu.memory_space<hbm>> -> memref<1x8x1x8x128xf32, #tpu.memory_space<hbm>>
          %dma_wait3A_490 = tpu.memref_squeeze %dma_wait3A_489 : memref<1x8x1x8x128xf32, #tpu.memory_space<hbm>> -> memref<8x8x128xf32, #tpu.memory_space<hbm>>
          %dma_wait3A_491 = arith.constant 0 : i32
          %dma_wait3A_492 = arith.constant 0 : i32
          %dma_wait3A_493 = arith.constant 0 : i32
          %dma_wait3A_494 = tpu.memref_slice %arg4[%sub3A_485, %dma_wait3A_491, %select_n3A_63, %dma_wait3A_492, %dma_wait3A_493] : memref<200x8x32x8x128xf32, #tpu.memory_space<hbm>> -> memref<1x8x1x8x128xf32, #tpu.memory_space<hbm>>
          %dma_wait3A_495 = tpu.memref_squeeze %dma_wait3A_494 : memref<1x8x1x8x128xf32, #tpu.memory_space<hbm>> -> memref<8x8x128xf32, #tpu.memory_space<hbm>>
          tpu.wait_dma2 semaphore(%arg15 : memref<!tpu.dma_semaphore, #tpu.memory_space<semaphore_mem>>) src(%arg13 : memref<8x8x128xf32, #tpu.memory_space<vmem>>) dst(%dma_wait3A_495 : memref<8x8x128xf32, #tpu.memory_space<hbm>>)
        } else {
        }
        %get3A_449 = arith.constant 0 : index
        %get3A_450 = tpu.vector_load %arg9[%get3A_449] {strides = array<i32>} : memref<128xi32, #tpu.memory_space<vmem>>, vector<16xi32>,
        %get3A_451 = arith.constant 16 : index
        %get3A_452 = tpu.vector_load %arg9[%get3A_451] {strides = array<i32>} : memref<128xi32, #tpu.memory_space<vmem>>, vector<16xi32>,
        %get3A_453 = arith.constant 32 : index
        %get3A_454 = tpu.vector_load %arg9[%get3A_453] {strides = array<i32>} : memref<128xi32, #tpu.memory_space<vmem>>, vector<16xi32>,
        %get3A_455 = arith.constant 48 : index
        %get3A_456 = tpu.vector_load %arg9[%get3A_455] {strides = array<i32>} : memref<128xi32, #tpu.memory_space<vmem>>, vector<16xi32>,
        %get3A_457 = arith.constant 64 : index
        %get3A_458 = tpu.vector_load %arg9[%get3A_457] {strides = array<i32>} : memref<128xi32, #tpu.memory_space<vmem>>, vector<16xi32>,
        %get3A_459 = arith.constant 80 : index
        %get3A_460 = tpu.vector_load %arg9[%get3A_459] {strides = array<i32>} : memref<128xi32, #tpu.memory_space<vmem>>, vector<16xi32>,
        %get3A_461 = arith.constant 96 : index
        %get3A_462 = tpu.vector_load %arg9[%get3A_461] {strides = array<i32>} : memref<128xi32, #tpu.memory_space<vmem>>, vector<16xi32>,
        %get3A_463 = arith.constant 112 : index
        %get3A_464 = tpu.vector_load %arg9[%get3A_463] {strides = array<i32>} : memref<128xi32, #tpu.memory_space<vmem>>, vector<16xi32>,
        %scan3A_465 = arith.constant 0 : i32
        %scan3A_466 = arith.constant 64 : i32
        %scan3A_467 = arith.addi %scan3A_465, %scan3A_466 : i32
        %scan3A_468 = arith.constant 8 : i32
        scf.for %scan3A_483 = %scan3A_465 to %scan3A_467 step %scan3A_468  : i32 {
          %add3A_484 = vector.broadcast %scan3A_483 : i32 to vector<16xi32>
          %add3A_485 = arith.addi %iota3A, %add3A_484 : vector<16xi32>
          %and3A_486 = arith.constant 63 : i32
          %and3A_487 = vector.broadcast %and3A_486 : i32 to vector<16xi32>
          %and3A_488 = arith.andi %add3A_485, %and3A_487 : vector<16xi32>
          %shift_right_logical3A = arith.constant 3 : i32
          %shift_right_logical3A_489 = vector.broadcast %shift_right_logical3A : i32 to vector<16xi32>
          %shift_right_logical3A_490 = arith.shrui %and3A_488, %shift_right_logical3A_489 : vector<16xi32>
          %and3A_491 = arith.constant 7 : i32
          %and3A_492 = vector.broadcast %and3A_491 : i32 to vector<16xi32>
          %and3A_493 = arith.andi %and3A_488, %and3A_492 : vector<16xi32>
          %add3A_494 = arith.addi %and3A_488, %get3A_450 : vector<16xi32>
          %gather3A = tpu.vector_load_idx %arg11[%add3A_3, %add3A_494] : memref<128x128xf32, #tpu.memory_space<vmem>>[vector<16xi32>, vector<16xi32>], vector<16xf32>,
          tpu.vector_store_idx %arg13[%shift_right_logical3A_490, %and3A_493, %add3A_3], %gather3A : memref<8x8x128xf32, #tpu.memory_space<vmem>>[vector<16xi32>, vector<16xi32>, vector<16xi32>], vector<16xf32>,
          %add3A_495 = arith.addi %and3A_488, %get3A_452 : vector<16xi32>
          %gather3A_496 = tpu.vector_load_idx %arg11[%add3A_6, %add3A_495] : memref<128x128xf32, #tpu.memory_space<vmem>>[vector<16xi32>, vector<16xi32>], vector<16xf32>,
          tpu.vector_store_idx %arg13[%shift_right_logical3A_490, %and3A_493, %add3A_6], %gather3A_496 : memref<8x8x128xf32, #tpu.memory_space<vmem>>[vector<16xi32>, vector<16xi32>, vector<16xi32>], vector<16xf32>,
          %add3A_497 = arith.addi %and3A_488, %get3A_454 : vector<16xi32>
          %gather3A_498 = tpu.vector_load_idx %arg11[%add3A_9, %add3A_497] : memref<128x128xf32, #tpu.memory_space<vmem>>[vector<16xi32>, vector<16xi32>], vector<16xf32>,
          tpu.vector_store_idx %arg13[%shift_right_logical3A_490, %and3A_493, %add3A_9], %gather3A_498 : memref<8x8x128xf32, #tpu.memory_space<vmem>>[vector<16xi32>, vector<16xi32>, vector<16xi32>], vector<16xf32>,
          %add3A_499 = arith.addi %and3A_488, %get3A_456 : vector<16xi32>
          %gather3A_500 = tpu.vector_load_idx %arg11[%add3A_12, %add3A_499] : memref<128x128xf32, #tpu.memory_space<vmem>>[vector<16xi32>, vector<16xi32>], vector<16xf32>,
          tpu.vector_store_idx %arg13[%shift_right_logical3A_490, %and3A_493, %add3A_12], %gather3A_500 : memref<8x8x128xf32, #tpu.memory_space<vmem>>[vector<16xi32>, vector<16xi32>, vector<16xi32>], vector<16xf32>,
          %add3A_501 = arith.addi %and3A_488, %get3A_458 : vector<16xi32>
          %gather3A_502 = tpu.vector_load_idx %arg11[%add3A_15, %add3A_501] : memref<128x128xf32, #tpu.memory_space<vmem>>[vector<16xi32>, vector<16xi32>], vector<16xf32>,
          tpu.vector_store_idx %arg13[%shift_right_logical3A_490, %and3A_493, %add3A_15], %gather3A_502 : memref<8x8x128xf32, #tpu.memory_space<vmem>>[vector<16xi32>, vector<16xi32>, vector<16xi32>], vector<16xf32>,
          %add3A_503 = arith.addi %and3A_488, %get3A_460 : vector<16xi32>
          %gather3A_504 = tpu.vector_load_idx %arg11[%add3A_18, %add3A_503] : memref<128x128xf32, #tpu.memory_space<vmem>>[vector<16xi32>, vector<16xi32>], vector<16xf32>,
          tpu.vector_store_idx %arg13[%shift_right_logical3A_490, %and3A_493, %add3A_18], %gather3A_504 : memref<8x8x128xf32, #tpu.memory_space<vmem>>[vector<16xi32>, vector<16xi32>, vector<16xi32>], vector<16xf32>,
          %add3A_505 = arith.addi %and3A_488, %get3A_462 : vector<16xi32>
          %gather3A_506 = tpu.vector_load_idx %arg11[%add3A_21, %add3A_505] : memref<128x128xf32, #tpu.memory_space<vmem>>[vector<16xi32>, vector<16xi32>], vector<16xf32>,
          tpu.vector_store_idx %arg13[%shift_right_logical3A_490, %and3A_493, %add3A_21], %gather3A_506 : memref<8x8x128xf32, #tpu.memory_space<vmem>>[vector<16xi32>, vector<16xi32>, vector<16xi32>], vector<16xf32>,
          %add3A_507 = arith.addi %and3A_488, %get3A_464 : vector<16xi32>
          %gather3A_508 = tpu.vector_load_idx %arg11[%add3A_24, %add3A_507] : memref<128x128xf32, #tpu.memory_space<vmem>>[vector<16xi32>, vector<16xi32>], vector<16xf32>,
          tpu.vector_store_idx %arg13[%shift_right_logical3A_490, %and3A_493, %add3A_24], %gather3A_508 : memref<8x8x128xf32, #tpu.memory_space<vmem>>[vector<16xi32>, vector<16xi32>, vector<16xi32>], vector<16xf32>,
          %scan3A_509 = arith.constant 1 : i32
          %scan3A_510 = arith.addi %scan3A_483, %scan3A_509 : i32
          %add3A_511 = vector.broadcast %scan3A_510 : i32 to vector<16xi32>
          %add3A_512 = arith.addi %iota3A, %add3A_511 : vector<16xi32>
          %and3A_513 = arith.constant 63 : i32
          %and3A_514 = vector.broadcast %and3A_513 : i32 to vector<16xi32>
          %and3A_515 = arith.andi %add3A_512, %and3A_514 : vector<16xi32>
          %shift_right_logical3A_516 = arith.constant 3 : i32
          %shift_right_logical3A_517 = vector.broadcast %shift_right_logical3A_516 : i32 to vector<16xi32>
          %shift_right_logical3A_518 = arith.shrui %and3A_515, %shift_right_logical3A_517 : vector<16xi32>
          %and3A_519 = arith.constant 7 : i32
          %and3A_520 = vector.broadcast %and3A_519 : i32 to vector<16xi32>
          %and3A_521 = arith.andi %and3A_515, %and3A_520 : vector<16xi32>
          %add3A_522 = arith.addi %and3A_515, %get3A_450 : vector<16xi32>
          %gather3A_523 = tpu.vector_load_idx %arg11[%add3A_3, %add3A_522] : memref<128x128xf32, #tpu.memory_space<vmem>>[vector<16xi32>, vector<16xi32>], vector<16xf32>,
          tpu.vector_store_idx %arg13[%shift_right_logical3A_518, %and3A_521, %add3A_3], %gather3A_523 : memref<8x8x128xf32, #tpu.memory_space<vmem>>[vector<16xi32>, vector<16xi32>, vector<16xi32>], vector<16xf32>,
          %add3A_524 = arith.addi %and3A_515, %get3A_452 : vector<16xi32>
          %gather3A_525 = tpu.vector_load_idx %arg11[%add3A_6, %add3A_524] : memref<128x128xf32, #tpu.memory_space<vmem>>[vector<16xi32>, vector<16xi32>], vector<16xf32>,
          tpu.vector_store_idx %arg13[%shift_right_logical3A_518, %and3A_521, %add3A_6], %gather3A_525 : memref<8x8x128xf32, #tpu.memory_space<vmem>>[vector<16xi32>, vector<16xi32>, vector<16xi32>], vector<16xf32>,
          %add3A_526 = arith.addi %and3A_515, %get3A_454 : vector<16xi32>
          %gather3A_527 = tpu.vector_load_idx %arg11[%add3A_9, %add3A_526] : memref<128x128xf32, #tpu.memory_space<vmem>>[vector<16xi32>, vector<16xi32>], vector<16xf32>,
          tpu.vector_store_idx %arg13[%shift_right_logical3A_518, %and3A_521, %add3A_9], %gather3A_527 : memref<8x8x128xf32, #tpu.memory_space<vmem>>[vector<16xi32>, vector<16xi32>, vector<16xi32>], vector<16xf32>,
          %add3A_528 = arith.addi %and3A_515, %get3A_456 : vector<16xi32>
          %gather3A_529 = tpu.vector_load_idx %arg11[%add3A_12, %add3A_528] : memref<128x128xf32, #tpu.memory_space<vmem>>[vector<16xi32>, vector<16xi32>], vector<16xf32>,
          tpu.vector_store_idx %arg13[%shift_right_logical3A_518, %and3A_521, %add3A_12], %gather3A_529 : memref<8x8x128xf32, #tpu.memory_space<vmem>>[vector<16xi32>, vector<16xi32>, vector<16xi32>], vector<16xf32>,
          %add3A_530 = arith.addi %and3A_515, %get3A_458 : vector<16xi32>
          %gather3A_531 = tpu.vector_load_idx %arg11[%add3A_15, %add3A_530] : memref<128x128xf32, #tpu.memory_space<vmem>>[vector<16xi32>, vector<16xi32>], vector<16xf32>,
          tpu.vector_store_idx %arg13[%shift_right_logical3A_518, %and3A_521, %add3A_15], %gather3A_531 : memref<8x8x128xf32, #tpu.memory_space<vmem>>[vector<16xi32>, vector<16xi32>, vector<16xi32>], vector<16xf32>,
          %add3A_532 = arith.addi %and3A_515, %get3A_460 : vector<16xi32>
          %gather3A_533 = tpu.vector_load_idx %arg11[%add3A_18, %add3A_532] : memref<128x128xf32, #tpu.memory_space<vmem>>[vector<16xi32>, vector<16xi32>], vector<16xf32>,
          tpu.vector_store_idx %arg13[%shift_right_logical3A_518, %and3A_521, %add3A_18], %gather3A_533 : memref<8x8x128xf32, #tpu.memory_space<vmem>>[vector<16xi32>, vector<16xi32>, vector<16xi32>], vector<16xf32>,
          %add3A_534 = arith.addi %and3A_515, %get3A_462 : vector<16xi32>
          %gather3A_535 = tpu.vector_load_idx %arg11[%add3A_21, %add3A_534] : memref<128x128xf32, #tpu.memory_space<vmem>>[vector<16xi32>, vector<16xi32>], vector<16xf32>,
          tpu.vector_store_idx %arg13[%shift_right_logical3A_518, %and3A_521, %add3A_21], %gather3A_535 : memref<8x8x128xf32, #tpu.memory_space<vmem>>[vector<16xi32>, vector<16xi32>, vector<16xi32>], vector<16xf32>,
          %add3A_536 = arith.addi %and3A_515, %get3A_464 : vector<16xi32>
          %gather3A_537 = tpu.vector_load_idx %arg11[%add3A_24, %add3A_536] : memref<128x128xf32, #tpu.memory_space<vmem>>[vector<16xi32>, vector<16xi32>], vector<16xf32>,
          tpu.vector_store_idx %arg13[%shift_right_logical3A_518, %and3A_521, %add3A_24], %gather3A_537 : memref<8x8x128xf32, #tpu.memory_space<vmem>>[vector<16xi32>, vector<16xi32>, vector<16xi32>], vector<16xf32>,
          %scan3A_538 = arith.constant 2 : i32
          %scan3A_539 = arith.addi %scan3A_483, %scan3A_538 : i32
          %add3A_540 = vector.broadcast %scan3A_539 : i32 to vector<16xi32>
          %add3A_541 = arith.addi %iota3A, %add3A_540 : vector<16xi32>
          %and3A_542 = arith.constant 63 : i32
          %and3A_543 = vector.broadcast %and3A_542 : i32 to vector<16xi32>
          %and3A_544 = arith.andi %add3A_541, %and3A_543 : vector<16xi32>
          %shift_right_logical3A_545 = arith.constant 3 : i32
          %shift_right_logical3A_546 = vector.broadcast %shift_right_logical3A_545 : i32 to vector<16xi32>
          %shift_right_logical3A_547 = arith.shrui %and3A_544, %shift_right_logical3A_546 : vector<16xi32>
          %and3A_548 = arith.constant 7 : i32
          %and3A_549 = vector.broadcast %and3A_548 : i32 to vector<16xi32>
          %and3A_550 = arith.andi %and3A_544, %and3A_549 : vector<16xi32>
          %add3A_551 = arith.addi %and3A_544, %get3A_450 : vector<16xi32>
          %gather3A_552 = tpu.vector_load_idx %arg11[%add3A_3, %add3A_551] : memref<128x128xf32, #tpu.memory_space<vmem>>[vector<16xi32>, vector<16xi32>], vector<16xf32>,
          tpu.vector_store_idx %arg13[%shift_right_logical3A_547, %and3A_550, %add3A_3], %gather3A_552 : memref<8x8x128xf32, #tpu.memory_space<vmem>>[vector<16xi32>, vector<16xi32>, vector<16xi32>], vector<16xf32>,
          %add3A_553 = arith.addi %and3A_544, %get3A_452 : vector<16xi32>
          %gather3A_554 = tpu.vector_load_idx %arg11[%add3A_6, %add3A_553] : memref<128x128xf32, #tpu.memory_space<vmem>>[vector<16xi32>, vector<16xi32>], vector<16xf32>,
          tpu.vector_store_idx %arg13[%shift_right_logical3A_547, %and3A_550, %add3A_6], %gather3A_554 : memref<8x8x128xf32, #tpu.memory_space<vmem>>[vector<16xi32>, vector<16xi32>, vector<16xi32>], vector<16xf32>,
          %add3A_555 = arith.addi %and3A_544, %get3A_454 : vector<16xi32>
          %gather3A_556 = tpu.vector_load_idx %arg11[%add3A_9, %add3A_555] : memref<128x128xf32, #tpu.memory_space<vmem>>[vector<16xi32>, vector<16xi32>], vector<16xf32>,
          tpu.vector_store_idx %arg13[%shift_right_logical3A_547, %and3A_550, %add3A_9], %gather3A_556 : memref<8x8x128xf32, #tpu.memory_space<vmem>>[vector<16xi32>, vector<16xi32>, vector<16xi32>], vector<16xf32>,
          %add3A_557 = arith.addi %and3A_544, %get3A_456 : vector<16xi32>
          %gather3A_558 = tpu.vector_load_idx %arg11[%add3A_12, %add3A_557] : memref<128x128xf32, #tpu.memory_space<vmem>>[vector<16xi32>, vector<16xi32>], vector<16xf32>,
          tpu.vector_store_idx %arg13[%shift_right_logical3A_547, %and3A_550, %add3A_12], %gather3A_558 : memref<8x8x128xf32, #tpu.memory_space<vmem>>[vector<16xi32>, vector<16xi32>, vector<16xi32>], vector<16xf32>,
          %add3A_559 = arith.addi %and3A_544, %get3A_458 : vector<16xi32>
          %gather3A_560 = tpu.vector_load_idx %arg11[%add3A_15, %add3A_559] : memref<128x128xf32, #tpu.memory_space<vmem>>[vector<16xi32>, vector<16xi32>], vector<16xf32>,
          tpu.vector_store_idx %arg13[%shift_right_logical3A_547, %and3A_550, %add3A_15], %gather3A_560 : memref<8x8x128xf32, #tpu.memory_space<vmem>>[vector<16xi32>, vector<16xi32>, vector<16xi32>], vector<16xf32>,
          %add3A_561 = arith.addi %and3A_544, %get3A_460 : vector<16xi32>
          %gather3A_562 = tpu.vector_load_idx %arg11[%add3A_18, %add3A_561] : memref<128x128xf32, #tpu.memory_space<vmem>>[vector<16xi32>, vector<16xi32>], vector<16xf32>,
          tpu.vector_store_idx %arg13[%shift_right_logical3A_547, %and3A_550, %add3A_18], %gather3A_562 : memref<8x8x128xf32, #tpu.memory_space<vmem>>[vector<16xi32>, vector<16xi32>, vector<16xi32>], vector<16xf32>,
          %add3A_563 = arith.addi %and3A_544, %get3A_462 : vector<16xi32>
          %gather3A_564 = tpu.vector_load_idx %arg11[%add3A_21, %add3A_563] : memref<128x128xf32, #tpu.memory_space<vmem>>[vector<16xi32>, vector<16xi32>], vector<16xf32>,
          tpu.vector_store_idx %arg13[%shift_right_logical3A_547, %and3A_550, %add3A_21], %gather3A_564 : memref<8x8x128xf32, #tpu.memory_space<vmem>>[vector<16xi32>, vector<16xi32>, vector<16xi32>], vector<16xf32>,
          %add3A_565 = arith.addi %and3A_544, %get3A_464 : vector<16xi32>
          %gather3A_566 = tpu.vector_load_idx %arg11[%add3A_24, %add3A_565] : memref<128x128xf32, #tpu.memory_space<vmem>>[vector<16xi32>, vector<16xi32>], vector<16xf32>,
          tpu.vector_store_idx %arg13[%shift_right_logical3A_547, %and3A_550, %add3A_24], %gather3A_566 : memref<8x8x128xf32, #tpu.memory_space<vmem>>[vector<16xi32>, vector<16xi32>, vector<16xi32>], vector<16xf32>,
          %scan3A_567 = arith.constant 3 : i32
          %scan3A_568 = arith.addi %scan3A_483, %scan3A_567 : i32
          %add3A_569 = vector.broadcast %scan3A_568 : i32 to vector<16xi32>
          %add3A_570 = arith.addi %iota3A, %add3A_569 : vector<16xi32>
          %and3A_571 = arith.constant 63 : i32
          %and3A_572 = vector.broadcast %and3A_571 : i32 to vector<16xi32>
          %and3A_573 = arith.andi %add3A_570, %and3A_572 : vector<16xi32>
          %shift_right_logical3A_574 = arith.constant 3 : i32
          %shift_right_logical3A_575 = vector.broadcast %shift_right_logical3A_574 : i32 to vector<16xi32>
          %shift_right_logical3A_576 = arith.shrui %and3A_573, %shift_right_logical3A_575 : vector<16xi32>
          %and3A_577 = arith.constant 7 : i32
          %and3A_578 = vector.broadcast %and3A_577 : i32 to vector<16xi32>
          %and3A_579 = arith.andi %and3A_573, %and3A_578 : vector<16xi32>
          %add3A_580 = arith.addi %and3A_573, %get3A_450 : vector<16xi32>
          %gather3A_581 = tpu.vector_load_idx %arg11[%add3A_3, %add3A_580] : memref<128x128xf32, #tpu.memory_space<vmem>>[vector<16xi32>, vector<16xi32>], vector<16xf32>,
          tpu.vector_store_idx %arg13[%shift_right_logical3A_576, %and3A_579, %add3A_3], %gather3A_581 : memref<8x8x128xf32, #tpu.memory_space<vmem>>[vector<16xi32>, vector<16xi32>, vector<16xi32>], vector<16xf32>,
          %add3A_582 = arith.addi %and3A_573, %get3A_452 : vector<16xi32>
          %gather3A_583 = tpu.vector_load_idx %arg11[%add3A_6, %add3A_582] : memref<128x128xf32, #tpu.memory_space<vmem>>[vector<16xi32>, vector<16xi32>], vector<16xf32>,
          tpu.vector_store_idx %arg13[%shift_right_logical3A_576, %and3A_579, %add3A_6], %gather3A_583 : memref<8x8x128xf32, #tpu.memory_space<vmem>>[vector<16xi32>, vector<16xi32>, vector<16xi32>], vector<16xf32>,
          %add3A_584 = arith.addi %and3A_573, %get3A_454 : vector<16xi32>
          %gather3A_585 = tpu.vector_load_idx %arg11[%add3A_9, %add3A_584] : memref<128x128xf32, #tpu.memory_space<vmem>>[vector<16xi32>, vector<16xi32>], vector<16xf32>,
          tpu.vector_store_idx %arg13[%shift_right_logical3A_576, %and3A_579, %add3A_9], %gather3A_585 : memref<8x8x128xf32, #tpu.memory_space<vmem>>[vector<16xi32>, vector<16xi32>, vector<16xi32>], vector<16xf32>,
          %add3A_586 = arith.addi %and3A_573, %get3A_456 : vector<16xi32>
          %gather3A_587 = tpu.vector_load_idx %arg11[%add3A_12, %add3A_586] : memref<128x128xf32, #tpu.memory_space<vmem>>[vector<16xi32>, vector<16xi32>], vector<16xf32>,
          tpu.vector_store_idx %arg13[%shift_right_logical3A_576, %and3A_579, %add3A_12], %gather3A_587 : memref<8x8x128xf32, #tpu.memory_space<vmem>>[vector<16xi32>, vector<16xi32>, vector<16xi32>], vector<16xf32>,
          %add3A_588 = arith.addi %and3A_573, %get3A_458 : vector<16xi32>
          %gather3A_589 = tpu.vector_load_idx %arg11[%add3A_15, %add3A_588] : memref<128x128xf32, #tpu.memory_space<vmem>>[vector<16xi32>, vector<16xi32>], vector<16xf32>,
          tpu.vector_store_idx %arg13[%shift_right_logical3A_576, %and3A_579, %add3A_15], %gather3A_589 : memref<8x8x128xf32, #tpu.memory_space<vmem>>[vector<16xi32>, vector<16xi32>, vector<16xi32>], vector<16xf32>,
          %add3A_590 = arith.addi %and3A_573, %get3A_460 : vector<16xi32>
          %gather3A_591 = tpu.vector_load_idx %arg11[%add3A_18, %add3A_590] : memref<128x128xf32, #tpu.memory_space<vmem>>[vector<16xi32>, vector<16xi32>], vector<16xf32>,
          tpu.vector_store_idx %arg13[%shift_right_logical3A_576, %and3A_579, %add3A_18], %gather3A_591 : memref<8x8x128xf32, #tpu.memory_space<vmem>>[vector<16xi32>, vector<16xi32>, vector<16xi32>], vector<16xf32>,
          %add3A_592 = arith.addi %and3A_573, %get3A_462 : vector<16xi32>
          %gather3A_593 = tpu.vector_load_idx %arg11[%add3A_21, %add3A_592] : memref<128x128xf32, #tpu.memory_space<vmem>>[vector<16xi32>, vector<16xi32>], vector<16xf32>,
          tpu.vector_store_idx %arg13[%shift_right_logical3A_576, %and3A_579, %add3A_21], %gather3A_593 : memref<8x8x128xf32, #tpu.memory_space<vmem>>[vector<16xi32>, vector<16xi32>, vector<16xi32>], vector<16xf32>,
          %add3A_594 = arith.addi %and3A_573, %get3A_464 : vector<16xi32>
          %gather3A_595 = tpu.vector_load_idx %arg11[%add3A_24, %add3A_594] : memref<128x128xf32, #tpu.memory_space<vmem>>[vector<16xi32>, vector<16xi32>], vector<16xf32>,
          tpu.vector_store_idx %arg13[%shift_right_logical3A_576, %and3A_579, %add3A_24], %gather3A_595 : memref<8x8x128xf32, #tpu.memory_space<vmem>>[vector<16xi32>, vector<16xi32>, vector<16xi32>], vector<16xf32>,
          %scan3A_596 = arith.constant 4 : i32
          %scan3A_597 = arith.addi %scan3A_483, %scan3A_596 : i32
          %add3A_598 = vector.broadcast %scan3A_597 : i32 to vector<16xi32>
          %add3A_599 = arith.addi %iota3A, %add3A_598 : vector<16xi32>
          %and3A_600 = arith.constant 63 : i32
          %and3A_601 = vector.broadcast %and3A_600 : i32 to vector<16xi32>
          %and3A_602 = arith.andi %add3A_599, %and3A_601 : vector<16xi32>
          %shift_right_logical3A_603 = arith.constant 3 : i32
          %shift_right_logical3A_604 = vector.broadcast %shift_right_logical3A_603 : i32 to vector<16xi32>
          %shift_right_logical3A_605 = arith.shrui %and3A_602, %shift_right_logical3A_604 : vector<16xi32>
          %and3A_606 = arith.constant 7 : i32
          %and3A_607 = vector.broadcast %and3A_606 : i32 to vector<16xi32>
          %and3A_608 = arith.andi %and3A_602, %and3A_607 : vector<16xi32>
          %add3A_609 = arith.addi %and3A_602, %get3A_450 : vector<16xi32>
          %gather3A_610 = tpu.vector_load_idx %arg11[%add3A_3, %add3A_609] : memref<128x128xf32, #tpu.memory_space<vmem>>[vector<16xi32>, vector<16xi32>], vector<16xf32>,
          tpu.vector_store_idx %arg13[%shift_right_logical3A_605, %and3A_608, %add3A_3], %gather3A_610 : memref<8x8x128xf32, #tpu.memory_space<vmem>>[vector<16xi32>, vector<16xi32>, vector<16xi32>], vector<16xf32>,
          %add3A_611 = arith.addi %and3A_602, %get3A_452 : vector<16xi32>
          %gather3A_612 = tpu.vector_load_idx %arg11[%add3A_6, %add3A_611] : memref<128x128xf32, #tpu.memory_space<vmem>>[vector<16xi32>, vector<16xi32>], vector<16xf32>,
          tpu.vector_store_idx %arg13[%shift_right_logical3A_605, %and3A_608, %add3A_6], %gather3A_612 : memref<8x8x128xf32, #tpu.memory_space<vmem>>[vector<16xi32>, vector<16xi32>, vector<16xi32>], vector<16xf32>,
          %add3A_613 = arith.addi %and3A_602, %get3A_454 : vector<16xi32>
          %gather3A_614 = tpu.vector_load_idx %arg11[%add3A_9, %add3A_613] : memref<128x128xf32, #tpu.memory_space<vmem>>[vector<16xi32>, vector<16xi32>], vector<16xf32>,
          tpu.vector_store_idx %arg13[%shift_right_logical3A_605, %and3A_608, %add3A_9], %gather3A_614 : memref<8x8x128xf32, #tpu.memory_space<vmem>>[vector<16xi32>, vector<16xi32>, vector<16xi32>], vector<16xf32>,
          %add3A_615 = arith.addi %and3A_602, %get3A_456 : vector<16xi32>
          %gather3A_616 = tpu.vector_load_idx %arg11[%add3A_12, %add3A_615] : memref<128x128xf32, #tpu.memory_space<vmem>>[vector<16xi32>, vector<16xi32>], vector<16xf32>,
          tpu.vector_store_idx %arg13[%shift_right_logical3A_605, %and3A_608, %add3A_12], %gather3A_616 : memref<8x8x128xf32, #tpu.memory_space<vmem>>[vector<16xi32>, vector<16xi32>, vector<16xi32>], vector<16xf32>,
          %add3A_617 = arith.addi %and3A_602, %get3A_458 : vector<16xi32>
          %gather3A_618 = tpu.vector_load_idx %arg11[%add3A_15, %add3A_617] : memref<128x128xf32, #tpu.memory_space<vmem>>[vector<16xi32>, vector<16xi32>], vector<16xf32>,
          tpu.vector_store_idx %arg13[%shift_right_logical3A_605, %and3A_608, %add3A_15], %gather3A_618 : memref<8x8x128xf32, #tpu.memory_space<vmem>>[vector<16xi32>, vector<16xi32>, vector<16xi32>], vector<16xf32>,
          %add3A_619 = arith.addi %and3A_602, %get3A_460 : vector<16xi32>
          %gather3A_620 = tpu.vector_load_idx %arg11[%add3A_18, %add3A_619] : memref<128x128xf32, #tpu.memory_space<vmem>>[vector<16xi32>, vector<16xi32>], vector<16xf32>,
          tpu.vector_store_idx %arg13[%shift_right_logical3A_605, %and3A_608, %add3A_18], %gather3A_620 : memref<8x8x128xf32, #tpu.memory_space<vmem>>[vector<16xi32>, vector<16xi32>, vector<16xi32>], vector<16xf32>,
          %add3A_621 = arith.addi %and3A_602, %get3A_462 : vector<16xi32>
          %gather3A_622 = tpu.vector_load_idx %arg11[%add3A_21, %add3A_621] : memref<128x128xf32, #tpu.memory_space<vmem>>[vector<16xi32>, vector<16xi32>], vector<16xf32>,
          tpu.vector_store_idx %arg13[%shift_right_logical3A_605, %and3A_608, %add3A_21], %gather3A_622 : memref<8x8x128xf32, #tpu.memory_space<vmem>>[vector<16xi32>, vector<16xi32>, vector<16xi32>], vector<16xf32>,
          %add3A_623 = arith.addi %and3A_602, %get3A_464 : vector<16xi32>
          %gather3A_624 = tpu.vector_load_idx %arg11[%add3A_24, %add3A_623] : memref<128x128xf32, #tpu.memory_space<vmem>>[vector<16xi32>, vector<16xi32>], vector<16xf32>,
          tpu.vector_store_idx %arg13[%shift_right_logical3A_605, %and3A_608, %add3A_24], %gather3A_624 : memref<8x8x128xf32, #tpu.memory_space<vmem>>[vector<16xi32>, vector<16xi32>, vector<16xi32>], vector<16xf32>,
          %scan3A_625 = arith.constant 5 : i32
          %scan3A_626 = arith.addi %scan3A_483, %scan3A_625 : i32
          %add3A_627 = vector.broadcast %scan3A_626 : i32 to vector<16xi32>
          %add3A_628 = arith.addi %iota3A, %add3A_627 : vector<16xi32>
          %and3A_629 = arith.constant 63 : i32
          %and3A_630 = vector.broadcast %and3A_629 : i32 to vector<16xi32>
          %and3A_631 = arith.andi %add3A_628, %and3A_630 : vector<16xi32>
          %shift_right_logical3A_632 = arith.constant 3 : i32
          %shift_right_logical3A_633 = vector.broadcast %shift_right_logical3A_632 : i32 to vector<16xi32>
          %shift_right_logical3A_634 = arith.shrui %and3A_631, %shift_right_logical3A_633 : vector<16xi32>
          %and3A_635 = arith.constant 7 : i32
          %and3A_636 = vector.broadcast %and3A_635 : i32 to vector<16xi32>
          %and3A_637 = arith.andi %and3A_631, %and3A_636 : vector<16xi32>
          %add3A_638 = arith.addi %and3A_631, %get3A_450 : vector<16xi32>
          %gather3A_639 = tpu.vector_load_idx %arg11[%add3A_3, %add3A_638] : memref<128x128xf32, #tpu.memory_space<vmem>>[vector<16xi32>, vector<16xi32>], vector<16xf32>,
          tpu.vector_store_idx %arg13[%shift_right_logical3A_634, %and3A_637, %add3A_3], %gather3A_639 : memref<8x8x128xf32, #tpu.memory_space<vmem>>[vector<16xi32>, vector<16xi32>, vector<16xi32>], vector<16xf32>,
          %add3A_640 = arith.addi %and3A_631, %get3A_452 : vector<16xi32>
          %gather3A_641 = tpu.vector_load_idx %arg11[%add3A_6, %add3A_640] : memref<128x128xf32, #tpu.memory_space<vmem>>[vector<16xi32>, vector<16xi32>], vector<16xf32>,
          tpu.vector_store_idx %arg13[%shift_right_logical3A_634, %and3A_637, %add3A_6], %gather3A_641 : memref<8x8x128xf32, #tpu.memory_space<vmem>>[vector<16xi32>, vector<16xi32>, vector<16xi32>], vector<16xf32>,
          %add3A_642 = arith.addi %and3A_631, %get3A_454 : vector<16xi32>
          %gather3A_643 = tpu.vector_load_idx %arg11[%add3A_9, %add3A_642] : memref<128x128xf32, #tpu.memory_space<vmem>>[vector<16xi32>, vector<16xi32>], vector<16xf32>,
          tpu.vector_store_idx %arg13[%shift_right_logical3A_634, %and3A_637, %add3A_9], %gather3A_643 : memref<8x8x128xf32, #tpu.memory_space<vmem>>[vector<16xi32>, vector<16xi32>, vector<16xi32>], vector<16xf32>,
          %add3A_644 = arith.addi %and3A_631, %get3A_456 : vector<16xi32>
          %gather3A_645 = tpu.vector_load_idx %arg11[%add3A_12, %add3A_644] : memref<128x128xf32, #tpu.memory_space<vmem>>[vector<16xi32>, vector<16xi32>], vector<16xf32>,
          tpu.vector_store_idx %arg13[%shift_right_logical3A_634, %and3A_637, %add3A_12], %gather3A_645 : memref<8x8x128xf32, #tpu.memory_space<vmem>>[vector<16xi32>, vector<16xi32>, vector<16xi32>], vector<16xf32>,
          %add3A_646 = arith.addi %and3A_631, %get3A_458 : vector<16xi32>
          %gather3A_647 = tpu.vector_load_idx %arg11[%add3A_15, %add3A_646] : memref<128x128xf32, #tpu.memory_space<vmem>>[vector<16xi32>, vector<16xi32>], vector<16xf32>,
          tpu.vector_store_idx %arg13[%shift_right_logical3A_634, %and3A_637, %add3A_15], %gather3A_647 : memref<8x8x128xf32, #tpu.memory_space<vmem>>[vector<16xi32>, vector<16xi32>, vector<16xi32>], vector<16xf32>,
          %add3A_648 = arith.addi %and3A_631, %get3A_460 : vector<16xi32>
          %gather3A_649 = tpu.vector_load_idx %arg11[%add3A_18, %add3A_648] : memref<128x128xf32, #tpu.memory_space<vmem>>[vector<16xi32>, vector<16xi32>], vector<16xf32>,
          tpu.vector_store_idx %arg13[%shift_right_logical3A_634, %and3A_637, %add3A_18], %gather3A_649 : memref<8x8x128xf32, #tpu.memory_space<vmem>>[vector<16xi32>, vector<16xi32>, vector<16xi32>], vector<16xf32>,
          %add3A_650 = arith.addi %and3A_631, %get3A_462 : vector<16xi32>
          %gather3A_651 = tpu.vector_load_idx %arg11[%add3A_21, %add3A_650] : memref<128x128xf32, #tpu.memory_space<vmem>>[vector<16xi32>, vector<16xi32>], vector<16xf32>,
          tpu.vector_store_idx %arg13[%shift_right_logical3A_634, %and3A_637, %add3A_21], %gather3A_651 : memref<8x8x128xf32, #tpu.memory_space<vmem>>[vector<16xi32>, vector<16xi32>, vector<16xi32>], vector<16xf32>,
          %add3A_652 = arith.addi %and3A_631, %get3A_464 : vector<16xi32>
          %gather3A_653 = tpu.vector_load_idx %arg11[%add3A_24, %add3A_652] : memref<128x128xf32, #tpu.memory_space<vmem>>[vector<16xi32>, vector<16xi32>], vector<16xf32>,
          tpu.vector_store_idx %arg13[%shift_right_logical3A_634, %and3A_637, %add3A_24], %gather3A_653 : memref<8x8x128xf32, #tpu.memory_space<vmem>>[vector<16xi32>, vector<16xi32>, vector<16xi32>], vector<16xf32>,
          %scan3A_654 = arith.constant 6 : i32
          %scan3A_655 = arith.addi %scan3A_483, %scan3A_654 : i32
          %add3A_656 = vector.broadcast %scan3A_655 : i32 to vector<16xi32>
          %add3A_657 = arith.addi %iota3A, %add3A_656 : vector<16xi32>
          %and3A_658 = arith.constant 63 : i32
          %and3A_659 = vector.broadcast %and3A_658 : i32 to vector<16xi32>
          %and3A_660 = arith.andi %add3A_657, %and3A_659 : vector<16xi32>
          %shift_right_logical3A_661 = arith.constant 3 : i32
          %shift_right_logical3A_662 = vector.broadcast %shift_right_logical3A_661 : i32 to vector<16xi32>
          %shift_right_logical3A_663 = arith.shrui %and3A_660, %shift_right_logical3A_662 : vector<16xi32>
          %and3A_664 = arith.constant 7 : i32
          %and3A_665 = vector.broadcast %and3A_664 : i32 to vector<16xi32>
          %and3A_666 = arith.andi %and3A_660, %and3A_665 : vector<16xi32>
          %add3A_667 = arith.addi %and3A_660, %get3A_450 : vector<16xi32>
          %gather3A_668 = tpu.vector_load_idx %arg11[%add3A_3, %add3A_667] : memref<128x128xf32, #tpu.memory_space<vmem>>[vector<16xi32>, vector<16xi32>], vector<16xf32>,
          tpu.vector_store_idx %arg13[%shift_right_logical3A_663, %and3A_666, %add3A_3], %gather3A_668 : memref<8x8x128xf32, #tpu.memory_space<vmem>>[vector<16xi32>, vector<16xi32>, vector<16xi32>], vector<16xf32>,
          %add3A_669 = arith.addi %and3A_660, %get3A_452 : vector<16xi32>
          %gather3A_670 = tpu.vector_load_idx %arg11[%add3A_6, %add3A_669] : memref<128x128xf32, #tpu.memory_space<vmem>>[vector<16xi32>, vector<16xi32>], vector<16xf32>,
          tpu.vector_store_idx %arg13[%shift_right_logical3A_663, %and3A_666, %add3A_6], %gather3A_670 : memref<8x8x128xf32, #tpu.memory_space<vmem>>[vector<16xi32>, vector<16xi32>, vector<16xi32>], vector<16xf32>,
          %add3A_671 = arith.addi %and3A_660, %get3A_454 : vector<16xi32>
          %gather3A_672 = tpu.vector_load_idx %arg11[%add3A_9, %add3A_671] : memref<128x128xf32, #tpu.memory_space<vmem>>[vector<16xi32>, vector<16xi32>], vector<16xf32>,
          tpu.vector_store_idx %arg13[%shift_right_logical3A_663, %and3A_666, %add3A_9], %gather3A_672 : memref<8x8x128xf32, #tpu.memory_space<vmem>>[vector<16xi32>, vector<16xi32>, vector<16xi32>], vector<16xf32>,
          %add3A_673 = arith.addi %and3A_660, %get3A_456 : vector<16xi32>
          %gather3A_674 = tpu.vector_load_idx %arg11[%add3A_12, %add3A_673] : memref<128x128xf32, #tpu.memory_space<vmem>>[vector<16xi32>, vector<16xi32>], vector<16xf32>,
          tpu.vector_store_idx %arg13[%shift_right_logical3A_663, %and3A_666, %add3A_12], %gather3A_674 : memref<8x8x128xf32, #tpu.memory_space<vmem>>[vector<16xi32>, vector<16xi32>, vector<16xi32>], vector<16xf32>,
          %add3A_675 = arith.addi %and3A_660, %get3A_458 : vector<16xi32>
          %gather3A_676 = tpu.vector_load_idx %arg11[%add3A_15, %add3A_675] : memref<128x128xf32, #tpu.memory_space<vmem>>[vector<16xi32>, vector<16xi32>], vector<16xf32>,
          tpu.vector_store_idx %arg13[%shift_right_logical3A_663, %and3A_666, %add3A_15], %gather3A_676 : memref<8x8x128xf32, #tpu.memory_space<vmem>>[vector<16xi32>, vector<16xi32>, vector<16xi32>], vector<16xf32>,
          %add3A_677 = arith.addi %and3A_660, %get3A_460 : vector<16xi32>
          %gather3A_678 = tpu.vector_load_idx %arg11[%add3A_18, %add3A_677] : memref<128x128xf32, #tpu.memory_space<vmem>>[vector<16xi32>, vector<16xi32>], vector<16xf32>,
          tpu.vector_store_idx %arg13[%shift_right_logical3A_663, %and3A_666, %add3A_18], %gather3A_678 : memref<8x8x128xf32, #tpu.memory_space<vmem>>[vector<16xi32>, vector<16xi32>, vector<16xi32>], vector<16xf32>,
          %add3A_679 = arith.addi %and3A_660, %get3A_462 : vector<16xi32>
          %gather3A_680 = tpu.vector_load_idx %arg11[%add3A_21, %add3A_679] : memref<128x128xf32, #tpu.memory_space<vmem>>[vector<16xi32>, vector<16xi32>], vector<16xf32>,
          tpu.vector_store_idx %arg13[%shift_right_logical3A_663, %and3A_666, %add3A_21], %gather3A_680 : memref<8x8x128xf32, #tpu.memory_space<vmem>>[vector<16xi32>, vector<16xi32>, vector<16xi32>], vector<16xf32>,
          %add3A_681 = arith.addi %and3A_660, %get3A_464 : vector<16xi32>
          %gather3A_682 = tpu.vector_load_idx %arg11[%add3A_24, %add3A_681] : memref<128x128xf32, #tpu.memory_space<vmem>>[vector<16xi32>, vector<16xi32>], vector<16xf32>,
          tpu.vector_store_idx %arg13[%shift_right_logical3A_663, %and3A_666, %add3A_24], %gather3A_682 : memref<8x8x128xf32, #tpu.memory_space<vmem>>[vector<16xi32>, vector<16xi32>, vector<16xi32>], vector<16xf32>,
          %scan3A_683 = arith.constant 7 : i32
          %scan3A_684 = arith.addi %scan3A_483, %scan3A_683 : i32
          %add3A_685 = vector.broadcast %scan3A_684 : i32 to vector<16xi32>
          %add3A_686 = arith.addi %iota3A, %add3A_685 : vector<16xi32>
          %and3A_687 = arith.constant 63 : i32
          %and3A_688 = vector.broadcast %and3A_687 : i32 to vector<16xi32>
          %and3A_689 = arith.andi %add3A_686, %and3A_688 : vector<16xi32>
          %shift_right_logical3A_690 = arith.constant 3 : i32
          %shift_right_logical3A_691 = vector.broadcast %shift_right_logical3A_690 : i32 to vector<16xi32>
          %shift_right_logical3A_692 = arith.shrui %and3A_689, %shift_right_logical3A_691 : vector<16xi32>
          %and3A_693 = arith.constant 7 : i32
          %and3A_694 = vector.broadcast %and3A_693 : i32 to vector<16xi32>
          %and3A_695 = arith.andi %and3A_689, %and3A_694 : vector<16xi32>
          %add3A_696 = arith.addi %and3A_689, %get3A_450 : vector<16xi32>
          %gather3A_697 = tpu.vector_load_idx %arg11[%add3A_3, %add3A_696] : memref<128x128xf32, #tpu.memory_space<vmem>>[vector<16xi32>, vector<16xi32>], vector<16xf32>,
          tpu.vector_store_idx %arg13[%shift_right_logical3A_692, %and3A_695, %add3A_3], %gather3A_697 : memref<8x8x128xf32, #tpu.memory_space<vmem>>[vector<16xi32>, vector<16xi32>, vector<16xi32>], vector<16xf32>,
          %add3A_698 = arith.addi %and3A_689, %get3A_452 : vector<16xi32>
          %gather3A_699 = tpu.vector_load_idx %arg11[%add3A_6, %add3A_698] : memref<128x128xf32, #tpu.memory_space<vmem>>[vector<16xi32>, vector<16xi32>], vector<16xf32>,
          tpu.vector_store_idx %arg13[%shift_right_logical3A_692, %and3A_695, %add3A_6], %gather3A_699 : memref<8x8x128xf32, #tpu.memory_space<vmem>>[vector<16xi32>, vector<16xi32>, vector<16xi32>], vector<16xf32>,
          %add3A_700 = arith.addi %and3A_689, %get3A_454 : vector<16xi32>
          %gather3A_701 = tpu.vector_load_idx %arg11[%add3A_9, %add3A_700] : memref<128x128xf32, #tpu.memory_space<vmem>>[vector<16xi32>, vector<16xi32>], vector<16xf32>,
          tpu.vector_store_idx %arg13[%shift_right_logical3A_692, %and3A_695, %add3A_9], %gather3A_701 : memref<8x8x128xf32, #tpu.memory_space<vmem>>[vector<16xi32>, vector<16xi32>, vector<16xi32>], vector<16xf32>,
          %add3A_702 = arith.addi %and3A_689, %get3A_456 : vector<16xi32>
          %gather3A_703 = tpu.vector_load_idx %arg11[%add3A_12, %add3A_702] : memref<128x128xf32, #tpu.memory_space<vmem>>[vector<16xi32>, vector<16xi32>], vector<16xf32>,
          tpu.vector_store_idx %arg13[%shift_right_logical3A_692, %and3A_695, %add3A_12], %gather3A_703 : memref<8x8x128xf32, #tpu.memory_space<vmem>>[vector<16xi32>, vector<16xi32>, vector<16xi32>], vector<16xf32>,
          %add3A_704 = arith.addi %and3A_689, %get3A_458 : vector<16xi32>
          %gather3A_705 = tpu.vector_load_idx %arg11[%add3A_15, %add3A_704] : memref<128x128xf32, #tpu.memory_space<vmem>>[vector<16xi32>, vector<16xi32>], vector<16xf32>,
          tpu.vector_store_idx %arg13[%shift_right_logical3A_692, %and3A_695, %add3A_15], %gather3A_705 : memref<8x8x128xf32, #tpu.memory_space<vmem>>[vector<16xi32>, vector<16xi32>, vector<16xi32>], vector<16xf32>,
          %add3A_706 = arith.addi %and3A_689, %get3A_460 : vector<16xi32>
          %gather3A_707 = tpu.vector_load_idx %arg11[%add3A_18, %add3A_706] : memref<128x128xf32, #tpu.memory_space<vmem>>[vector<16xi32>, vector<16xi32>], vector<16xf32>,
          tpu.vector_store_idx %arg13[%shift_right_logical3A_692, %and3A_695, %add3A_18], %gather3A_707 : memref<8x8x128xf32, #tpu.memory_space<vmem>>[vector<16xi32>, vector<16xi32>, vector<16xi32>], vector<16xf32>,
          %add3A_708 = arith.addi %and3A_689, %get3A_462 : vector<16xi32>
          %gather3A_709 = tpu.vector_load_idx %arg11[%add3A_21, %add3A_708] : memref<128x128xf32, #tpu.memory_space<vmem>>[vector<16xi32>, vector<16xi32>], vector<16xf32>,
          tpu.vector_store_idx %arg13[%shift_right_logical3A_692, %and3A_695, %add3A_21], %gather3A_709 : memref<8x8x128xf32, #tpu.memory_space<vmem>>[vector<16xi32>, vector<16xi32>, vector<16xi32>], vector<16xf32>,
          %add3A_710 = arith.addi %and3A_689, %get3A_464 : vector<16xi32>
          %gather3A_711 = tpu.vector_load_idx %arg11[%add3A_24, %add3A_710] : memref<128x128xf32, #tpu.memory_space<vmem>>[vector<16xi32>, vector<16xi32>], vector<16xf32>,
          tpu.vector_store_idx %arg13[%shift_right_logical3A_692, %and3A_695, %add3A_24], %gather3A_711 : memref<8x8x128xf32, #tpu.memory_space<vmem>>[vector<16xi32>, vector<16xi32>, vector<16xi32>], vector<16xf32>,
        }
        %scan3A_469 = arith.constant 64 : i32
        %add3A_470 = arith.addi %mul3A_65, %mul3A_248 : i32
        %add3A_471 = arith.constant 1 : i32
        %add3A_472 = arith.addi %add3A_470, %add3A_471 : i32
        %dma_start3A_473 = arith.constant 0 : i32
        %dma_start3A_474 = arith.constant 0 : i32
        %dma_start3A_475 = arith.constant 0 : i32
        %dma_start3A_476 = tpu.memref_slice %arg4[%add3A_472, %dma_start3A_473, %select_n3A_63, %dma_start3A_474, %dma_start3A_475] : memref<200x8x32x8x128xf32, #tpu.memory_space<hbm>> -> memref<1x8x1x8x128xf32, #tpu.memory_space<hbm>>
        %dma_start3A_477 = tpu.memref_squeeze %dma_start3A_476 : memref<1x8x1x8x128xf32, #tpu.memory_space<hbm>> -> memref<8x8x128xf32, #tpu.memory_space<hbm>>
        %dma_start3A_478 = arith.constant 0 : i32
        %dma_start3A_479 = arith.constant 0 : i32
        %dma_start3A_480 = arith.constant 0 : i32
        %dma_start3A_481 = tpu.memref_slice %arg4[%add3A_472, %dma_start3A_478, %select_n3A_63, %dma_start3A_479, %dma_start3A_480] : memref<200x8x32x8x128xf32, #tpu.memory_space<hbm>> -> memref<1x8x1x8x128xf32, #tpu.memory_space<hbm>>
        %dma_start3A_482 = tpu.memref_squeeze %dma_start3A_481 : memref<1x8x1x8x128xf32, #tpu.memory_space<hbm>> -> memref<8x8x128xf32, #tpu.memory_space<hbm>>
        tpu.enqueue_dma source(%arg13 : memref<8x8x128xf32, #tpu.memory_space<vmem>>) target(%dma_start3A_482 : memref<8x8x128xf32, #tpu.memory_space<hbm>>) target_semaphore(%arg15 : memref<!tpu.dma_semaphore, #tpu.memory_space<semaphore_mem>>)
      }
      %scan3A_222 = arith.constant 4 : i32
      %add3A_223 = arith.constant 6 : i32
      %add3A_224 = arith.addi %mul3A_65, %add3A_223 : i32
      %dma_wait3A = arith.constant 0 : i32
      %dma_wait3A_225 = arith.constant 0 : i32
      %dma_wait3A_226 = arith.constant 0 : i32
      %dma_wait3A_227 = tpu.memref_slice %arg4[%add3A_224, %dma_wait3A, %select_n3A_63, %dma_wait3A_225, %dma_wait3A_226] : memref<200x8x32x8x128xf32, #tpu.memory_space<hbm>> -> memref<1x8x1x8x128xf32, #tpu.memory_space<hbm>>
      %dma_wait3A_228 = tpu.memref_squeeze %dma_wait3A_227 : memref<1x8x1x8x128xf32, #tpu.memory_space<hbm>> -> memref<8x8x128xf32, #tpu.memory_space<hbm>>
      %dma_wait3A_229 = arith.constant 0 : i32
      %dma_wait3A_230 = arith.constant 0 : i32
      %dma_wait3A_231 = arith.constant 0 : i32
      %dma_wait3A_232 = tpu.memref_slice %arg4[%add3A_224, %dma_wait3A_229, %select_n3A_63, %dma_wait3A_230, %dma_wait3A_231] : memref<200x8x32x8x128xf32, #tpu.memory_space<hbm>> -> memref<1x8x1x8x128xf32, #tpu.memory_space<hbm>>
      %dma_wait3A_233 = tpu.memref_squeeze %dma_wait3A_232 : memref<1x8x1x8x128xf32, #tpu.memory_space<hbm>> -> memref<8x8x128xf32, #tpu.memory_space<hbm>>
      tpu.wait_dma2 semaphore(%arg15 : memref<!tpu.dma_semaphore, #tpu.memory_space<semaphore_mem>>) src(%arg12 : memref<8x8x128xf32, #tpu.memory_space<vmem>>) dst(%dma_wait3A_233 : memref<8x8x128xf32, #tpu.memory_space<hbm>>)
      %add3A_234 = arith.constant 7 : i32
      %add3A_235 = arith.addi %mul3A_65, %add3A_234 : i32
      %dma_wait3A_236 = arith.constant 0 : i32
      %dma_wait3A_237 = arith.constant 0 : i32
      %dma_wait3A_238 = arith.constant 0 : i32
      %dma_wait3A_239 = tpu.memref_slice %arg4[%add3A_235, %dma_wait3A_236, %select_n3A_63, %dma_wait3A_237, %dma_wait3A_238] : memref<200x8x32x8x128xf32, #tpu.memory_space<hbm>> -> memref<1x8x1x8x128xf32, #tpu.memory_space<hbm>>
      %dma_wait3A_240 = tpu.memref_squeeze %dma_wait3A_239 : memref<1x8x1x8x128xf32, #tpu.memory_space<hbm>> -> memref<8x8x128xf32, #tpu.memory_space<hbm>>
      %dma_wait3A_241 = arith.constant 0 : i32
      %dma_wait3A_242 = arith.constant 0 : i32
      %dma_wait3A_243 = arith.constant 0 : i32
      %dma_wait3A_244 = tpu.memref_slice %arg4[%add3A_235, %dma_wait3A_241, %select_n3A_63, %dma_wait3A_242, %dma_wait3A_243] : memref<200x8x32x8x128xf32, #tpu.memory_space<hbm>> -> memref<1x8x1x8x128xf32, #tpu.memory_space<hbm>>
      %dma_wait3A_245 = tpu.memref_squeeze %dma_wait3A_244 : memref<1x8x1x8x128xf32, #tpu.memory_space<hbm>> -> memref<8x8x128xf32, #tpu.memory_space<hbm>>
      tpu.wait_dma2 semaphore(%arg15 : memref<!tpu.dma_semaphore, #tpu.memory_space<semaphore_mem>>) src(%arg13 : memref<8x8x128xf32, #tpu.memory_space<vmem>>) dst(%dma_wait3A_245 : memref<8x8x128xf32, #tpu.memory_space<hbm>>)
    }
    %scan3A_29 = arith.constant 25 : i32
    return
  }
}

module attributes {stable_mosaic.version = 14 : i64} {
  func.func @_transpose_body(%arg0: i32, %arg1: memref<64x8192xf32, #tpu.memory_space<vmem>>, %arg2: memref<64x8192xf32, #tpu.memory_space<vmem>>, %arg3: memref<8192x128xf32, #tpu.memory_space<vmem>>) attributes {dimension_semantics = [#tpu.dimension_semantics<arbitrary>], iteration_bounds = array<i64: 62>, scalar_prefetch = 0 : i64, scratch_operands = 0 : i64, tpu.core_type = #tpu.core_type<tc>, window_params = [{transform_indices = @transform_0, window_bounds = array<i64: 64, 8192>}, {transform_indices = @transform_1, window_bounds = array<i64: 64, 8192>}, {transform_indices = @transform_2, window_bounds = array<i64: 8192, 128>}]} {
    %iota3A = tpu.iota {dimensions = array<i32: 0>} : vector<64x64xi32>
    %iota3A_0 = tpu.iota {dimensions = array<i32: 1>} : vector<64x64xi32>
    %add3A = arith.constant 0 : i32
    %add3A_1 = vector.broadcast %add3A : i32 to vector<64x64xi32>
    %add3A_2 = arith.addi %iota3A, %add3A_1 : vector<64x64xi32>
    %eq3A = arith.cmpi eq, %add3A_2, %iota3A_0 : vector<64x64xi32>
    %convert_element_type3A = arith.extui %eq3A : vector<64x64xi1> to vector<64x64xi32>
    %convert_element_type3A_3 = arith.sitofp %convert_element_type3A : vector<64x64xi32> to vector<64x64xf32>
    %mul3A = arith.constant 8.000000e+00 : f32
    %mul3A_4 = vector.broadcast %mul3A : f32 to vector<64x64xf32>
    %mul3A_5 = arith.mulf %convert_element_type3A_3, %mul3A_4 : vector<64x64xf32>
    %get3A = arith.constant 0 : index
    %get3A_6 = arith.constant 0 : index
    %get3A_7 = vector.load %arg1[%get3A, %get3A_6] : memref<64x8192xf32, #tpu.memory_space<vmem>>, vector<64x8192xf32>
    %dot_general3A = arith.constant dense<0.000000e+00> : vector<8192x64xf32>
    %dot_general3A_8 = tpu.matmul %get3A_7, %mul3A_5, %dot_general3A {dimension_numbers = #tpu.dot_dimension_numbers<[0], [0], [1], [1], [0, 1, 1, 1], [], []>, transpose_lhs_hint = false} : vector<64x8192xf32>, vector<64x64xf32>, vector<8192x64xf32> -> vector<8192x64xf32>
    %swap3A = arith.constant 0 : index
    %swap3A_9 = arith.constant 0 : index
    %swap3A_10 = vector.load %arg3[%swap3A, %swap3A_9] : memref<8192x128xf32, #tpu.memory_space<vmem>>, vector<8192x64xf32>
    tpu.vector_store %arg3[%swap3A, %swap3A_9], %dot_general3A_8 {strides = array<i32>} : memref<8192x128xf32, #tpu.memory_space<vmem>>, vector<8192x64xf32>,
    %get3A_11 = arith.constant 0 : index
    %get3A_12 = arith.constant 0 : index
    %get3A_13 = vector.load %arg2[%get3A_11, %get3A_12] : memref<64x8192xf32, #tpu.memory_space<vmem>>, vector<64x8192xf32>
    %dot_general3A_14 = arith.constant dense<0.000000e+00> : vector<8192x64xf32>
    %dot_general3A_15 = tpu.matmul %get3A_13, %mul3A_5, %dot_general3A_14 {dimension_numbers = #tpu.dot_dimension_numbers<[0], [0], [1], [1], [0, 1, 1, 1], [], []>, transpose_lhs_hint = false} : vector<64x8192xf32>, vector<64x64xf32>, vector<8192x64xf32> -> vector<8192x64xf32>
    %swap3A_16 = arith.constant 0 : index
    %swap3A_17 = arith.constant 64 : index
    %swap3A_18 = vector.load %arg3[%swap3A_16, %swap3A_17] : memref<8192x128xf32, #tpu.memory_space<vmem>>, vector<8192x64xf32>
    tpu.vector_store %arg3[%swap3A_16, %swap3A_17], %dot_general3A_15 {strides = array<i32>} : memref<8192x128xf32, #tpu.memory_space<vmem>>, vector<8192x64xf32>,
    return
  }
  func.func @transform_0(%arg0: i32) -> (i32, i32) {
    %c0_i32 = arith.constant 0 : i32
    %c0_i32_0 = arith.constant 0 : i32
    return %c0_i32, %arg0 : i32, i32
  }
  func.func @transform_1(%arg0: i32) -> (i32, i32) {
    %add3A = arith.constant 62 : i32
    %add3A_0 = arith.addi %arg0, %add3A : i32
    %min3A = arith.constant 122 : i32
    %min3A_1 = arith.minsi %add3A_0, %min3A : i32
    %c0_i32 = arith.constant 0 : i32
    %c0_i32_2 = arith.constant 0 : i32
    return %c0_i32, %min3A_1 : i32, i32
  }
  func.func @transform_2(%arg0: i32) -> (i32, i32) {
    %c0_i32 = arith.constant 0 : i32
    %c0_i32_0 = arith.constant 0 : i32
    return %arg0, %c0_i32 : i32, i32
  }
}

</mosaic_0001>

<sc_bundles>
// kernel: kernel.4.cloned.1.call-start
scs
__scs_entry_jumppad:
0x0: {  	(pc) =	sbr.rel $0x88, $3  }
0x1: {  	(tag) =	ssettag $0x0;
	lr =	simm.s32 $0x1  }
0x2: {  	[smem:$0x3F9F] =	sst lr;
	_ =	strace $0xD0000000  }
0x3: {  	_ = 	snop  }
0x4: {  	_ = 	snop  }
0x5: {  	_ = 	snop  }
0x6: {  	_ = 	snop  }
0x7: {  	_ = 	snop  }
__scs_overlays_trampoline_lowered:
0x8: {  	[smem:$0x3FAE] =	sst s0  }
0x9: {  	[smem:$0x3FAF] =	sst s1  }
0xa: {  	[smem:$0x3FB0] =	sst s2  }
0xb: {  	[smem:$0x3FB1] =	sst s3  }
0xc: {  	[smem:$0x3FB2] =	sst s4  }
0xd: {  	[smem:$0x3FB3] =	sst s5  }
0xe: {  	[smem:$0x3FB4] =	sst s6  }
0xf: {  	[smem:$0x3FB5] =	sst s7  }
0x10: {  	[smem:$0x3FB6] =	sst s8  }
0x11: {  	[smem:$0x3FB7] =	sst s9;
	s0 =	simm.s32 @!p0 $0x0  }
0x12: {  	s1 =	sld [smem:$0x3F9D];
	s0 =	simm.s32 @p0 $0x1  }
0x13: {  	[smem:$0x3FB8] =	sst s0;
	s0 =	simm.s32 @!p1 $0x0  }
0x14: {  	s2 =	sld [smem:$0x3F9C];
	s0 =	simm.s32 @p1 $0x1  }
0x15: {  	[smem:$0x3FB9] =	sst s0;
	s0 =	simm.s32 @!p2 $0x0  }
0x16: {  	s3 =	sld [smem:$0x3FDB];
	s0 =	simm.s32 @p2 $0x1  }
0x17: {  	s4 =	simm.s32 $0x1BF5;
	[smem:$0x3FBB] =	sst s0  }
0x18: {  	s0 =	sld [smem:$0x3F9E];
	_ =	swait.ge [sflag:s4], $0x0  }
0x19: {  	s7 =	sld [smem:$0x3F9F]  }
0x1a: {  	s8 =	sadd.s32 $0xFFFFE003, lr  }
0x1b: {  	s9 =	sadd.s32 $0xFFFFFEF7, lr;
	s5 =	simm.s32 $0xFFFFFFFF;
	p2 =	slt.u32 s8, $0xFFFFF086  }
0x1c: {  	p1 =	slt.u32 s9, $0xF7A;
	s5 =	simm.s32 @!p2 $0x0  }
0x1d: {  	s5 =	simm.s32 @p1 $0x1;
	p0 =	seq.s32 s7, s2  }
0x1e: {  	s7 =	smul.u32 @!p0 $0xF7A, s2;
	p2 =	seq.s32 @!p0 s5, $0x0  }
0x1f: {  	s9 =	smul.u32 $0xF7A, s1;
	s8 =	simm.s32 @!p0 $0x1BF5;
	p2 =	por !p2, p0  }
0x20: {  	[sflag:s8] =	ssyncset.s32 @!p0 $0xFFFFF086;
	s6 =	sadd.s32 @!p0 s3, s7;
	s7 =	simm.s32 @!p0 $0x108  }
0x21: {  	s3 =	sadd.s32 s3, s9;
	s6 =	sadd.s32 @!p0 $0x88, s6;
	s7 =	simm.s32 @p2 $0x1082  }
0x22: {  	[simem:s7], [sflag:s8] =	dma.local @!p0 [hbm:s6], $0xF7A  }
0x23: {  	s9 =	sor.u32 $0xD0000000, s2;
	s6 =	simm.s32 $0x108;
	_ =	swait.ge @!p0 [sflag:s8], $0x0  }
0x24: {  	s3 =	sadd.s32 $0x88, s3;
	s6 =	simm.s32 @!p1 $0x1082;
	[sflag:s4] =	ssyncset.s32 $0xFFFFF086  }
0x25: {  	[simem:s6], [sflag:s4] =	dma.local [hbm:s3], $0xF7A  }
0x26: {  	[smem:$0x3F9F] =	sst s1;
	(tag) =	ssettag s2;
	_ =	strace s9  }
0x27: {  	s1 =	sld [smem:$0x3FAF]  }
0x28: {  	s2 =	sld [smem:$0x3FB0]  }
0x29: {  	s4 =	sld [smem:$0x3FB2]  }
0x2a: {  	p0 =	seq.s32 s5, $0x0;
	s5 =	sld [smem:$0x3FB3]  }
0x2b: {  	s6 =	sld [smem:$0x3FB4]  }
0x2c: {  	s7 =	sld [smem:$0x3FB5]  }
0x2d: {  	s3 =	simm.s32 $0x108;
	s8 =	sld [smem:$0x3FB6]  }
0x2e: {  	s3 =	simm.s32 @!p0 $0x1082;
	s9 =	sld [smem:$0x3FB7]  }
0x2f: {  	lr =	sadd.s32 s0, s3;
	s0 =	sld [smem:$0x3FAE]  }
0x30: {  	s3 =	sld [smem:$0x3FB1]  }
0x31: {  	[smem:$0x3FBA] =	sst s10  }
0x32: {  	s10 =	sld [smem:$0x3FB8];
	_ =	sdelay $0x3  }
0x33: {  	p0 =	seq.s32 s10, $0x1;
	s10 =	sld [smem:$0x3FBA];
	_ =	sdelay $0x3  }
0x34: {  	[smem:$0x3FBA] =	sst s10  }
0x35: {  	s10 =	sld [smem:$0x3FB9];
	_ =	sdelay $0x3  }
0x36: {  	p1 =	seq.s32 s10, $0x1;
	s10 =	sld [smem:$0x3FBA];
	_ =	sdelay $0x3  }
0x37: {  	[smem:$0x3FBA] =	sst s10  }
0x38: {  	s10 =	sld [smem:$0x3FBB]  }
0x39: {  	_ = 	snop;
	(pc) =	sbr.ind lr, $3  }
0x3a: {  	_ = 	snop  }
0x3b: {  	_ = 	snop  }
0x3c: {  	p2 =	seq.s32 s10, $0x1;
	s10 =	sld [smem:$0x3FBA]  }
0x3d: {  	_ =	shalt  }
0x3e: {  	_ =	shalt  }
0x3f: {  	_ =	shalt  }
0x40: {  	_ =	shalt  }
0x41: {  	_ =	shalt  }
0x42: {  	_ =	shalt  }
0x43: {  	_ =	shalt  }
0x44: {  	_ =	shalt  }
0x45: {  	_ =	shalt  }
0x46: {  	_ =	shalt  }
0x47: {  	_ =	shalt  }
0x48: {  	_ =	shalt  }
0x49: {  	_ =	shalt  }
0x4a: {  	_ =	shalt  }
0x4b: {  	_ =	shalt  }
0x4c: {  	_ =	shalt  }
0x4d: {  	_ =	shalt  }
0x4e: {  	_ =	shalt  }
0x4f: {  	_ =	shalt  }
0x50: {  	_ =	shalt  }
0x51: {  	_ =	shalt  }
0x52: {  	_ =	shalt  }
0x53: {  	_ =	shalt  }
0x54: {  	_ =	shalt  }
0x55: {  	_ =	shalt  }
0x56: {  	_ =	shalt  }
0x57: {  	_ =	shalt  }
0x58: {  	_ =	shalt  }
0x59: {  	_ =	shalt  }
0x5a: {  	_ =	shalt  }
0x5b: {  	_ =	shalt  }
0x5c: {  	_ =	shalt  }
0x5d: {  	_ =	shalt  }
0x5e: {  	_ =	shalt  }
0x5f: {  	_ =	shalt  }
0x60: {  	_ =	shalt  }
0x61: {  	_ =	shalt  }
0x62: {  	_ =	shalt  }
0x63: {  	_ =	shalt  }
0x64: {  	_ =	shalt  }
0x65: {  	_ =	shalt  }
0x66: {  	_ =	shalt  }
0x67: {  	_ =	shalt  }
0x68: {  	_ =	shalt  }
0x69: {  	_ =	shalt  }
0x6a: {  	_ =	shalt  }
0x6b: {  	_ =	shalt  }
0x6c: {  	_ =	shalt  }
0x6d: {  	_ =	shalt  }
0x6e: {  	_ =	shalt  }
0x6f: {  	_ =	shalt  }
0x70: {  	_ =	shalt  }
0x71: {  	_ =	shalt  }
0x72: {  	_ =	shalt  }
0x73: {  	_ =	shalt  }
0x74: {  	_ =	shalt  }
0x75: {  	_ =	shalt  }
0x76: {  	_ =	shalt  }
0x77: {  	_ =	shalt  }
0x78: {  	_ =	shalt  }
0x79: {  	_ =	shalt  }
0x7a: {  	_ =	shalt  }
0x7b: {  	_ =	shalt  }
0x7c: {  	_ =	shalt  }
0x7d: {  	_ =	shalt  }
0x7e: {  	_ =	shalt  }
0x7f: {  	_ =	shalt  }
0x80: {  	_ =	shalt  }
0x81: {  	_ =	shalt  }
0x82: {  	_ =	shalt  }
0x83: {  	_ =	shalt  }
0x84: {  	_ =	shalt  }
0x85: {  	_ =	shalt  }
0x86: {  	_ =	shalt  }
0x87: {  	_ =	shalt  }
.Lfunc_end0:
.L_simem_size_0:
called_computation_lowered:
.L_overlay_start_0:
0x88: {  	s2 =	sld [smem:$0x3FD9]  }
0x89: {  	s3 =	sld [smem:$0x3FFE];
	_ =	sdelay $0x1  }
0x8a: {  	s1 =	srdreg.scid  }
0x8b: {  	s0 =	sand.u32 $0x1, s1  }
0x8c: {  	s17 =	sshll.u32 s0, $0xA;
	s2 =	sadd.s32 s3, s2  }
0x8d: {  	s2 =	sadd.s32 s2, s17  }
0x8e: {  	[smem:$0x3FC6] =	sst s2  }
0x8f: {  	_ = 	snop  }
0x90: {  	s2 =	sld [smem:$0x3FD0];
	(tm) =	ssettm $0x1  }
0x91: {  	s18 =	sld [smem:$0x3FFB];
	_ =	sdelay $0x3  }
0x92: {  	_ =	strace s18  }
0x93: {  	s3 =	sld [smem:$0x3FFC];
	_ =	sdelay $0x3  }
0x94: {  	_ =	strace s3  }
0x95: {  	s3 =	sld [smem:$0x3FFD];
	_ =	sdelay $0x3  }
0x96: {  	_ =	strace s3  }
0x97: {  	_ =	strace $0x8FFFFFFF  }
0x98: {  	s19 =	sld [smem:$0x3FDB];
	_ =	sdelay $0x1  }
0x99: {  	s4 =	simm.s32 $_scs_section_size  }
0x9a: {  	s5 =	simm.s32 $_size__tile_overlayer_lowered;
	s6 =	simm.s32 $_tile_overlayer_lowered  }
0x9b: {  	s22 =	simm.s32 $0x1BFF;
	s21 =	sshll.u32 s6, $0x1;
	s3 =	sadd.s32 s4, s19  }
0x9c: {  	s7 =	simm.s32 $0x0;
	s20 =	sshll.u32 s5, $0x1;
	s5 =	sadd.s32 s21, s3  }
0x9d: {  	[timem:s7], [sflag:s22] =	dma.local [hbm:s5], s20  }
0x9e: {  	_ =	swait.ge [sflag:s22], s20  }
0x9f: {  	s4 =	ssub.s32 $0x0, s20;
	[sflag:s22] =	ssyncset.done $0x0  }
0xa0: {  	[sflag:s22] =	ssyncadd.s32 s4;
	_ =	sdelay $0x1  }
0xa1: {  	s23 =	simm.s32 $0x1B8B  }
0xa2: {  	_ =	swait.ge [sflag:s23], $0x1  }
0xa3: {  	[sflag:s23] =	ssyncset.done $0x0  }
0xa4: {  	s25 =	simm.s32 $0x1B8E;
	s24 =	sld [smem:$0x3FFE];
	[sflag:s23] =	ssyncadd.s32 $0xFFFFFFFF  }
0xa5: {  	s26 =	simm.s32 $execute0_lowered;
	[smem:$0x3FD2] =	sst s25  }
0xa6: {  	s5 =	sshll.u32 s26, $0x1;
	_ =	strace $0x80000046;
	[dreg:$0x1] =	wrdreg $0xFFFFFFFF  }
0xa7: {  	s28 =	simm.s32 $_size_execute0_lowered;
	s3 =	sadd.s32 s3, s5;
	[dreg:$0x0] =	wrdreg $0x0  }
0xa8: {  	s5 =	sshll.u32 s28, $0x1;
	[dreg:$0x2] =	wrdreg s3  }
0xa9: {  	[dreg:$0x3] =	wrdreg s5  }
0xaa: {  	[dreg:$0x4] =	wrdreg $0xC0  }
0xab: {  	_ =	task [dreg:s7], $0x5FFFF  }
0xac: {  	[dreg:$0x1] =	wrdreg $0xFFFFFFFF  }
0xad: {  	[dreg:$0x0] =	wrdreg $0x60  }
0xae: {  	[dreg:$0x2] =	wrdreg s24  }
0xaf: {  	[dreg:$0x3] =	wrdreg s2  }
0xb0: {  	[dreg:$0x4] =	wrdreg $0x9  }
0xb1: {  	_ =	task.clear_ibuf [dreg:s7], $0x5FFFF;
	_ =	strace $0x90000046  }
0xb2: {  	s29 =	simm.s32 $0x9;
	_ =	strace $0x80000048  }
0xb3: {  	_ =	swait.ge [sflag:s29], $0x1  }
0xb4: {  	[sflag:s29] =	ssyncadd.s32 $0xFFFFFFFF  }
0xb5: {  	_ =	strace $0x90000048  }
0xb6: {  	_ =	sfence  }
0xb7: {  	s30 =	sld [smem:$0x0];
	_ =	sdelay $0x2  }
0xb8: {  	s31 =	sshll.u32 s1, $0xD;
	s1 =	sshrl.u32 s1, $0x2  }
0xb9: {  	s3 =	sand.u32 $0x4000, s31;
	s1 =	sadd.s32 s1, s30  }
0xba: {  	s0 =	sor.u32 s3, s0;
	s1 =	sshll.u32 s1, $0x11  }
0xbb: {  	s0 =	sor.u32 s1, s0  }
0xbc: {  	s0 =	sadd.s32 $0x8F2B, s0  }
0xbd: {  	[sflag:s0] =	ssyncadd.remote.s32 $0x1  }
0xbe: {  	_ =	sfence.sel $0xFFFF  }
0xbf: {  	[dreg:$0x0] =	wrdreg $0xFFFFFFFF;
	(pc) =	sbr.abs _section_cstart, $3  }
0xc0: {  	[dreg:$0x1] =	wrdreg $0xFFFFFFFF  }
0xc1: {  	_ =	task.clear_ibuf [dreg:s7], $0x2FFFF;
	_ =	strace $0x9FFFFFFF  }
0xc2: {  	(tm) =	ssettm $0x7FFFFFFF  }
0xc3: {  	_ =	shalt  }
tec
execute0_lowered:
.L_overlay_start_1:
0x0: {  	(tag) =	ssettag $0x1  }
0x1: {  	v0 =	vlaneseq.u32  }
0x2: {  	v2 =	vimm.s32 $0x38F;
	vm14 =	vcmask $0x300;
	vm10 =	vcmask $0x704  }
0x3: {  	v3 =	vimm.s32 $0x39F;
	vm11 =	vcmask $0xB08;
	vm12 =	vcmask $0xF0C  }
0x4: {  	vm13 =	vcmask $0x1310;
	vm9 =	vcmask $0x1714;
	vm8 =	vcmask $0x1B18  }
0x5: {  	vm7 =	vcmask $0x1F1C;
	vm6 =	vcmask $0x2320;
	vm5 =	vcmask $0x2724  }
0x6: {  	vm4 =	vcmask $0x2B28;
	vm3 =	vcmask $0x2F2C;
	vm2 =	vcmask $0x3330  }
0x7: {  	vm1 =	vcmask $0x3734;
	vm0 =	vcmask $0x3B38;
	v7 =	vimm.s32 $0x3AF  }
0x8: {  	v8 =	vimm.s32 $0x3BF;
	v9 =	vimm.s32 $0x3CF;
	v13 =	vimm.s32 $0x3DF  }
0x9: {  	v14 =	vimm.s32 $0x3EF;
	v15 =	vimm.s32 $0x3FF;
	v1 =	vmul.u32 $0x80, v0  }
0xa: {  	v2 =	vsel vm14, $0x0, v2;
	v3 =	vsel vm14, $0x10, v3;
	v7 =	vsel vm14, $0x20, v7  }
0xb: {  	v8 =	vsel vm14, $0x30, v8;
	v9 =	vsel vm14, $0x40, v9;
	v13 =	vsel vm14, $0x50, v13  }
0xc: {  	v14 =	vsel vm14, $0x60, v14;
	v15 =	vsel vm14, $0x70, v15;
	v18 =	vor.u32 $0x10, v0  }
0xd: {  	v19 =	vor.u32 $0x20, v0;
	v20 =	vor.u32 $0x30, v0;
	v21 =	vor.u32 $0x40, v0  }
0xe: {  	v22 =	vor.u32 $0x50, v0;
	v23 =	vor.u32 $0x60, v0;
	v24 =	vor.u32 $0x70, v0  }
0xf: {  	v2 =	vsel vm10, $0x81, v2;
	v3 =	vsel vm10, $0x91, v3;
	v7 =	vsel vm10, $0xA1, v7  }
0x10: {  	v8 =	vsel vm10, $0xB1, v8;
	v9 =	vsel vm10, $0xC1, v9;
	v13 =	vsel vm10, $0xD1, v13  }
0x11: {  	v14 =	vsel vm10, $0xE1, v14;
	v15 =	vsel vm10, $0xF1, v15;
	v2 =	vsel vm11, $0x102, v2  }
0x12: {  	v3 =	vsel vm11, $0x112, v3;
	v6 =	vor.u32 $0x1000, v1;
	v7 =	vsel vm11, $0x122, v7  }
0x13: {  	v8 =	vsel vm11, $0x132, v8;
	v9 =	vsel vm11, $0x142, v9;
	v12 =	vor.u32 $0x2800, v1  }
0x14: {  	v13 =	vsel vm11, $0x152, v13;
	v14 =	vsel vm11, $0x162, v14;
	v15 =	vsel vm11, $0x172, v15  }
0x15: {  	v2 =	vsel vm12, $0x183, v2;
	v3 =	vsel vm12, $0x193, v3;
	v7 =	vsel vm12, $0x1A3, v7  }
0x16: {  	v8 =	vsel vm12, $0x1B3, v8;
	v9 =	vsel vm12, $0x1C3, v9;
	v13 =	vsel vm12, $0x1D3, v13  }
0x17: {  	v14 =	vsel vm12, $0x1E3, v14;
	v15 =	vsel vm12, $0x1F3, v15;
	v2 =	vsel vm13, $0x204, v2  }
0x18: {  	v3 =	vsel vm13, $0x214, v3;
	v7 =	vsel vm13, $0x224, v7;
	v8 =	vsel vm13, $0x234, v8  }
0x19: {  	v9 =	vsel vm13, $0x244, v9;
	v13 =	vsel vm13, $0x254, v13;
	v14 =	vsel vm13, $0x264, v14  }
0x1a: {  	v15 =	vsel vm13, $0x274, v15;
	v2 =	vsel vm9, $0x285, v2;
	v3 =	vsel vm9, $0x295, v3  }
0x1b: {  	v7 =	vsel vm9, $0x2A5, v7;
	v8 =	vsel vm9, $0x2B5, v8;
	v9 =	vsel vm9, $0x2C5, v9  }
0x1c: {  	v13 =	vsel vm9, $0x2D5, v13;
	v14 =	vsel vm9, $0x2E5, v14;
	v15 =	vsel vm9, $0x2F5, v15  }
0x1d: {  	v2 =	vsel vm8, $0x306, v2;
	v3 =	vsel vm8, $0x316, v3;
	v7 =	vsel vm8, $0x326, v7  }
0x1e: {  	v8 =	vsel vm8, $0x336, v8;
	v9 =	vsel vm8, $0x346, v9;
	v13 =	vsel vm8, $0x356, v13  }
0x1f: {  	v14 =	vsel vm8, $0x366, v14;
	v15 =	vsel vm8, $0x376, v15;
	v2 =	vsel vm7, $0x387, v2  }
0x20: {  	v3 =	vsel vm7, $0x397, v3;
	v7 =	vsel vm7, $0x3A7, v7;
	v8 =	vsel vm7, $0x3B7, v8  }
0x21: {  	v9 =	vsel vm7, $0x3C7, v9;
	v13 =	vsel vm7, $0x3D7, v13;
	v14 =	vsel vm7, $0x3E7, v14  }
0x22: {  	v15 =	vsel vm7, $0x3F7, v15;
	v2 =	vsel vm6, $0x8, v2;
	v3 =	vsel vm6, $0x18, v3  }
0x23: {  	v7 =	vsel vm6, $0x28, v7;
	v8 =	vsel vm6, $0x38, v8;
	v9 =	vsel vm6, $0x48, v9  }
0x24: {  	v13 =	vsel vm6, $0x58, v13;
	v14 =	vsel vm6, $0x68, v14;
	v15 =	vsel vm6, $0x78, v15  }
0x25: {  	v2 =	vsel vm5, $0x89, v2;
	v3 =	vsel vm5, $0x99, v3;
	v7 =	vsel vm5, $0xA9, v7  }
0x26: {  	v8 =	vsel vm5, $0xB9, v8;
	v9 =	vsel vm5, $0xC9, v9;
	v13 =	vsel vm5, $0xD9, v13  }
0x27: {  	v14 =	vsel vm5, $0xE9, v14;
	v15 =	vsel vm5, $0xF9, v15;
	v2 =	vsel vm4, $0x10A, v2  }
0x28: {  	v3 =	vsel vm4, $0x11A, v3;
	v7 =	vsel vm4, $0x12A, v7;
	v8 =	vsel vm4, $0x13A, v8  }
0x29: {  	v9 =	vsel vm4, $0x14A, v9;
	v13 =	vsel vm4, $0x15A, v13;
	v14 =	vsel vm4, $0x16A, v14  }
0x2a: {  	v15 =	vsel vm4, $0x17A, v15;
	v2 =	vsel vm3, $0x18B, v2;
	v3 =	vsel vm3, $0x19B, v3  }
0x2b: {  	s5 =	rddreg [dreg:$0x0];
	v7 =	vsel vm3, $0x1AB, v7;
	v8 =	vsel vm3, $0x1BB, v8;
	v9 =	vsel vm3, $0x1CB, v9  }
0x2c: {  	s1 =	rddreg [dreg:$0x1];
	v13 =	vsel vm3, $0x1DB, v13;
	v14 =	vsel vm3, $0x1EB, v14;
	v15 =	vsel vm3, $0x1FB, v15  }
0x2d: {  	s0 =	rddreg [dreg:$0x2];
	s2 =	simm.s32 $0x0;
	v2 =	vsel vm2, $0x20C, v2;
	v5 =	vsel vm2, $0x21C, v3;
	v7 =	vsel vm2, $0x22C, v7  }
0x2e: {  	s3 =	srdreg.scid;
	s10 =	simm.s32 $0x1000;
	s11 =	simm.s32 $0x3;
	v8 =	vsel vm2, $0x23C, v8;
	v11 =	vsel vm2, $0x24C, v9;
	v13 =	vsel vm2, $0x25C, v13  }
0x2f: {  	s12 =	simm.s32 $0x400;
	s13 =	simm.s32 $0x600;
	s14 =	simm.s32 $0x1;
	v14 =	vsel vm2, $0x26C, v14;
	v17 =	vsel vm2, $0x27C, v15;
	v4 =	vsel vm1, $0x28D, v2  }
0x30: {  	s15 =	simm.s32 $0x480;
	s16 =	simm.s32 $0x4600;
	s17 =	simm.s32 $0x8600;
	v2 =	vimm.s32 $0x0;
	v5 =	vsel vm1, $0x29D, v5;
	v7 =	vsel vm1, $0x2AD, v7  }
0x31: {  	s18 =	simm.s32 $0x8000;
	s19 =	simm.s32 $0xA600;
	s20 =	simm.s32 $0x2;
	v10 =	vsel vm1, $0x2BD, v8;
	v8 =	vor.u32 $0x1800, v1;
	v11 =	vsel vm1, $0x2CD, v11  }
0x32: {  	[smem:$0x7FF] =	sst s2;
	s6 =	sand.u32 $0x1, s3;
	s3 =	stileid.u32;
	v13 =	vsel vm1, $0x2DD, v13;
	v16 =	vsel vm1, $0x2ED, v14;
	v14 =	vor.u32 $0x3000, v1  }
0x33: {  	s4 =	sadd.s32 $0x19400, s5;
	s5 =	sadd.s32 $0x400, s5;
	s7 =	ssub.s32 $0x2, s6;
	v17 =	vsel vm1, $0x2FD, v17;
	v3 =	vsel vm0, $0x30E, v4;
	v4 =	vor.u32 $0x800, v1  }
0x34: {  	_ =	strace $0x80000047;
	s9 =	sshll.u32 s3, $0x1;
	s8 =	sshrl.u32 s7, $0x1;
	v5 =	vsel vm0, $0x31E, v5;
	v7 =	vsel vm0, $0x32E, v7;
	v9 =	vsel vm0, $0x33E, v10  }
0x35: {  	s6 =	sor.u32 s6, s9;
	s9 =	simm.s32 $0x80;
	s8 =	ssub.s32 s7, s8;
	v10 =	vor.u32 $0x2000, v1;
	v11 =	vsel vm0, $0x34E, v11;
	v13 =	vsel vm0, $0x35E, v13  }
0x36: {  	s6 =	smul.u32 $0x19, s6;
	s7 =	sadd.s32 $0x8000, s1;
	s8 =	smax.u32 s8, $0x1;
	v15 =	vsel vm0, $0x36E, v16;
	v16 =	vor.u32 $0x3800, v1;
	v17 =	vsel vm0, $0x37E, v17  }
.LBB2_1:
0x37: {  	s21 =	simm.s32 $0x0  }
.LBB2_2:
0x38: {  	s22 =	sadd.s32 s6, s21  }
0x39: {  	s23 =	sand.u32 $0x1F, s22  }
0x3a: {  	s24 =	sshrl.u32 s22, $0x5;
	s31 =	sshll.u32 s23, $0x4  }
0x3b: {  	s25 =	sshll.u32 s24, $0xC;
	s22 =	sadd.s32 s5, s31  }
0x3c: {  	s25 =	sadd.s32 s25, s22;
	s22 =	simm.s32 $0x0  }
0x3d: {  	[tilespmem:s22], [sflag:$0x3] =	stream.strided.gather [hbm4b:s25+s9], $0x400, s10, s9, $0x38;
	[tilespmem:$0xC600] =	vst v63  }
0x3e: {  	_ =	swait.ge [sflag:s11], $0x400  }
0x3f: {  	[sflag:s11] =	ssyncset.done $0x0  }
0x40: {  	[sflag:s11] =	ssyncadd.s32 $0xFFFFFC00  }
0x41: {  	v25 =	vld [tilespmem:$0x0];
	_ =	sdelay $0x1  }
0x42: {  	v26 =	vld [tilespmem:$0x10];
	_ =	sdelay $0x1  }
0x43: {  	v27 =	vld [tilespmem:$0x20]  }
0x44: {  	vm0 =	vgt.s32 v25, $0x7BFFF  }
0x45: {  	v29 =	vld [tilespmem:$0x30];
	v28 =	vsel vm0, $0xFFF84000, v2  }
0x46: {  	vm1 =	vgt.s32 v26, $0x7BFFF;
	v25 =	vadd.s32 v25, v28  }
0x47: {  	v30 =	vld [tilespmem:$0x40];
	v61 =	vsel vm1, $0xFFF84000, v2;
	[tilespmem:$0x400] =	vst v25;
	v25 =	vsel vm0, $0x40, v2  }
0x48: {  	vm10 =	vgt.s32 v27, $0x7BFFF;
	[tilespmem:$0x500] =	vst v25;
	v25 =	vadd.s32 v26, v61  }
0x49: {  	v62 =	vld [tilespmem:$0x50];
	v26 =	vsel vm10, $0xFFF84000, v2;
	[tilespmem:$0x410] =	vst v25;
	v25 =	vsel vm1, $0x40, v2  }
0x4a: {  	vm11 =	vgt.s32 v29, $0x7BFFF;
	[tilespmem:$0x510] =	vst v25;
	v25 =	vadd.s32 v27, v26  }
0x4b: {  	v26 =	vsel vm11, $0xFFF84000, v2;
	v27 =	vld [tilespmem:$0x60];
	[tilespmem:$0x420] =	vst v25;
	v25 =	vsel vm10, $0x40, v2  }
0x4c: {  	vm12 =	vgt.s32 v30, $0x7BFFF;
	[tilespmem:$0x520] =	vst v25;
	v25 =	vadd.s32 v29, v26  }
0x4d: {  	v63 =	vld [tilespmem:$0x70];
	v26 =	vsel vm12, $0xFFF84000, v2;
	[tilespmem:$0x430] =	vst v25;
	v25 =	vsel vm11, $0x40, v2  }
0x4e: {  	vm13 =	vgt.s32 v62, $0x7BFFF;
	[tilespmem:$0x530] =	vst v25;
	v25 =	vadd.s32 v30, v26  }
0x4f: {  	v26 =	vsel vm13, $0xFFF84000, v2;
	[tilespmem:$0x440] =	vst v25;
	v25 =	vsel vm12, $0x40, v2  }
0x50: {  	vm14 =	vgt.s32 v27, $0x7BFFF;
	[tilespmem:$0x540] =	vst v25;
	v25 =	vadd.s32 v62, v26  }
0x51: {  	v26 =	vsel vm14, $0xFFF84000, v2;
	[tilespmem:$0x450] =	vst v25;
	v25 =	vsel vm13, $0x40, v2  }
0x52: {  	vm15 =	vgt.s32 v63, $0x7BFFF;
	[tilespmem:$0x550] =	vst v25;
	v25 =	vadd.s32 v27, v26  }
0x53: {  	v26 =	vsel vm14, $0x40, v2;
	[tilespmem:$0x460] =	vst v25;
	v25 =	vsel vm15, $0xFFF84000, v2  }
0x54: {  	[tilespmem:$0x560] =	vst v26;
	v25 =	vadd.s32 v63, v25  }
0x55: {  	s24 =	sshll.u32 s24, $0x12;
	s23 =	sshll.u32 s23, $0x7;
	[tilespmem:$0x470] =	vst v25;
	v25 =	vsel vm15, $0x40, v2  }
0x56: {  	s23 =	sor.u32 s23, s24;
	s24 =	simm.s32 $0x0;
	[tilespmem:$0x570] =	vst v25  }
0x57: {  	[tilespmem:s13], [sflag:$0x1] =	stream.indirect.gather [hbm4b:s4+s9], $0x80, s12, s9, $0xb8;
	[tilespmem:$0xC600] =	vst v63  }
.LBB2_3:
0x58: {  	_ =	swait.ge [sflag:s14], $0x4000  }
0x59: {  	s25 =	sshll.u32 s24, $0x8;
	[sflag:s14] =	ssyncset.done $0x0  }
0x5a: {  	s25 =	sand.u32 $0x3FFFFF00, s25;
	[sflag:s14] =	ssyncadd.s32 $0xFFFFC000  }
0x5b: {  	v25 =	vld [tilespmem:s25+$0x80];
	_ =	sdelay $0x4  }
0x5c: {  	vm0 =	vgt.s32 v25, $0x7BFFF  }
0x5d: {  	v26 =	vsel vm0, $0xFFF84000, v2  }
0x5e: {  	v25 =	vadd.s32 v25, v26  }
0x5f: {  	[tilespmem:$0x480] =	vst v25;
	v25 =	vsel vm0, $0x40, v2  }
0x60: {  	[tilespmem:$0x580] =	vst v25  }
0x61: {  	v25 =	vld [tilespmem:s25+$0x90];
	_ =	sdelay $0x4  }
0x62: {  	vm9 =	vgt.s32 v25, $0x7BFFF  }
0x63: {  	v26 =	vsel vm9, $0xFFF84000, v2  }
0x64: {  	v25 =	vadd.s32 v25, v26  }
0x65: {  	[tilespmem:$0x490] =	vst v25;
	v25 =	vsel vm9, $0x40, v2  }
0x66: {  	[tilespmem:$0x590] =	vst v25  }
0x67: {  	v25 =	vld [tilespmem:s25+$0xA0];
	_ =	sdelay $0x4  }
0x68: {  	vm10 =	vgt.s32 v25, $0x7BFFF  }
0x69: {  	v26 =	vsel vm10, $0xFFF84000, v2  }
0x6a: {  	v25 =	vadd.s32 v25, v26  }
0x6b: {  	[tilespmem:$0x4A0] =	vst v25;
	v25 =	vsel vm10, $0x40, v2  }
0x6c: {  	[tilespmem:$0x5A0] =	vst v25  }
0x6d: {  	v25 =	vld [tilespmem:s25+$0xB0];
	_ =	sdelay $0x4  }
0x6e: {  	vm11 =	vgt.s32 v25, $0x7BFFF  }
0x6f: {  	v26 =	vsel vm11, $0xFFF84000, v2  }
0x70: {  	v25 =	vadd.s32 v25, v26  }
0x71: {  	[tilespmem:$0x4B0] =	vst v25;
	v25 =	vsel vm11, $0x40, v2  }
0x72: {  	[tilespmem:$0x5B0] =	vst v25  }
0x73: {  	v25 =	vld [tilespmem:s25+$0xC0];
	_ =	sdelay $0x4  }
0x74: {  	vm12 =	vgt.s32 v25, $0x7BFFF  }
0x75: {  	v26 =	vsel vm12, $0xFFF84000, v2  }
0x76: {  	v25 =	vadd.s32 v25, v26  }
0x77: {  	[tilespmem:$0x4C0] =	vst v25;
	v25 =	vsel vm12, $0x40, v2  }
0x78: {  	[tilespmem:$0x5C0] =	vst v25  }
0x79: {  	v25 =	vld [tilespmem:s25+$0xD0];
	_ =	sdelay $0x4  }
0x7a: {  	vm13 =	vgt.s32 v25, $0x7BFFF  }
0x7b: {  	v26 =	vsel vm13, $0xFFF84000, v2  }
0x7c: {  	v25 =	vadd.s32 v25, v26  }
0x7d: {  	[tilespmem:$0x4D0] =	vst v25;
	v25 =	vsel vm13, $0x40, v2  }
0x7e: {  	[tilespmem:$0x5D0] =	vst v25  }
0x7f: {  	v25 =	vld [tilespmem:s25+$0xE0];
	_ =	sdelay $0x4  }
0x80: {  	vm14 =	vgt.s32 v25, $0x7BFFF  }
0x81: {  	v26 =	vsel vm14, $0xFFF84000, v2  }
0x82: {  	v25 =	vadd.s32 v25, v26  }
0x83: {  	[tilespmem:$0x4E0] =	vst v25;
	v25 =	vsel vm14, $0x40, v2  }
0x84: {  	[tilespmem:$0x5E0] =	vst v25  }
0x85: {  	v25 =	vld [tilespmem:s25+$0xF0];
	_ =	sdelay $0x4  }
0x86: {  	vm15 =	vgt.s32 v25, $0x7BFFF  }
0x87: {  	v26 =	vsel vm15, $0xFFF84000, v2  }
0x88: {  	v25 =	vadd.s32 v25, v26  }
0x89: {  	p0 =	seq.s32 s24, $0x0;
	[tilespmem:$0x4F0] =	vst v25;
	v25 =	vsel vm15, $0x40, v2  }
0x8a: {  	s26 =	simm.s32 @!p0 $0x2;
	[tilespmem:$0x5F0] =	vst v25  }
0x8b: {  	[tilespmem:s16], [sflag:$0x1] =	stream.indirect.gather [hbm4b:s4+s9], $0x80, s15, s9, $0xb8;
	[tilespmem:$0xC600] =	vst v63  }
0x8c: {  	_ =	swait.ge @!p0 [sflag:s26], $0x2000  }
0x8d: {  	[sflag:s26] =	ssyncset.done @!p0 $0x0  }
0x8e: {  	[sflag:s26] =	ssyncadd.s32 @!p0 $0xFFFFE000  }
0x8f: {  	v32 =	vld [tilespmem:$0x500];
	_ =	sdelay $0x2  }
0x90: {  	v25 =	vadd.s32 s22, v0  }
0x91: {  	v33 =	vand.u32 $0x3F, v25  }
0x92: {  	v26 =	vadd.s32 v32, v33  }
0x93: {  	v31 =	vld [tilespmem:$0x510];
	v26 =	vadd.s32 v1, v26;
	_ =	sdelay $0x2  }
0x94: {  	v25 =	vshll.u32 v25, $0x7  }
0x95: {  	v34 =	vand.u32 $0x1C00, v25;
	v30 =	vld [tilespmem:$0x520]  }
0x96: {  	v36 =	vor.u32 v3, v34;
	v25 =	vadd.s32 v31, v33;
	v35 =	vld.idx.msk [tilespmem:v26+s13+$0x0], $0xffff  }
0x97: {  	v28 =	vld [tilespmem:$0x530];
	v37 =	vadd.s32 v4, v25  }
0x98: {  	v29 =	vld [tilespmem:$0x540]  }
0x99: {  	v27 =	vld [tilespmem:$0x550]  }
0x9a: {  	v25 =	vld [tilespmem:$0x570]  }
0x9b: {  	v26 =	vld [tilespmem:$0x560];
	[tilespmem:v36+s17+$0x0] =	vst.idx.msk $0xffff, v35  }
0x9c: {  	v54 =	vor.u32 v5, v34;
	v55 =	vadd.s32 v30, v33;
	v35 =	vld.idx.msk [tilespmem:v37+s13+$0x0], $0xffff  }
0x9d: {  	v37 =	vadd.s32 v6, v55;
	_ =	sdelay $0x3  }
0x9e: {  	[tilespmem:v54+s17+$0x0] =	vst.idx.msk $0xffff, v35  }
0x9f: {  	v56 =	vor.u32 v7, v34;
	v57 =	vadd.s32 v28, v33;
	v35 =	vld.idx.msk [tilespmem:v37+s13+$0x0], $0xffff  }
0xa0: {  	v37 =	vadd.s32 v8, v57;
	_ =	sdelay $0x3  }
0xa1: {  	[tilespmem:v56+s17+$0x0] =	vst.idx.msk $0xffff, v35  }
0xa2: {  	v58 =	vor.u32 v9, v34;
	v59 =	vadd.s32 v29, v33;
	v35 =	vld.idx.msk [tilespmem:v37+s13+$0x0], $0xffff  }
0xa3: {  	v37 =	vadd.s32 v10, v59;
	_ =	sdelay $0x3  }
0xa4: {  	[tilespmem:v58+s17+$0x0] =	vst.idx.msk $0xffff, v35  }
0xa5: {  	v60 =	vor.u32 v11, v34;
	v61 =	vadd.s32 v27, v33;
	v35 =	vld.idx.msk [tilespmem:v37+s13+$0x0], $0xffff  }
0xa6: {  	v37 =	vadd.s32 v12, v61;
	_ =	sdelay $0x3  }
0xa7: {  	[tilespmem:v60+s17+$0x0] =	vst.idx.msk $0xffff, v35  }
0xa8: {  	v62 =	vor.u32 v13, v34;
	v63 =	vadd.s32 v26, v33;
	v35 =	vld.idx.msk [tilespmem:v37+s13+$0x0], $0xffff  }
0xa9: {  	v37 =	vadd.s32 v14, v63;
	_ =	sdelay $0x3  }
0xaa: {  	[tilespmem:v62+s17+$0x0] =	vst.idx.msk $0xffff, v35  }
0xab: {  	v40 =	vor.u32 v15, v34;
	v33 =	vadd.s32 v25, v33;
	v35 =	vld.idx.msk [tilespmem:v37+s13+$0x0], $0xffff  }
0xac: {  	v33 =	vadd.s32 v16, v33;
	_ =	sdelay $0x1  }
0xad: {  	s31 =	simm.s32 $0x1  }
0xae: {  	v41 =	vadd.s32 s31, v0  }
0xaf: {  	v42 =	vand.u32 $0x3F, v41;
	[tilespmem:v40+s17+$0x0] =	vst.idx.msk $0xffff, v35  }
0xb0: {  	v34 =	vor.u32 v17, v34;
	v43 =	vadd.s32 v32, v42;
	v33 =	vld.idx.msk [tilespmem:v33+s13+$0x0], $0xffff  }
0xb1: {  	v36 =	vadd.s32 v1, v43;
	_ =	sdelay $0x2  }
0xb2: {  	v37 =	vshll.u32 v41, $0x7  }
0xb3: {  	v44 =	vand.u32 $0x1F80, v37;
	[tilespmem:v34+s17+$0x0] =	vst.idx.msk $0xffff, v33  }
0xb4: {  	v46 =	vadd.s32 v31, v42;
	v45 =	vor.u32 v0, v44;
	v34 =	vld.idx.msk [tilespmem:v36+s13+$0x0], $0xffff  }
0xb5: {  	v37 =	vadd.s32 v4, v46;
	_ =	sdelay $0x3  }
0xb6: {  	[tilespmem:v45+s17+$0x0] =	vst.idx.msk $0xffff, v34  }
0xb7: {  	v48 =	vadd.s32 v30, v42;
	v47 =	vor.u32 v18, v44;
	v34 =	vld.idx.msk [tilespmem:v37+s13+$0x0], $0xffff  }
0xb8: {  	v37 =	vadd.s32 v6, v48;
	_ =	sdelay $0x3  }
0xb9: {  	[tilespmem:v47+s17+$0x0] =	vst.idx.msk $0xffff, v34  }
0xba: {  	v50 =	vadd.s32 v28, v42;
	v49 =	vor.u32 v19, v44;
	v34 =	vld.idx.msk [tilespmem:v37+s13+$0x0], $0xffff  }
0xbb: {  	v37 =	vadd.s32 v8, v50;
	_ =	sdelay $0x3  }
0xbc: {  	[tilespmem:v49+s17+$0x0] =	vst.idx.msk $0xffff, v34  }
0xbd: {  	v52 =	vadd.s32 v29, v42;
	v51 =	vor.u32 v20, v44;
	v34 =	vld.idx.msk [tilespmem:v37+s13+$0x0], $0xffff  }
0xbe: {  	v37 =	vadd.s32 v10, v52;
	_ =	sdelay $0x3  }
0xbf: {  	[tilespmem:v51+s17+$0x0] =	vst.idx.msk $0xffff, v34  }
0xc0: {  	v54 =	vadd.s32 v27, v42;
	v53 =	vor.u32 v21, v44;
	v34 =	vld.idx.msk [tilespmem:v37+s13+$0x0], $0xffff  }
0xc1: {  	v37 =	vadd.s32 v12, v54;
	_ =	sdelay $0x3  }
0xc2: {  	[tilespmem:v53+s17+$0x0] =	vst.idx.msk $0xffff, v34  }
0xc3: {  	v56 =	vadd.s32 v26, v42;
	v55 =	vor.u32 v22, v44;
	v34 =	vld.idx.msk [tilespmem:v37+s13+$0x0], $0xffff  }
0xc4: {  	v37 =	vadd.s32 v14, v56;
	_ =	sdelay $0x3  }
0xc5: {  	[tilespmem:v55+s17+$0x0] =	vst.idx.msk $0xffff, v34  }
0xc6: {  	v57 =	vor.u32 v23, v44;
	v35 =	vadd.s32 v25, v42;
	v34 =	vld.idx.msk [tilespmem:v37+s13+$0x0], $0xffff  }
0xc7: {  	v35 =	vadd.s32 v16, v35;
	_ =	sdelay $0x1  }
0xc8: {  	s30 =	simm.s32 $0x2  }
0xc9: {  	v58 =	vadd.s32 s30, v0  }
0xca: {  	v59 =	vand.u32 $0x3F, v58;
	[tilespmem:v57+s17+$0x0] =	vst.idx.msk $0xffff, v34  }
0xcb: {  	v60 =	vadd.s32 v32, v59;
	v33 =	vor.u32 v24, v44;
	v35 =	vld.idx.msk [tilespmem:v35+s13+$0x0], $0xffff  }
0xcc: {  	v36 =	vadd.s32 v1, v60;
	_ =	sdelay $0x2  }
0xcd: {  	v37 =	vshll.u32 v58, $0x7  }
0xce: {  	v61 =	vand.u32 $0x1F80, v37;
	[tilespmem:v33+s17+$0x0] =	vst.idx.msk $0xffff, v35  }
0xcf: {  	v63 =	vadd.s32 v31, v59;
	v62 =	vor.u32 v0, v61;
	v35 =	vld.idx.msk [tilespmem:v36+s13+$0x0], $0xffff  }
0xd0: {  	v37 =	vadd.s32 v4, v63;
	_ =	sdelay $0x3  }
0xd1: {  	[tilespmem:v62+s17+$0x0] =	vst.idx.msk $0xffff, v35  }
0xd2: {  	v41 =	vadd.s32 v30, v59;
	v40 =	vor.u32 v18, v61;
	v35 =	vld.idx.msk [tilespmem:v37+s13+$0x0], $0xffff  }
0xd3: {  	v37 =	vadd.s32 v6, v41;
	_ =	sdelay $0x3  }
0xd4: {  	[tilespmem:v40+s17+$0x0] =	vst.idx.msk $0xffff, v35  }
0xd5: {  	v43 =	vadd.s32 v28, v59;
	v42 =	vor.u32 v19, v61;
	v35 =	vld.idx.msk [tilespmem:v37+s13+$0x0], $0xffff  }
0xd6: {  	v37 =	vadd.s32 v8, v43;
	_ =	sdelay $0x3  }
0xd7: {  	[tilespmem:v42+s17+$0x0] =	vst.idx.msk $0xffff, v35  }
0xd8: {  	v45 =	vadd.s32 v29, v59;
	v44 =	vor.u32 v20, v61;
	v35 =	vld.idx.msk [tilespmem:v37+s13+$0x0], $0xffff  }
0xd9: {  	v37 =	vadd.s32 v10, v45;
	_ =	sdelay $0x3  }
0xda: {  	[tilespmem:v44+s17+$0x0] =	vst.idx.msk $0xffff, v35  }
0xdb: {  	v47 =	vadd.s32 v27, v59;
	v46 =	vor.u32 v21, v61;
	v35 =	vld.idx.msk [tilespmem:v37+s13+$0x0], $0xffff  }
0xdc: {  	v37 =	vadd.s32 v12, v47;
	_ =	sdelay $0x3  }
0xdd: {  	[tilespmem:v46+s17+$0x0] =	vst.idx.msk $0xffff, v35  }
0xde: {  	v49 =	vadd.s32 v26, v59;
	v48 =	vor.u32 v22, v61;
	v35 =	vld.idx.msk [tilespmem:v37+s13+$0x0], $0xffff  }
0xdf: {  	v37 =	vadd.s32 v14, v49;
	_ =	sdelay $0x3  }
0xe0: {  	[tilespmem:v48+s17+$0x0] =	vst.idx.msk $0xffff, v35  }
0xe1: {  	v50 =	vor.u32 v23, v61;
	v34 =	vadd.s32 v25, v59;
	v35 =	vld.idx.msk [tilespmem:v37+s13+$0x0], $0xffff  }
0xe2: {  	v34 =	vadd.s32 v16, v34;
	_ =	sdelay $0x1  }
0xe3: {  	s31 =	simm.s32 $0x3  }
0xe4: {  	v51 =	vadd.s32 s31, v0  }
0xe5: {  	v52 =	vand.u32 $0x3F, v51;
	[tilespmem:v50+s17+$0x0] =	vst.idx.msk $0xffff, v35  }
0xe6: {  	v53 =	vadd.s32 v32, v52;
	v33 =	vor.u32 v24, v61;
	v34 =	vld.idx.msk [tilespmem:v34+s13+$0x0], $0xffff  }
0xe7: {  	v36 =	vadd.s32 v1, v53;
	_ =	sdelay $0x2  }
0xe8: {  	v37 =	vshll.u32 v51, $0x7  }
0xe9: {  	v54 =	vand.u32 $0x1F80, v37;
	[tilespmem:v33+s17+$0x0] =	vst.idx.msk $0xffff, v34  }
0xea: {  	v56 =	vadd.s32 v31, v52;
	v55 =	vor.u32 v0, v54;
	v34 =	vld.idx.msk [tilespmem:v36+s13+$0x0], $0xffff  }
0xeb: {  	v37 =	vadd.s32 v4, v56;
	_ =	sdelay $0x3  }
0xec: {  	[tilespmem:v55+s17+$0x0] =	vst.idx.msk $0xffff, v34  }
0xed: {  	v58 =	vadd.s32 v30, v52;
	v57 =	vor.u32 v18, v54;
	v34 =	vld.idx.msk [tilespmem:v37+s13+$0x0], $0xffff  }
0xee: {  	v37 =	vadd.s32 v6, v58;
	_ =	sdelay $0x3  }
0xef: {  	[tilespmem:v57+s17+$0x0] =	vst.idx.msk $0xffff, v34  }
0xf0: {  	v60 =	vadd.s32 v28, v52;
	v59 =	vor.u32 v19, v54;
	v34 =	vld.idx.msk [tilespmem:v37+s13+$0x0], $0xffff  }
0xf1: {  	v37 =	vadd.s32 v8, v60;
	_ =	sdelay $0x3  }
0xf2: {  	[tilespmem:v59+s17+$0x0] =	vst.idx.msk $0xffff, v34  }
0xf3: {  	v62 =	vadd.s32 v29, v52;
	v61 =	vor.u32 v20, v54;
	v34 =	vld.idx.msk [tilespmem:v37+s13+$0x0], $0xffff  }
0xf4: {  	v37 =	vadd.s32 v10, v62;
	_ =	sdelay $0x3  }
0xf5: {  	[tilespmem:v61+s17+$0x0] =	vst.idx.msk $0xffff, v34  }
0xf6: {  	v40 =	vadd.s32 v27, v52;
	v63 =	vor.u32 v21, v54;
	v34 =	vld.idx.msk [tilespmem:v37+s13+$0x0], $0xffff  }
0xf7: {  	v37 =	vadd.s32 v12, v40;
	_ =	sdelay $0x3  }
0xf8: {  	[tilespmem:v63+s17+$0x0] =	vst.idx.msk $0xffff, v34  }
0xf9: {  	v42 =	vadd.s32 v26, v52;
	v41 =	vor.u32 v22, v54;
	v34 =	vld.idx.msk [tilespmem:v37+s13+$0x0], $0xffff  }
0xfa: {  	v37 =	vadd.s32 v14, v42;
	_ =	sdelay $0x3  }
0xfb: {  	[tilespmem:v41+s17+$0x0] =	vst.idx.msk $0xffff, v34  }
0xfc: {  	v43 =	vor.u32 v23, v54;
	v35 =	vadd.s32 v25, v52;
	v34 =	vld.idx.msk [tilespmem:v37+s13+$0x0], $0xffff  }
0xfd: {  	v35 =	vadd.s32 v16, v35;
	_ =	sdelay $0x1  }
0xfe: {  	s30 =	simm.s32 $0x4  }
0xff: {  	v44 =	vadd.s32 s30, v0  }
0x100: {  	v45 =	vand.u32 $0x3F, v44;
	[tilespmem:v43+s17+$0x0] =	vst.idx.msk $0xffff, v34  }
0x101: {  	v46 =	vadd.s32 v32, v45;
	v33 =	vor.u32 v24, v54;
	v35 =	vld.idx.msk [tilespmem:v35+s13+$0x0], $0xffff  }
0x102: {  	v36 =	vadd.s32 v1, v46;
	_ =	sdelay $0x2  }
0x103: {  	v37 =	vshll.u32 v44, $0x7  }
0x104: {  	v47 =	vand.u32 $0x1F80, v37;
	[tilespmem:v33+s17+$0x0] =	vst.idx.msk $0xffff, v35  }
0x105: {  	v49 =	vadd.s32 v31, v45;
	v48 =	vor.u32 v0, v47;
	v35 =	vld.idx.msk [tilespmem:v36+s13+$0x0], $0xffff  }
0x106: {  	v37 =	vadd.s32 v4, v49;
	_ =	sdelay $0x3  }
0x107: {  	[tilespmem:v48+s17+$0x0] =	vst.idx.msk $0xffff, v35  }
0x108: {  	v51 =	vadd.s32 v30, v45;
	v50 =	vor.u32 v18, v47;
	v35 =	vld.idx.msk [tilespmem:v37+s13+$0x0], $0xffff  }
0x109: {  	v37 =	vadd.s32 v6, v51;
	_ =	sdelay $0x3  }
0x10a: {  	[tilespmem:v50+s17+$0x0] =	vst.idx.msk $0xffff, v35  }
0x10b: {  	v53 =	vadd.s32 v28, v45;
	v52 =	vor.u32 v19, v47;
	v35 =	vld.idx.msk [tilespmem:v37+s13+$0x0], $0xffff  }
0x10c: {  	v37 =	vadd.s32 v8, v53;
	_ =	sdelay $0x3  }
0x10d: {  	[tilespmem:v52+s17+$0x0] =	vst.idx.msk $0xffff, v35  }
0x10e: {  	v55 =	vadd.s32 v29, v45;
	v54 =	vor.u32 v20, v47;
	v35 =	vld.idx.msk [tilespmem:v37+s13+$0x0], $0xffff  }
0x10f: {  	v37 =	vadd.s32 v10, v55;
	_ =	sdelay $0x3  }
0x110: {  	[tilespmem:v54+s17+$0x0] =	vst.idx.msk $0xffff, v35  }
0x111: {  	v57 =	vadd.s32 v27, v45;
	v56 =	vor.u32 v21, v47;
	v35 =	vld.idx.msk [tilespmem:v37+s13+$0x0], $0xffff  }
0x112: {  	v37 =	vadd.s32 v12, v57;
	_ =	sdelay $0x3  }
0x113: {  	[tilespmem:v56+s17+$0x0] =	vst.idx.msk $0xffff, v35  }
0x114: {  	v59 =	vadd.s32 v26, v45;
	v58 =	vor.u32 v22, v47;
	v35 =	vld.idx.msk [tilespmem:v37+s13+$0x0], $0xffff  }
0x115: {  	v37 =	vadd.s32 v14, v59;
	_ =	sdelay $0x3  }
0x116: {  	[tilespmem:v58+s17+$0x0] =	vst.idx.msk $0xffff, v35  }
0x117: {  	v60 =	vor.u32 v23, v47;
	v34 =	vadd.s32 v25, v45;
	v35 =	vld.idx.msk [tilespmem:v37+s13+$0x0], $0xffff  }
0x118: {  	v34 =	vadd.s32 v16, v34;
	_ =	sdelay $0x1  }
0x119: {  	s31 =	simm.s32 $0x5  }
0x11a: {  	v61 =	vadd.s32 s31, v0  }
0x11b: {  	v62 =	vand.u32 $0x3F, v61;
	[tilespmem:v60+s17+$0x0] =	vst.idx.msk $0xffff, v35  }
0x11c: {  	v63 =	vadd.s32 v32, v62;
	v33 =	vor.u32 v24, v47;
	v34 =	vld.idx.msk [tilespmem:v34+s13+$0x0], $0xffff  }
0x11d: {  	v36 =	vadd.s32 v1, v63;
	_ =	sdelay $0x2  }
0x11e: {  	v37 =	vshll.u32 v61, $0x7  }
0x11f: {  	v40 =	vand.u32 $0x1F80, v37;
	[tilespmem:v33+s17+$0x0] =	vst.idx.msk $0xffff, v34  }
0x120: {  	v42 =	vadd.s32 v31, v62;
	v41 =	vor.u32 v0, v40;
	v34 =	vld.idx.msk [tilespmem:v36+s13+$0x0], $0xffff  }
0x121: {  	v37 =	vadd.s32 v4, v42;
	_ =	sdelay $0x3  }
0x122: {  	[tilespmem:v41+s17+$0x0] =	vst.idx.msk $0xffff, v34  }
0x123: {  	v44 =	vadd.s32 v30, v62;
	v43 =	vor.u32 v18, v40;
	v34 =	vld.idx.msk [tilespmem:v37+s13+$0x0], $0xffff  }
0x124: {  	v37 =	vadd.s32 v6, v44;
	_ =	sdelay $0x3  }
0x125: {  	[tilespmem:v43+s17+$0x0] =	vst.idx.msk $0xffff, v34  }
0x126: {  	v46 =	vadd.s32 v28, v62;
	v45 =	vor.u32 v19, v40;
	v34 =	vld.idx.msk [tilespmem:v37+s13+$0x0], $0xffff  }
0x127: {  	v37 =	vadd.s32 v8, v46;
	_ =	sdelay $0x3  }
0x128: {  	[tilespmem:v45+s17+$0x0] =	vst.idx.msk $0xffff, v34  }
0x129: {  	v48 =	vadd.s32 v29, v62;
	v47 =	vor.u32 v20, v40;
	v34 =	vld.idx.msk [tilespmem:v37+s13+$0x0], $0xffff  }
0x12a: {  	v37 =	vadd.s32 v10, v48;
	_ =	sdelay $0x3  }
0x12b: {  	[tilespmem:v47+s17+$0x0] =	vst.idx.msk $0xffff, v34  }
0x12c: {  	v50 =	vadd.s32 v27, v62;
	v49 =	vor.u32 v21, v40;
	v34 =	vld.idx.msk [tilespmem:v37+s13+$0x0], $0xffff  }
0x12d: {  	v37 =	vadd.s32 v12, v50;
	_ =	sdelay $0x3  }
0x12e: {  	[tilespmem:v49+s17+$0x0] =	vst.idx.msk $0xffff, v34  }
0x12f: {  	v52 =	vadd.s32 v26, v62;
	v51 =	vor.u32 v22, v40;
	v34 =	vld.idx.msk [tilespmem:v37+s13+$0x0], $0xffff  }
0x130: {  	v37 =	vadd.s32 v14, v52;
	_ =	sdelay $0x3  }
0x131: {  	[tilespmem:v51+s17+$0x0] =	vst.idx.msk $0xffff, v34  }
0x132: {  	v53 =	vor.u32 v23, v40;
	v35 =	vadd.s32 v25, v62;
	v34 =	vld.idx.msk [tilespmem:v37+s13+$0x0], $0xffff  }
0x133: {  	v35 =	vadd.s32 v16, v35;
	_ =	sdelay $0x1  }
0x134: {  	s30 =	simm.s32 $0x6  }
0x135: {  	v54 =	vadd.s32 s30, v0  }
0x136: {  	v55 =	vand.u32 $0x3F, v54;
	[tilespmem:v53+s17+$0x0] =	vst.idx.msk $0xffff, v34  }
0x137: {  	v56 =	vadd.s32 v32, v55;
	v33 =	vor.u32 v24, v40;
	v35 =	vld.idx.msk [tilespmem:v35+s13+$0x0], $0xffff  }
0x138: {  	v36 =	vadd.s32 v1, v56;
	_ =	sdelay $0x2  }
0x139: {  	v37 =	vshll.u32 v54, $0x7  }
0x13a: {  	v57 =	vand.u32 $0x1F80, v37;
	[tilespmem:v33+s17+$0x0] =	vst.idx.msk $0xffff, v35  }
0x13b: {  	v59 =	vadd.s32 v31, v55;
	v58 =	vor.u32 v0, v57;
	v35 =	vld.idx.msk [tilespmem:v36+s13+$0x0], $0xffff  }
0x13c: {  	v37 =	vadd.s32 v4, v59;
	_ =	sdelay $0x3  }
0x13d: {  	[tilespmem:v58+s17+$0x0] =	vst.idx.msk $0xffff, v35  }
0x13e: {  	v61 =	vadd.s32 v30, v55;
	v60 =	vor.u32 v18, v57;
	v35 =	vld.idx.msk [tilespmem:v37+s13+$0x0], $0xffff  }
0x13f: {  	v37 =	vadd.s32 v6, v61;
	_ =	sdelay $0x3  }
0x140: {  	[tilespmem:v60+s17+$0x0] =	vst.idx.msk $0xffff, v35  }
0x141: {  	v63 =	vadd.s32 v28, v55;
	v62 =	vor.u32 v19, v57;
	v35 =	vld.idx.msk [tilespmem:v37+s13+$0x0], $0xffff  }
0x142: {  	v37 =	vadd.s32 v8, v63;
	_ =	sdelay $0x3  }
0x143: {  	[tilespmem:v62+s17+$0x0] =	vst.idx.msk $0xffff, v35  }
0x144: {  	v41 =	vadd.s32 v29, v55;
	v40 =	vor.u32 v20, v57;
	v35 =	vld.idx.msk [tilespmem:v37+s13+$0x0], $0xffff  }
0x145: {  	v37 =	vadd.s32 v10, v41;
	_ =	sdelay $0x3  }
0x146: {  	[tilespmem:v40+s17+$0x0] =	vst.idx.msk $0xffff, v35  }
0x147: {  	v43 =	vadd.s32 v27, v55;
	v42 =	vor.u32 v21, v57;
	v35 =	vld.idx.msk [tilespmem:v37+s13+$0x0], $0xffff  }
0x148: {  	v37 =	vadd.s32 v12, v43;
	_ =	sdelay $0x3  }
0x149: {  	[tilespmem:v42+s17+$0x0] =	vst.idx.msk $0xffff, v35  }
0x14a: {  	v45 =	vadd.s32 v26, v55;
	v44 =	vor.u32 v22, v57;
	v35 =	vld.idx.msk [tilespmem:v37+s13+$0x0], $0xffff  }
0x14b: {  	v37 =	vadd.s32 v14, v45;
	_ =	sdelay $0x3  }
0x14c: {  	[tilespmem:v44+s17+$0x0] =	vst.idx.msk $0xffff, v35  }
0x14d: {  	v46 =	vor.u32 v23, v57;
	v34 =	vadd.s32 v25, v55;
	v35 =	vld.idx.msk [tilespmem:v37+s13+$0x0], $0xffff  }
0x14e: {  	v34 =	vadd.s32 v16, v34;
	_ =	sdelay $0x1  }
0x14f: {  	s31 =	simm.s32 $0x7  }
0x150: {  	v47 =	vadd.s32 s31, v0  }
0x151: {  	v48 =	vand.u32 $0x3F, v47;
	[tilespmem:v46+s17+$0x0] =	vst.idx.msk $0xffff, v35  }
0x152: {  	v49 =	vadd.s32 v32, v48;
	v33 =	vor.u32 v24, v57;
	v34 =	vld.idx.msk [tilespmem:v34+s13+$0x0], $0xffff  }
0x153: {  	v36 =	vadd.s32 v1, v49;
	_ =	sdelay $0x2  }
0x154: {  	v37 =	vshll.u32 v47, $0x7  }
0x155: {  	[tilespmem:v33+s17+$0x0] =	vst.idx.msk $0xffff, v34;
	v33 =	vand.u32 $0x1F80, v37  }
0x156: {  	v51 =	vadd.s32 v31, v48;
	v34 =	vld.idx.msk [tilespmem:v36+s13+$0x0], $0xffff;
	v50 =	vor.u32 v0, v33  }
0x157: {  	v37 =	vadd.s32 v4, v51;
	_ =	sdelay $0x3  }
0x158: {  	[tilespmem:v50+s17+$0x0] =	vst.idx.msk $0xffff, v34  }
0x159: {  	v53 =	vadd.s32 v30, v48;
	v52 =	vor.u32 v18, v33;
	v34 =	vld.idx.msk [tilespmem:v37+s13+$0x0], $0xffff  }
0x15a: {  	v37 =	vadd.s32 v6, v53;
	_ =	sdelay $0x3  }
0x15b: {  	[tilespmem:v52+s17+$0x0] =	vst.idx.msk $0xffff, v34  }
0x15c: {  	v55 =	vadd.s32 v28, v48;
	v54 =	vor.u32 v19, v33;
	v34 =	vld.idx.msk [tilespmem:v37+s13+$0x0], $0xffff  }
0x15d: {  	v37 =	vadd.s32 v8, v55;
	_ =	sdelay $0x3  }
0x15e: {  	[tilespmem:v54+s17+$0x0] =	vst.idx.msk $0xffff, v34  }
0x15f: {  	v57 =	vadd.s32 v29, v48;
	v56 =	vor.u32 v20, v33;
	v34 =	vld.idx.msk [tilespmem:v37+s13+$0x0], $0xffff  }
0x160: {  	v37 =	vadd.s32 v10, v57;
	_ =	sdelay $0x3  }
0x161: {  	[tilespmem:v56+s17+$0x0] =	vst.idx.msk $0xffff, v34  }
0x162: {  	v59 =	vadd.s32 v27, v48;
	v58 =	vor.u32 v21, v33;
	v34 =	vld.idx.msk [tilespmem:v37+s13+$0x0], $0xffff  }
0x163: {  	v37 =	vadd.s32 v12, v59;
	_ =	sdelay $0x3  }
0x164: {  	[tilespmem:v58+s17+$0x0] =	vst.idx.msk $0xffff, v34  }
0x165: {  	v61 =	vadd.s32 v26, v48;
	v60 =	vor.u32 v22, v33;
	v34 =	vld.idx.msk [tilespmem:v37+s13+$0x0], $0xffff  }
0x166: {  	v37 =	vadd.s32 v14, v61;
	_ =	sdelay $0x3  }
0x167: {  	[tilespmem:v60+s17+$0x0] =	vst.idx.msk $0xffff, v34  }
0x168: {  	v63 =	vadd.s32 v25, v48;
	v62 =	vor.u32 v23, v33;
	v36 =	vld.idx.msk [tilespmem:v37+s13+$0x0], $0xffff  }
0x169: {  	v35 =	vadd.s32 v16, v63;
	_ =	sdelay $0x2  }
0x16a: {  	s28 =	simm.s32 $0x8  }
0x16b: {  	s29 =	simm.s32 $0x10;
	s26 =	sshll.u32 s24, $0x10;
	v34 =	vadd.s32 s28, v0;
	[tilespmem:v62+s17+$0x0] =	vst.idx.msk $0xffff, v36  }
.LBB2_4:
0x16c: {  	p0 =	slt.u32 s29, $0x38;
	v36 =	vand.u32 $0x3F, v34;
	v35 =	vld.idx.msk [tilespmem:v35+s13+$0x0], $0xffff  }
0x16d: {  	v33 =	vor.u32 v24, v33;
	v37 =	vadd.s32 v32, v36  }
0x16e: {  	v37 =	vadd.s32 v1, v37;
	_ =	sdelay $0x3  }
0x16f: {  	v34 =	vshll.u32 v34, $0x7;
	[tilespmem:v33+s17+$0x0] =	vst.idx.msk $0xffff, v35  }
0x170: {  	v34 =	vand.u32 $0x1C00, v34;
	v33 =	vld.idx.msk [tilespmem:v37+s13+$0x0], $0xffff  }
0x171: {  	v35 =	vor.u32 v3, v34;
	v37 =	vadd.s32 v31, v36  }
0x172: {  	v37 =	vadd.s32 v4, v37;
	_ =	sdelay $0x3  }
0x173: {  	[tilespmem:v35+s17+$0x0] =	vst.idx.msk $0xffff, v33  }
0x174: {  	v33 =	vld.idx.msk [tilespmem:v37+s13+$0x0], $0xffff  }
0x175: {  	v35 =	vor.u32 v5, v34;
	v37 =	vadd.s32 v30, v36  }
0x176: {  	v37 =	vadd.s32 v6, v37;
	_ =	sdelay $0x3  }
0x177: {  	[tilespmem:v35+s17+$0x0] =	vst.idx.msk $0xffff, v33  }
0x178: {  	v33 =	vld.idx.msk [tilespmem:v37+s13+$0x0], $0xffff  }
0x179: {  	v35 =	vor.u32 v7, v34;
	v37 =	vadd.s32 v28, v36  }
0x17a: {  	v37 =	vadd.s32 v8, v37;
	_ =	sdelay $0x3  }
0x17b: {  	[tilespmem:v35+s17+$0x0] =	vst.idx.msk $0xffff, v33  }
0x17c: {  	v33 =	vld.idx.msk [tilespmem:v37+s13+$0x0], $0xffff  }
0x17d: {  	v35 =	vor.u32 v9, v34;
	v37 =	vadd.s32 v29, v36  }
0x17e: {  	v37 =	vadd.s32 v10, v37;
	_ =	sdelay $0x3  }
0x17f: {  	[tilespmem:v35+s17+$0x0] =	vst.idx.msk $0xffff, v33  }
0x180: {  	v33 =	vld.idx.msk [tilespmem:v37+s13+$0x0], $0xffff  }
0x181: {  	v35 =	vor.u32 v11, v34;
	v37 =	vadd.s32 v27, v36  }
0x182: {  	v37 =	vadd.s32 v12, v37;
	_ =	sdelay $0x3  }
0x183: {  	[tilespmem:v35+s17+$0x0] =	vst.idx.msk $0xffff, v33  }
0x184: {  	v33 =	vld.idx.msk [tilespmem:v37+s13+$0x0], $0xffff  }
0x185: {  	v35 =	vor.u32 v13, v34;
	v37 =	vadd.s32 v26, v36  }
0x186: {  	v37 =	vadd.s32 v14, v37;
	_ =	sdelay $0x3  }
0x187: {  	[tilespmem:v35+s17+$0x0] =	vst.idx.msk $0xffff, v33  }
0x188: {  	v33 =	vld.idx.msk [tilespmem:v37+s13+$0x0], $0xffff  }
0x189: {  	v36 =	vadd.s32 v25, v36;
	v35 =	vor.u32 v15, v34  }
0x18a: {  	v36 =	vadd.s32 v16, v36;
	_ =	sdelay $0x2  }
0x18b: {  	s30 =	sadd.s32 $0x1, s28  }
0x18c: {  	[tilespmem:v35+s17+$0x0] =	vst.idx.msk $0xffff, v33;
	v33 =	vadd.s32 s30, v0  }
0x18d: {  	v35 =	vld.idx.msk [tilespmem:v36+s13+$0x0], $0xffff;
	v36 =	vand.u32 $0x3F, v33  }
0x18e: {  	v34 =	vor.u32 v17, v34;
	v37 =	vadd.s32 v32, v36  }
0x18f: {  	v37 =	vadd.s32 v1, v37;
	_ =	sdelay $0x3  }
0x190: {  	v33 =	vshll.u32 v33, $0x7;
	[tilespmem:v34+s17+$0x0] =	vst.idx.msk $0xffff, v35  }
0x191: {  	v33 =	vand.u32 $0x1F80, v33;
	v34 =	vld.idx.msk [tilespmem:v37+s13+$0x0], $0xffff  }
0x192: {  	v35 =	vor.u32 v0, v33;
	v37 =	vadd.s32 v31, v36  }
0x193: {  	v37 =	vadd.s32 v4, v37;
	_ =	sdelay $0x3  }
0x194: {  	[tilespmem:v35+s17+$0x0] =	vst.idx.msk $0xffff, v34  }
0x195: {  	v34 =	vld.idx.msk [tilespmem:v37+s13+$0x0], $0xffff  }
0x196: {  	v35 =	vor.u32 v18, v33;
	v37 =	vadd.s32 v30, v36  }
0x197: {  	v37 =	vadd.s32 v6, v37;
	_ =	sdelay $0x3  }
0x198: {  	[tilespmem:v35+s17+$0x0] =	vst.idx.msk $0xffff, v34  }
0x199: {  	v34 =	vld.idx.msk [tilespmem:v37+s13+$0x0], $0xffff  }
0x19a: {  	v35 =	vor.u32 v19, v33;
	v37 =	vadd.s32 v28, v36  }
0x19b: {  	v37 =	vadd.s32 v8, v37;
	_ =	sdelay $0x3  }
0x19c: {  	[tilespmem:v35+s17+$0x0] =	vst.idx.msk $0xffff, v34  }
0x19d: {  	v34 =	vld.idx.msk [tilespmem:v37+s13+$0x0], $0xffff  }
0x19e: {  	v35 =	vor.u32 v20, v33;
	v37 =	vadd.s32 v29, v36  }
0x19f: {  	v37 =	vadd.s32 v10, v37;
	_ =	sdelay $0x3  }
0x1a0: {  	[tilespmem:v35+s17+$0x0] =	vst.idx.msk $0xffff, v34  }
0x1a1: {  	v34 =	vld.idx.msk [tilespmem:v37+s13+$0x0], $0xffff  }
0x1a2: {  	v35 =	vor.u32 v21, v33;
	v37 =	vadd.s32 v27, v36  }
0x1a3: {  	v37 =	vadd.s32 v12, v37;
	_ =	sdelay $0x3  }
0x1a4: {  	[tilespmem:v35+s17+$0x0] =	vst.idx.msk $0xffff, v34  }
0x1a5: {  	v34 =	vld.idx.msk [tilespmem:v37+s13+$0x0], $0xffff  }
0x1a6: {  	v35 =	vor.u32 v22, v33;
	v37 =	vadd.s32 v26, v36  }
0x1a7: {  	v37 =	vadd.s32 v14, v37;
	_ =	sdelay $0x3  }
0x1a8: {  	[tilespmem:v35+s17+$0x0] =	vst.idx.msk $0xffff, v34  }
0x1a9: {  	v34 =	vld.idx.msk [tilespmem:v37+s13+$0x0], $0xffff  }
0x1aa: {  	v36 =	vadd.s32 v25, v36;
	v35 =	vor.u32 v23, v33  }
0x1ab: {  	v36 =	vadd.s32 v16, v36;
	_ =	sdelay $0x2  }
0x1ac: {  	s30 =	sadd.s32 $0x2, s28  }
0x1ad: {  	[tilespmem:v35+s17+$0x0] =	vst.idx.msk $0xffff, v34;
	v34 =	vadd.s32 s30, v0  }
0x1ae: {  	v35 =	vld.idx.msk [tilespmem:v36+s13+$0x0], $0xffff;
	v36 =	vand.u32 $0x3F, v34  }
0x1af: {  	v33 =	vor.u32 v24, v33;
	v37 =	vadd.s32 v32, v36  }
0x1b0: {  	v37 =	vadd.s32 v1, v37;
	_ =	sdelay $0x3  }
0x1b1: {  	[tilespmem:v33+s17+$0x0] =	vst.idx.msk $0xffff, v35;
	v33 =	vshll.u32 v34, $0x7  }
0x1b2: {  	v34 =	vld.idx.msk [tilespmem:v37+s13+$0x0], $0xffff;
	v33 =	vand.u32 $0x1F80, v33  }
0x1b3: {  	v37 =	vadd.s32 v31, v36;
	v35 =	vor.u32 v0, v33  }
0x1b4: {  	v37 =	vadd.s32 v4, v37;
	_ =	sdelay $0x3  }
0x1b5: {  	[tilespmem:v35+s17+$0x0] =	vst.idx.msk $0xffff, v34  }
0x1b6: {  	v34 =	vld.idx.msk [tilespmem:v37+s13+$0x0], $0xffff  }
0x1b7: {  	v35 =	vor.u32 v18, v33;
	v37 =	vadd.s32 v30, v36  }
0x1b8: {  	v37 =	vadd.s32 v6, v37;
	_ =	sdelay $0x3  }
0x1b9: {  	[tilespmem:v35+s17+$0x0] =	vst.idx.msk $0xffff, v34  }
0x1ba: {  	v34 =	vld.idx.msk [tilespmem:v37+s13+$0x0], $0xffff  }
0x1bb: {  	v35 =	vor.u32 v19, v33;
	v37 =	vadd.s32 v28, v36  }
0x1bc: {  	v37 =	vadd.s32 v8, v37;
	_ =	sdelay $0x3  }
0x1bd: {  	[tilespmem:v35+s17+$0x0] =	vst.idx.msk $0xffff, v34  }
0x1be: {  	v34 =	vld.idx.msk [tilespmem:v37+s13+$0x0], $0xffff  }
0x1bf: {  	v35 =	vor.u32 v20, v33;
	v37 =	vadd.s32 v29, v36  }
0x1c0: {  	v37 =	vadd.s32 v10, v37;
	_ =	sdelay $0x3  }
0x1c1: {  	[tilespmem:v35+s17+$0x0] =	vst.idx.msk $0xffff, v34  }
0x1c2: {  	v34 =	vld.idx.msk [tilespmem:v37+s13+$0x0], $0xffff  }
0x1c3: {  	v35 =	vor.u32 v21, v33;
	v37 =	vadd.s32 v27, v36  }
0x1c4: {  	v37 =	vadd.s32 v12, v37;
	_ =	sdelay $0x3  }
0x1c5: {  	[tilespmem:v35+s17+$0x0] =	vst.idx.msk $0xffff, v34  }
0x1c6: {  	v34 =	vld.idx.msk [tilespmem:v37+s13+$0x0], $0xffff  }
0x1c7: {  	v35 =	vor.u32 v22, v33;
	v37 =	vadd.s32 v26, v36  }
0x1c8: {  	v37 =	vadd.s32 v14, v37;
	_ =	sdelay $0x3  }
0x1c9: {  	[tilespmem:v35+s17+$0x0] =	vst.idx.msk $0xffff, v34  }
0x1ca: {  	v34 =	vld.idx.msk [tilespmem:v37+s13+$0x0], $0xffff  }
0x1cb: {  	v36 =	vadd.s32 v25, v36;
	v35 =	vor.u32 v23, v33  }
0x1cc: {  	v36 =	vadd.s32 v16, v36;
	_ =	sdelay $0x2  }
0x1cd: {  	s30 =	sadd.s32 $0x3, s28  }
0x1ce: {  	[tilespmem:v35+s17+$0x0] =	vst.idx.msk $0xffff, v34;
	v34 =	vadd.s32 s30, v0  }
0x1cf: {  	v35 =	vld.idx.msk [tilespmem:v36+s13+$0x0], $0xffff;
	v36 =	vand.u32 $0x3F, v34  }
0x1d0: {  	v33 =	vor.u32 v24, v33;
	v37 =	vadd.s32 v32, v36  }
0x1d1: {  	v37 =	vadd.s32 v1, v37;
	_ =	sdelay $0x3  }
0x1d2: {  	[tilespmem:v33+s17+$0x0] =	vst.idx.msk $0xffff, v35;
	v33 =	vshll.u32 v34, $0x7  }
0x1d3: {  	v34 =	vld.idx.msk [tilespmem:v37+s13+$0x0], $0xffff;
	v33 =	vand.u32 $0x1F80, v33  }
0x1d4: {  	v37 =	vadd.s32 v31, v36;
	v35 =	vor.u32 v0, v33  }
0x1d5: {  	v37 =	vadd.s32 v4, v37;
	_ =	sdelay $0x3  }
0x1d6: {  	[tilespmem:v35+s17+$0x0] =	vst.idx.msk $0xffff, v34  }
0x1d7: {  	v34 =	vld.idx.msk [tilespmem:v37+s13+$0x0], $0xffff  }
0x1d8: {  	v35 =	vor.u32 v18, v33;
	v37 =	vadd.s32 v30, v36  }
0x1d9: {  	v37 =	vadd.s32 v6, v37;
	_ =	sdelay $0x3  }
0x1da: {  	[tilespmem:v35+s17+$0x0] =	vst.idx.msk $0xffff, v34  }
0x1db: {  	v34 =	vld.idx.msk [tilespmem:v37+s13+$0x0], $0xffff  }
0x1dc: {  	v35 =	vor.u32 v19, v33;
	v37 =	vadd.s32 v28, v36  }
0x1dd: {  	v37 =	vadd.s32 v8, v37;
	_ =	sdelay $0x3  }
0x1de: {  	[tilespmem:v35+s17+$0x0] =	vst.idx.msk $0xffff, v34  }
0x1df: {  	v34 =	vld.idx.msk [tilespmem:v37+s13+$0x0], $0xffff  }
0x1e0: {  	v35 =	vor.u32 v20, v33;
	v37 =	vadd.s32 v29, v36  }
0x1e1: {  	v37 =	vadd.s32 v10, v37;
	_ =	sdelay $0x3  }
0x1e2: {  	[tilespmem:v35+s17+$0x0] =	vst.idx.msk $0xffff, v34  }
0x1e3: {  	v34 =	vld.idx.msk [tilespmem:v37+s13+$0x0], $0xffff  }
0x1e4: {  	v35 =	vor.u32 v21, v33;
	v37 =	vadd.s32 v27, v36  }
0x1e5: {  	v37 =	vadd.s32 v12, v37;
	_ =	sdelay $0x3  }
0x1e6: {  	[tilespmem:v35+s17+$0x0] =	vst.idx.msk $0xffff, v34  }
0x1e7: {  	v34 =	vld.idx.msk [tilespmem:v37+s13+$0x0], $0xffff  }
0x1e8: {  	v35 =	vor.u32 v22, v33;
	v37 =	vadd.s32 v26, v36  }
0x1e9: {  	v37 =	vadd.s32 v14, v37;
	_ =	sdelay $0x3  }
0x1ea: {  	[tilespmem:v35+s17+$0x0] =	vst.idx.msk $0xffff, v34  }
0x1eb: {  	v34 =	vld.idx.msk [tilespmem:v37+s13+$0x0], $0xffff  }
0x1ec: {  	v36 =	vadd.s32 v25, v36;
	v35 =	vor.u32 v23, v33  }
0x1ed: {  	v36 =	vadd.s32 v16, v36;
	_ =	sdelay $0x2  }
0x1ee: {  	s30 =	sadd.s32 $0x4, s28  }
0x1ef: {  	[tilespmem:v35+s17+$0x0] =	vst.idx.msk $0xffff, v34;
	v34 =	vadd.s32 s30, v0  }
0x1f0: {  	v35 =	vld.idx.msk [tilespmem:v36+s13+$0x0], $0xffff;
	v36 =	vand.u32 $0x3F, v34  }
0x1f1: {  	v33 =	vor.u32 v24, v33;
	v37 =	vadd.s32 v32, v36  }
0x1f2: {  	v37 =	vadd.s32 v1, v37;
	_ =	sdelay $0x3  }
0x1f3: {  	[tilespmem:v33+s17+$0x0] =	vst.idx.msk $0xffff, v35;
	v33 =	vshll.u32 v34, $0x7  }
0x1f4: {  	v34 =	vld.idx.msk [tilespmem:v37+s13+$0x0], $0xffff;
	v33 =	vand.u32 $0x1F80, v33  }
0x1f5: {  	v37 =	vadd.s32 v31, v36;
	v35 =	vor.u32 v0, v33  }
0x1f6: {  	v37 =	vadd.s32 v4, v37;
	_ =	sdelay $0x3  }
0x1f7: {  	[tilespmem:v35+s17+$0x0] =	vst.idx.msk $0xffff, v34  }
0x1f8: {  	v34 =	vld.idx.msk [tilespmem:v37+s13+$0x0], $0xffff  }
0x1f9: {  	v35 =	vor.u32 v18, v33;
	v37 =	vadd.s32 v30, v36  }
0x1fa: {  	v37 =	vadd.s32 v6, v37;
	_ =	sdelay $0x3  }
0x1fb: {  	[tilespmem:v35+s17+$0x0] =	vst.idx.msk $0xffff, v34  }
0x1fc: {  	v34 =	vld.idx.msk [tilespmem:v37+s13+$0x0], $0xffff  }
0x1fd: {  	v35 =	vor.u32 v19, v33;
	v37 =	vadd.s32 v28, v36  }
0x1fe: {  	v37 =	vadd.s32 v8, v37;
	_ =	sdelay $0x3  }
0x1ff: {  	[tilespmem:v35+s17+$0x0] =	vst.idx.msk $0xffff, v34  }
0x200: {  	v34 =	vld.idx.msk [tilespmem:v37+s13+$0x0], $0xffff  }
0x201: {  	v35 =	vor.u32 v20, v33;
	v37 =	vadd.s32 v29, v36  }
0x202: {  	v37 =	vadd.s32 v10, v37;
	_ =	sdelay $0x3  }
0x203: {  	[tilespmem:v35+s17+$0x0] =	vst.idx.msk $0xffff, v34  }
0x204: {  	v34 =	vld.idx.msk [tilespmem:v37+s13+$0x0], $0xffff  }
0x205: {  	v35 =	vor.u32 v21, v33;
	v37 =	vadd.s32 v27, v36  }
0x206: {  	v37 =	vadd.s32 v12, v37;
	_ =	sdelay $0x3  }
0x207: {  	[tilespmem:v35+s17+$0x0] =	vst.idx.msk $0xffff, v34  }
0x208: {  	v34 =	vld.idx.msk [tilespmem:v37+s13+$0x0], $0xffff  }
0x209: {  	v35 =	vor.u32 v22, v33;
	v37 =	vadd.s32 v26, v36  }
0x20a: {  	v37 =	vadd.s32 v14, v37;
	_ =	sdelay $0x3  }
0x20b: {  	[tilespmem:v35+s17+$0x0] =	vst.idx.msk $0xffff, v34  }
0x20c: {  	v34 =	vld.idx.msk [tilespmem:v37+s13+$0x0], $0xffff  }
0x20d: {  	v36 =	vadd.s32 v25, v36;
	v35 =	vor.u32 v23, v33  }
0x20e: {  	v36 =	vadd.s32 v16, v36;
	_ =	sdelay $0x2  }
0x20f: {  	s30 =	sadd.s32 $0x5, s28  }
0x210: {  	[tilespmem:v35+s17+$0x0] =	vst.idx.msk $0xffff, v34;
	v34 =	vadd.s32 s30, v0  }
0x211: {  	v35 =	vld.idx.msk [tilespmem:v36+s13+$0x0], $0xffff;
	v36 =	vand.u32 $0x3F, v34  }
0x212: {  	v33 =	vor.u32 v24, v33;
	v37 =	vadd.s32 v32, v36  }
0x213: {  	v37 =	vadd.s32 v1, v37;
	_ =	sdelay $0x3  }
0x214: {  	[tilespmem:v33+s17+$0x0] =	vst.idx.msk $0xffff, v35;
	v33 =	vshll.u32 v34, $0x7  }
0x215: {  	v34 =	vld.idx.msk [tilespmem:v37+s13+$0x0], $0xffff;
	v33 =	vand.u32 $0x1F80, v33  }
0x216: {  	v37 =	vadd.s32 v31, v36;
	v35 =	vor.u32 v0, v33  }
0x217: {  	v37 =	vadd.s32 v4, v37;
	_ =	sdelay $0x3  }
0x218: {  	[tilespmem:v35+s17+$0x0] =	vst.idx.msk $0xffff, v34  }
0x219: {  	v34 =	vld.idx.msk [tilespmem:v37+s13+$0x0], $0xffff  }
0x21a: {  	v35 =	vor.u32 v18, v33;
	v37 =	vadd.s32 v30, v36  }
0x21b: {  	v37 =	vadd.s32 v6, v37;
	_ =	sdelay $0x3  }
0x21c: {  	[tilespmem:v35+s17+$0x0] =	vst.idx.msk $0xffff, v34  }
0x21d: {  	v34 =	vld.idx.msk [tilespmem:v37+s13+$0x0], $0xffff  }
0x21e: {  	v35 =	vor.u32 v19, v33;
	v37 =	vadd.s32 v28, v36  }
0x21f: {  	v37 =	vadd.s32 v8, v37;
	_ =	sdelay $0x3  }
0x220: {  	[tilespmem:v35+s17+$0x0] =	vst.idx.msk $0xffff, v34  }
0x221: {  	v34 =	vld.idx.msk [tilespmem:v37+s13+$0x0], $0xffff  }
0x222: {  	v35 =	vor.u32 v20, v33;
	v37 =	vadd.s32 v29, v36  }
0x223: {  	v37 =	vadd.s32 v10, v37;
	_ =	sdelay $0x3  }
0x224: {  	[tilespmem:v35+s17+$0x0] =	vst.idx.msk $0xffff, v34  }
0x225: {  	v34 =	vld.idx.msk [tilespmem:v37+s13+$0x0], $0xffff  }
0x226: {  	v35 =	vor.u32 v21, v33;
	v37 =	vadd.s32 v27, v36  }
0x227: {  	v37 =	vadd.s32 v12, v37;
	_ =	sdelay $0x3  }
0x228: {  	[tilespmem:v35+s17+$0x0] =	vst.idx.msk $0xffff, v34  }
0x229: {  	v34 =	vld.idx.msk [tilespmem:v37+s13+$0x0], $0xffff  }
0x22a: {  	v35 =	vor.u32 v22, v33;
	v37 =	vadd.s32 v26, v36  }
0x22b: {  	v37 =	vadd.s32 v14, v37;
	_ =	sdelay $0x3  }
0x22c: {  	[tilespmem:v35+s17+$0x0] =	vst.idx.msk $0xffff, v34  }
0x22d: {  	v34 =	vld.idx.msk [tilespmem:v37+s13+$0x0], $0xffff  }
0x22e: {  	v36 =	vadd.s32 v25, v36;
	v35 =	vor.u32 v23, v33  }
0x22f: {  	v36 =	vadd.s32 v16, v36;
	_ =	sdelay $0x2  }
0x230: {  	s30 =	sadd.s32 $0x6, s28  }
0x231: {  	[tilespmem:v35+s17+$0x0] =	vst.idx.msk $0xffff, v34;
	v34 =	vadd.s32 s30, v0  }
0x232: {  	v35 =	vld.idx.msk [tilespmem:v36+s13+$0x0], $0xffff;
	v36 =	vand.u32 $0x3F, v34  }
0x233: {  	v33 =	vor.u32 v24, v33;
	v37 =	vadd.s32 v32, v36  }
0x234: {  	v37 =	vadd.s32 v1, v37;
	_ =	sdelay $0x3  }
0x235: {  	[tilespmem:v33+s17+$0x0] =	vst.idx.msk $0xffff, v35;
	v33 =	vshll.u32 v34, $0x7  }
0x236: {  	v34 =	vld.idx.msk [tilespmem:v37+s13+$0x0], $0xffff;
	v33 =	vand.u32 $0x1F80, v33  }
0x237: {  	v37 =	vadd.s32 v31, v36;
	v35 =	vor.u32 v0, v33  }
0x238: {  	v37 =	vadd.s32 v4, v37;
	_ =	sdelay $0x3  }
0x239: {  	[tilespmem:v35+s17+$0x0] =	vst.idx.msk $0xffff, v34  }
0x23a: {  	v34 =	vld.idx.msk [tilespmem:v37+s13+$0x0], $0xffff  }
0x23b: {  	v35 =	vor.u32 v18, v33;
	v37 =	vadd.s32 v30, v36  }
0x23c: {  	v37 =	vadd.s32 v6, v37;
	_ =	sdelay $0x3  }
0x23d: {  	[tilespmem:v35+s17+$0x0] =	vst.idx.msk $0xffff, v34  }
0x23e: {  	v34 =	vld.idx.msk [tilespmem:v37+s13+$0x0], $0xffff  }
0x23f: {  	v35 =	vor.u32 v19, v33;
	v37 =	vadd.s32 v28, v36  }
0x240: {  	v37 =	vadd.s32 v8, v37;
	_ =	sdelay $0x3  }
0x241: {  	[tilespmem:v35+s17+$0x0] =	vst.idx.msk $0xffff, v34  }
0x242: {  	v34 =	vld.idx.msk [tilespmem:v37+s13+$0x0], $0xffff  }
0x243: {  	v35 =	vor.u32 v20, v33;
	v37 =	vadd.s32 v29, v36  }
0x244: {  	v37 =	vadd.s32 v10, v37;
	_ =	sdelay $0x3  }
0x245: {  	[tilespmem:v35+s17+$0x0] =	vst.idx.msk $0xffff, v34  }
0x246: {  	v34 =	vld.idx.msk [tilespmem:v37+s13+$0x0], $0xffff  }
0x247: {  	v35 =	vor.u32 v21, v33;
	v37 =	vadd.s32 v27, v36  }
0x248: {  	v37 =	vadd.s32 v12, v37;
	_ =	sdelay $0x3  }
0x249: {  	[tilespmem:v35+s17+$0x0] =	vst.idx.msk $0xffff, v34  }
0x24a: {  	v34 =	vld.idx.msk [tilespmem:v37+s13+$0x0], $0xffff  }
0x24b: {  	v35 =	vor.u32 v22, v33;
	v37 =	vadd.s32 v26, v36  }
0x24c: {  	v37 =	vadd.s32 v14, v37;
	_ =	sdelay $0x3  }
0x24d: {  	[tilespmem:v35+s17+$0x0] =	vst.idx.msk $0xffff, v34  }
0x24e: {  	v34 =	vld.idx.msk [tilespmem:v37+s13+$0x0], $0xffff  }
0x24f: {  	v36 =	vadd.s32 v25, v36;
	v35 =	vor.u32 v23, v33  }
0x250: {  	v36 =	vadd.s32 v16, v36;
	_ =	sdelay $0x2  }
0x251: {  	s30 =	sadd.s32 $0x7, s28;
	s28 =	smov.u32 s29  }
0x252: {  	[tilespmem:v35+s17+$0x0] =	vst.idx.msk $0xffff, v34;
	v34 =	vadd.s32 s30, v0  }
0x253: {  	v35 =	vld.idx.msk [tilespmem:v36+s13+$0x0], $0xffff;
	v36 =	vand.u32 $0x3F, v34  }
0x254: {  	v33 =	vor.u32 v24, v33;
	v37 =	vadd.s32 v32, v36  }
0x255: {  	v37 =	vadd.s32 v1, v37;
	_ =	sdelay $0x3  }
0x256: {  	[tilespmem:v33+s17+$0x0] =	vst.idx.msk $0xffff, v35;
	v33 =	vshll.u32 v34, $0x7  }
0x257: {  	v34 =	vld.idx.msk [tilespmem:v37+s13+$0x0], $0xffff;
	v33 =	vand.u32 $0x1F80, v33  }
0x258: {  	v37 =	vadd.s32 v31, v36;
	v35 =	vor.u32 v0, v33  }
0x259: {  	v37 =	vadd.s32 v4, v37;
	_ =	sdelay $0x3  }
0x25a: {  	[tilespmem:v35+s17+$0x0] =	vst.idx.msk $0xffff, v34  }
0x25b: {  	v34 =	vld.idx.msk [tilespmem:v37+s13+$0x0], $0xffff  }
0x25c: {  	v35 =	vor.u32 v18, v33;
	v37 =	vadd.s32 v30, v36  }
0x25d: {  	v37 =	vadd.s32 v6, v37;
	_ =	sdelay $0x3  }
0x25e: {  	[tilespmem:v35+s17+$0x0] =	vst.idx.msk $0xffff, v34  }
0x25f: {  	v34 =	vld.idx.msk [tilespmem:v37+s13+$0x0], $0xffff  }
0x260: {  	v35 =	vor.u32 v19, v33;
	v37 =	vadd.s32 v28, v36  }
0x261: {  	v37 =	vadd.s32 v8, v37;
	_ =	sdelay $0x3  }
0x262: {  	[tilespmem:v35+s17+$0x0] =	vst.idx.msk $0xffff, v34  }
0x263: {  	v34 =	vld.idx.msk [tilespmem:v37+s13+$0x0], $0xffff  }
0x264: {  	v35 =	vor.u32 v20, v33;
	v37 =	vadd.s32 v29, v36  }
0x265: {  	v37 =	vadd.s32 v10, v37;
	_ =	sdelay $0x3  }
0x266: {  	[tilespmem:v35+s17+$0x0] =	vst.idx.msk $0xffff, v34  }
0x267: {  	v34 =	vld.idx.msk [tilespmem:v37+s13+$0x0], $0xffff  }
0x268: {  	v35 =	vor.u32 v21, v33;
	v37 =	vadd.s32 v27, v36  }
0x269: {  	v37 =	vadd.s32 v12, v37;
	_ =	sdelay $0x3  }
0x26a: {  	[tilespmem:v35+s17+$0x0] =	vst.idx.msk $0xffff, v34  }
0x26b: {  	v34 =	vld.idx.msk [tilespmem:v37+s13+$0x0], $0xffff  }
0x26c: {  	v35 =	vor.u32 v22, v33;
	v37 =	vadd.s32 v26, v36  }
0x26d: {  	v37 =	vadd.s32 v14, v37;
	_ =	sdelay $0x3  }
0x26e: {  	[tilespmem:v35+s17+$0x0] =	vst.idx.msk $0xffff, v34  }
0x26f: {  	v37 =	vld.idx.msk [tilespmem:v37+s13+$0x0], $0xffff  }
0x270: {  	v38 =	vor.u32 v23, v33;
	v34 =	vadd.s32 v25, v36  }
.Ltmp0:
0x271: {  	v35 =	vadd.s32 v16, v34;
	(pc) =	sbr.rel @p0 .LBB2_4-.Ltmp0, $2  }
0x272: {  	_ =	sdelay $0x2  }
0x273: {  	s29 =	sadd.s32 $0x8, s29;
	v34 =	vadd.s32 s28, v0;
	[tilespmem:v38+s17+$0x0] =	vst.idx.msk $0xffff, v37  }
0x274: {  	_ =	sdelay $0x2  }
0x275: {  	v36 =	vand.u32 $0x3F, v34  }
0x276: {  	v35 =	vld.idx.msk [tilespmem:v35+s13+$0x0], $0xffff;
	v33 =	vor.u32 v24, v33;
	v37 =	vadd.s32 v32, v36  }
0x277: {  	v37 =	vadd.s32 v1, v37;
	_ =	sdelay $0x2  }
0x278: {  	v44 =	vshll.u32 v34, $0x7  }
0x279: {  	v45 =	vand.u32 $0x1C00, v44;
	[tilespmem:v33+s17+$0x0] =	vst.idx.msk $0xffff, v35  }
0x27a: {  	v48 =	vadd.s32 v31, v36;
	v47 =	vor.u32 v3, v45;
	v46 =	vld.idx.msk [tilespmem:v37+s13+$0x0], $0xffff  }
0x27b: {  	v37 =	vadd.s32 v4, v48;
	_ =	sdelay $0x3  }
0x27c: {  	[tilespmem:v47+s17+$0x0] =	vst.idx.msk $0xffff, v46  }
0x27d: {  	v50 =	vadd.s32 v30, v36;
	v49 =	vor.u32 v5, v45;
	v34 =	vld.idx.msk [tilespmem:v37+s13+$0x0], $0xffff  }
0x27e: {  	v37 =	vadd.s32 v6, v50;
	_ =	sdelay $0x3  }
0x27f: {  	[tilespmem:v49+s17+$0x0] =	vst.idx.msk $0xffff, v34  }
0x280: {  	v52 =	vadd.s32 v28, v36;
	v51 =	vor.u32 v7, v45;
	v34 =	vld.idx.msk [tilespmem:v37+s13+$0x0], $0xffff  }
0x281: {  	v37 =	vadd.s32 v8, v52;
	_ =	sdelay $0x3  }
0x282: {  	[tilespmem:v51+s17+$0x0] =	vst.idx.msk $0xffff, v34  }
0x283: {  	v54 =	vadd.s32 v29, v36;
	v53 =	vor.u32 v9, v45;
	v34 =	vld.idx.msk [tilespmem:v37+s13+$0x0], $0xffff  }
0x284: {  	v37 =	vadd.s32 v10, v54;
	_ =	sdelay $0x3  }
0x285: {  	[tilespmem:v53+s17+$0x0] =	vst.idx.msk $0xffff, v34  }
0x286: {  	v56 =	vadd.s32 v27, v36;
	v55 =	vor.u32 v11, v45;
	v34 =	vld.idx.msk [tilespmem:v37+s13+$0x0], $0xffff  }
0x287: {  	v37 =	vadd.s32 v12, v56;
	_ =	sdelay $0x3  }
0x288: {  	[tilespmem:v55+s17+$0x0] =	vst.idx.msk $0xffff, v34  }
0x289: {  	v58 =	vadd.s32 v26, v36;
	v57 =	vor.u32 v13, v45;
	v34 =	vld.idx.msk [tilespmem:v37+s13+$0x0], $0xffff  }
0x28a: {  	v37 =	vadd.s32 v14, v58;
	_ =	sdelay $0x3  }
0x28b: {  	[tilespmem:v57+s17+$0x0] =	vst.idx.msk $0xffff, v34  }
0x28c: {  	v36 =	vadd.s32 v25, v36;
	v59 =	vor.u32 v15, v45;
	v34 =	vld.idx.msk [tilespmem:v37+s13+$0x0], $0xffff  }
0x28d: {  	v36 =	vadd.s32 v16, v36;
	_ =	sdelay $0x1  }
0x28e: {  	s29 =	sadd.s32 $0x1, s28  }
0x28f: {  	v60 =	vadd.s32 s29, v0  }
0x290: {  	v61 =	vand.u32 $0x3F, v60;
	[tilespmem:v59+s17+$0x0] =	vst.idx.msk $0xffff, v34  }
0x291: {  	v62 =	vadd.s32 v32, v61;
	v33 =	vor.u32 v17, v45;
	v35 =	vld.idx.msk [tilespmem:v36+s13+$0x0], $0xffff  }
0x292: {  	v36 =	vadd.s32 v1, v62;
	_ =	sdelay $0x2  }
0x293: {  	v37 =	vshll.u32 v60, $0x7  }
0x294: {  	v63 =	vand.u32 $0x1F80, v37;
	[tilespmem:v33+s17+$0x0] =	vst.idx.msk $0xffff, v35  }
0x295: {  	v41 =	vadd.s32 v31, v61;
	v40 =	vor.u32 v0, v63;
	v35 =	vld.idx.msk [tilespmem:v36+s13+$0x0], $0xffff  }
0x296: {  	v37 =	vadd.s32 v4, v41;
	_ =	sdelay $0x3  }
0x297: {  	[tilespmem:v40+s17+$0x0] =	vst.idx.msk $0xffff, v35  }
0x298: {  	v43 =	vadd.s32 v30, v61;
	v42 =	vor.u32 v18, v63;
	v35 =	vld.idx.msk [tilespmem:v37+s13+$0x0], $0xffff  }
0x299: {  	v37 =	vadd.s32 v6, v43;
	_ =	sdelay $0x3  }
0x29a: {  	[tilespmem:v42+s17+$0x0] =	vst.idx.msk $0xffff, v35  }
0x29b: {  	v45 =	vadd.s32 v28, v61;
	v44 =	vor.u32 v19, v63;
	v35 =	vld.idx.msk [tilespmem:v37+s13+$0x0], $0xffff  }
0x29c: {  	v37 =	vadd.s32 v8, v45;
	_ =	sdelay $0x3  }
0x29d: {  	[tilespmem:v44+s17+$0x0] =	vst.idx.msk $0xffff, v35  }
0x29e: {  	v47 =	vadd.s32 v29, v61;
	v46 =	vor.u32 v20, v63;
	v35 =	vld.idx.msk [tilespmem:v37+s13+$0x0], $0xffff  }
0x29f: {  	v37 =	vadd.s32 v10, v47;
	_ =	sdelay $0x3  }
0x2a0: {  	[tilespmem:v46+s17+$0x0] =	vst.idx.msk $0xffff, v35  }
0x2a1: {  	v49 =	vadd.s32 v27, v61;
	v48 =	vor.u32 v21, v63;
	v35 =	vld.idx.msk [tilespmem:v37+s13+$0x0], $0xffff  }
0x2a2: {  	v37 =	vadd.s32 v12, v49;
	_ =	sdelay $0x3  }
0x2a3: {  	[tilespmem:v48+s17+$0x0] =	vst.idx.msk $0xffff, v35  }
0x2a4: {  	v51 =	vadd.s32 v26, v61;
	v50 =	vor.u32 v22, v63;
	v35 =	vld.idx.msk [tilespmem:v37+s13+$0x0], $0xffff  }
0x2a5: {  	v37 =	vadd.s32 v14, v51;
	_ =	sdelay $0x3  }
0x2a6: {  	[tilespmem:v50+s17+$0x0] =	vst.idx.msk $0xffff, v35  }
0x2a7: {  	v52 =	vor.u32 v23, v63;
	v34 =	vadd.s32 v25, v61;
	v35 =	vld.idx.msk [tilespmem:v37+s13+$0x0], $0xffff  }
0x2a8: {  	v34 =	vadd.s32 v16, v34;
	_ =	sdelay $0x1  }
0x2a9: {  	s31 =	sadd.s32 $0x2, s28  }
0x2aa: {  	v53 =	vadd.s32 s31, v0  }
0x2ab: {  	v54 =	vand.u32 $0x3F, v53;
	[tilespmem:v52+s17+$0x0] =	vst.idx.msk $0xffff, v35  }
0x2ac: {  	v55 =	vadd.s32 v32, v54;
	v33 =	vor.u32 v24, v63;
	v34 =	vld.idx.msk [tilespmem:v34+s13+$0x0], $0xffff  }
0x2ad: {  	v36 =	vadd.s32 v1, v55;
	_ =	sdelay $0x2  }
0x2ae: {  	v37 =	vshll.u32 v53, $0x7  }
0x2af: {  	v56 =	vand.u32 $0x1F80, v37;
	[tilespmem:v33+s17+$0x0] =	vst.idx.msk $0xffff, v34  }
0x2b0: {  	v58 =	vadd.s32 v31, v54;
	v57 =	vor.u32 v0, v56;
	v34 =	vld.idx.msk [tilespmem:v36+s13+$0x0], $0xffff  }
0x2b1: {  	v37 =	vadd.s32 v4, v58;
	_ =	sdelay $0x3  }
0x2b2: {  	[tilespmem:v57+s17+$0x0] =	vst.idx.msk $0xffff, v34  }
0x2b3: {  	v60 =	vadd.s32 v30, v54;
	v59 =	vor.u32 v18, v56;
	v34 =	vld.idx.msk [tilespmem:v37+s13+$0x0], $0xffff  }
0x2b4: {  	v37 =	vadd.s32 v6, v60;
	_ =	sdelay $0x3  }
0x2b5: {  	[tilespmem:v59+s17+$0x0] =	vst.idx.msk $0xffff, v34  }
0x2b6: {  	v62 =	vadd.s32 v28, v54;
	v61 =	vor.u32 v19, v56;
	v34 =	vld.idx.msk [tilespmem:v37+s13+$0x0], $0xffff  }
0x2b7: {  	v37 =	vadd.s32 v8, v62;
	_ =	sdelay $0x3  }
0x2b8: {  	[tilespmem:v61+s17+$0x0] =	vst.idx.msk $0xffff, v34  }
0x2b9: {  	v40 =	vadd.s32 v29, v54;
	v63 =	vor.u32 v20, v56;
	v34 =	vld.idx.msk [tilespmem:v37+s13+$0x0], $0xffff  }
0x2ba: {  	v37 =	vadd.s32 v10, v40;
	_ =	sdelay $0x3  }
0x2bb: {  	[tilespmem:v63+s17+$0x0] =	vst.idx.msk $0xffff, v34  }
0x2bc: {  	v42 =	vadd.s32 v27, v54;
	v41 =	vor.u32 v21, v56;
	v34 =	vld.idx.msk [tilespmem:v37+s13+$0x0], $0xffff  }
0x2bd: {  	v37 =	vadd.s32 v12, v42;
	_ =	sdelay $0x3  }
0x2be: {  	[tilespmem:v41+s17+$0x0] =	vst.idx.msk $0xffff, v34  }
0x2bf: {  	v44 =	vadd.s32 v26, v54;
	v43 =	vor.u32 v22, v56;
	v34 =	vld.idx.msk [tilespmem:v37+s13+$0x0], $0xffff  }
0x2c0: {  	v37 =	vadd.s32 v14, v44;
	_ =	sdelay $0x3  }
0x2c1: {  	[tilespmem:v43+s17+$0x0] =	vst.idx.msk $0xffff, v34  }
0x2c2: {  	v45 =	vor.u32 v23, v56;
	v35 =	vadd.s32 v25, v54;
	v34 =	vld.idx.msk [tilespmem:v37+s13+$0x0], $0xffff  }
0x2c3: {  	v35 =	vadd.s32 v16, v35;
	_ =	sdelay $0x1  }
0x2c4: {  	s30 =	sadd.s32 $0x3, s28  }
0x2c5: {  	v46 =	vadd.s32 s30, v0  }
0x2c6: {  	v47 =	vand.u32 $0x3F, v46;
	[tilespmem:v45+s17+$0x0] =	vst.idx.msk $0xffff, v34  }
0x2c7: {  	v48 =	vadd.s32 v32, v47;
	v33 =	vor.u32 v24, v56;
	v35 =	vld.idx.msk [tilespmem:v35+s13+$0x0], $0xffff  }
0x2c8: {  	v36 =	vadd.s32 v1, v48;
	_ =	sdelay $0x2  }
0x2c9: {  	v37 =	vshll.u32 v46, $0x7  }
0x2ca: {  	v49 =	vand.u32 $0x1F80, v37;
	[tilespmem:v33+s17+$0x0] =	vst.idx.msk $0xffff, v35  }
0x2cb: {  	v51 =	vadd.s32 v31, v47;
	v50 =	vor.u32 v0, v49;
	v35 =	vld.idx.msk [tilespmem:v36+s13+$0x0], $0xffff  }
0x2cc: {  	v37 =	vadd.s32 v4, v51;
	_ =	sdelay $0x3  }
0x2cd: {  	[tilespmem:v50+s17+$0x0] =	vst.idx.msk $0xffff, v35  }
0x2ce: {  	v53 =	vadd.s32 v30, v47;
	v52 =	vor.u32 v18, v49;
	v35 =	vld.idx.msk [tilespmem:v37+s13+$0x0], $0xffff  }
0x2cf: {  	v37 =	vadd.s32 v6, v53;
	_ =	sdelay $0x3  }
0x2d0: {  	[tilespmem:v52+s17+$0x0] =	vst.idx.msk $0xffff, v35  }
0x2d1: {  	v55 =	vadd.s32 v28, v47;
	v54 =	vor.u32 v19, v49;
	v35 =	vld.idx.msk [tilespmem:v37+s13+$0x0], $0xffff  }
0x2d2: {  	v37 =	vadd.s32 v8, v55;
	_ =	sdelay $0x3  }
0x2d3: {  	[tilespmem:v54+s17+$0x0] =	vst.idx.msk $0xffff, v35  }
0x2d4: {  	v57 =	vadd.s32 v29, v47;
	v56 =	vor.u32 v20, v49;
	v35 =	vld.idx.msk [tilespmem:v37+s13+$0x0], $0xffff  }
0x2d5: {  	v37 =	vadd.s32 v10, v57;
	_ =	sdelay $0x3  }
0x2d6: {  	[tilespmem:v56+s17+$0x0] =	vst.idx.msk $0xffff, v35  }
0x2d7: {  	v59 =	vadd.s32 v27, v47;
	v58 =	vor.u32 v21, v49;
	v35 =	vld.idx.msk [tilespmem:v37+s13+$0x0], $0xffff  }
0x2d8: {  	v37 =	vadd.s32 v12, v59;
	_ =	sdelay $0x3  }
0x2d9: {  	[tilespmem:v58+s17+$0x0] =	vst.idx.msk $0xffff, v35  }
0x2da: {  	v61 =	vadd.s32 v26, v47;
	v60 =	vor.u32 v22, v49;
	v35 =	vld.idx.msk [tilespmem:v37+s13+$0x0], $0xffff  }
0x2db: {  	v37 =	vadd.s32 v14, v61;
	_ =	sdelay $0x3  }
0x2dc: {  	[tilespmem:v60+s17+$0x0] =	vst.idx.msk $0xffff, v35  }
0x2dd: {  	v62 =	vor.u32 v23, v49;
	v34 =	vadd.s32 v25, v47;
	v35 =	vld.idx.msk [tilespmem:v37+s13+$0x0], $0xffff  }
0x2de: {  	v34 =	vadd.s32 v16, v34;
	_ =	sdelay $0x1  }
0x2df: {  	s31 =	sadd.s32 $0x4, s28  }
0x2e0: {  	v63 =	vadd.s32 s31, v0  }
0x2e1: {  	v40 =	vand.u32 $0x3F, v63;
	[tilespmem:v62+s17+$0x0] =	vst.idx.msk $0xffff, v35  }
0x2e2: {  	v41 =	vadd.s32 v32, v40;
	v33 =	vor.u32 v24, v49;
	v34 =	vld.idx.msk [tilespmem:v34+s13+$0x0], $0xffff  }
0x2e3: {  	v36 =	vadd.s32 v1, v41;
	_ =	sdelay $0x2  }
0x2e4: {  	v37 =	vshll.u32 v63, $0x7  }
0x2e5: {  	v42 =	vand.u32 $0x1F80, v37;
	[tilespmem:v33+s17+$0x0] =	vst.idx.msk $0xffff, v34  }
0x2e6: {  	v44 =	vadd.s32 v31, v40;
	v43 =	vor.u32 v0, v42;
	v34 =	vld.idx.msk [tilespmem:v36+s13+$0x0], $0xffff  }
0x2e7: {  	v37 =	vadd.s32 v4, v44;
	_ =	sdelay $0x3  }
0x2e8: {  	[tilespmem:v43+s17+$0x0] =	vst.idx.msk $0xffff, v34  }
0x2e9: {  	v46 =	vadd.s32 v30, v40;
	v45 =	vor.u32 v18, v42;
	v34 =	vld.idx.msk [tilespmem:v37+s13+$0x0], $0xffff  }
0x2ea: {  	v37 =	vadd.s32 v6, v46;
	_ =	sdelay $0x3  }
0x2eb: {  	[tilespmem:v45+s17+$0x0] =	vst.idx.msk $0xffff, v34  }
0x2ec: {  	v48 =	vadd.s32 v28, v40;
	v47 =	vor.u32 v19, v42;
	v34 =	vld.idx.msk [tilespmem:v37+s13+$0x0], $0xffff  }
0x2ed: {  	v37 =	vadd.s32 v8, v48;
	_ =	sdelay $0x3  }
0x2ee: {  	[tilespmem:v47+s17+$0x0] =	vst.idx.msk $0xffff, v34  }
0x2ef: {  	v50 =	vadd.s32 v29, v40;
	v49 =	vor.u32 v20, v42;
	v34 =	vld.idx.msk [tilespmem:v37+s13+$0x0], $0xffff  }
0x2f0: {  	v37 =	vadd.s32 v10, v50;
	_ =	sdelay $0x3  }
0x2f1: {  	[tilespmem:v49+s17+$0x0] =	vst.idx.msk $0xffff, v34  }
0x2f2: {  	v52 =	vadd.s32 v27, v40;
	v51 =	vor.u32 v21, v42;
	v34 =	vld.idx.msk [tilespmem:v37+s13+$0x0], $0xffff  }
0x2f3: {  	v37 =	vadd.s32 v12, v52;
	_ =	sdelay $0x3  }
0x2f4: {  	[tilespmem:v51+s17+$0x0] =	vst.idx.msk $0xffff, v34  }
0x2f5: {  	v54 =	vadd.s32 v26, v40;
	v53 =	vor.u32 v22, v42;
	v34 =	vld.idx.msk [tilespmem:v37+s13+$0x0], $0xffff  }
0x2f6: {  	v37 =	vadd.s32 v14, v54;
	_ =	sdelay $0x3  }
0x2f7: {  	[tilespmem:v53+s17+$0x0] =	vst.idx.msk $0xffff, v34  }
0x2f8: {  	v55 =	vor.u32 v23, v42;
	v35 =	vadd.s32 v25, v40;
	v34 =	vld.idx.msk [tilespmem:v37+s13+$0x0], $0xffff  }
0x2f9: {  	v35 =	vadd.s32 v16, v35;
	_ =	sdelay $0x1  }
0x2fa: {  	s30 =	sadd.s32 $0x5, s28  }
0x2fb: {  	v56 =	vadd.s32 s30, v0  }
0x2fc: {  	v57 =	vand.u32 $0x3F, v56;
	[tilespmem:v55+s17+$0x0] =	vst.idx.msk $0xffff, v34  }
0x2fd: {  	v58 =	vadd.s32 v32, v57;
	v33 =	vor.u32 v24, v42;
	v35 =	vld.idx.msk [tilespmem:v35+s13+$0x0], $0xffff  }
0x2fe: {  	v36 =	vadd.s32 v1, v58;
	_ =	sdelay $0x2  }
0x2ff: {  	v37 =	vshll.u32 v56, $0x7  }
0x300: {  	v59 =	vand.u32 $0x1F80, v37;
	[tilespmem:v33+s17+$0x0] =	vst.idx.msk $0xffff, v35  }
0x301: {  	v61 =	vadd.s32 v31, v57;
	v60 =	vor.u32 v0, v59;
	v35 =	vld.idx.msk [tilespmem:v36+s13+$0x0], $0xffff  }
0x302: {  	v37 =	vadd.s32 v4, v61;
	_ =	sdelay $0x3  }
0x303: {  	[tilespmem:v60+s17+$0x0] =	vst.idx.msk $0xffff, v35  }
0x304: {  	v63 =	vadd.s32 v30, v57;
	v62 =	vor.u32 v18, v59;
	v35 =	vld.idx.msk [tilespmem:v37+s13+$0x0], $0xffff  }
0x305: {  	v37 =	vadd.s32 v6, v63;
	_ =	sdelay $0x3  }
0x306: {  	[tilespmem:v62+s17+$0x0] =	vst.idx.msk $0xffff, v35  }
0x307: {  	v41 =	vadd.s32 v28, v57;
	v40 =	vor.u32 v19, v59;
	v35 =	vld.idx.msk [tilespmem:v37+s13+$0x0], $0xffff  }
0x308: {  	v37 =	vadd.s32 v8, v41;
	_ =	sdelay $0x3  }
0x309: {  	[tilespmem:v40+s17+$0x0] =	vst.idx.msk $0xffff, v35  }
0x30a: {  	v43 =	vadd.s32 v29, v57;
	v42 =	vor.u32 v20, v59;
	v35 =	vld.idx.msk [tilespmem:v37+s13+$0x0], $0xffff  }
0x30b: {  	v37 =	vadd.s32 v10, v43;
	_ =	sdelay $0x3  }
0x30c: {  	[tilespmem:v42+s17+$0x0] =	vst.idx.msk $0xffff, v35  }
0x30d: {  	v45 =	vadd.s32 v27, v57;
	v44 =	vor.u32 v21, v59;
	v35 =	vld.idx.msk [tilespmem:v37+s13+$0x0], $0xffff  }
0x30e: {  	v37 =	vadd.s32 v12, v45;
	_ =	sdelay $0x3  }
0x30f: {  	[tilespmem:v44+s17+$0x0] =	vst.idx.msk $0xffff, v35  }
0x310: {  	v47 =	vadd.s32 v26, v57;
	v46 =	vor.u32 v22, v59;
	v35 =	vld.idx.msk [tilespmem:v37+s13+$0x0], $0xffff  }
0x311: {  	v37 =	vadd.s32 v14, v47;
	_ =	sdelay $0x3  }
0x312: {  	[tilespmem:v46+s17+$0x0] =	vst.idx.msk $0xffff, v35  }
0x313: {  	v48 =	vor.u32 v23, v59;
	v34 =	vadd.s32 v25, v57;
	v35 =	vld.idx.msk [tilespmem:v37+s13+$0x0], $0xffff  }
0x314: {  	v34 =	vadd.s32 v16, v34;
	_ =	sdelay $0x1  }
0x315: {  	s31 =	sadd.s32 $0x6, s28  }
0x316: {  	v49 =	vadd.s32 s31, v0  }
0x317: {  	v50 =	vand.u32 $0x3F, v49;
	[tilespmem:v48+s17+$0x0] =	vst.idx.msk $0xffff, v35  }
0x318: {  	v51 =	vadd.s32 v32, v50;
	v33 =	vor.u32 v24, v59;
	v34 =	vld.idx.msk [tilespmem:v34+s13+$0x0], $0xffff  }
0x319: {  	v36 =	vadd.s32 v1, v51;
	_ =	sdelay $0x2  }
0x31a: {  	v37 =	vshll.u32 v49, $0x7  }
0x31b: {  	v52 =	vand.u32 $0x1F80, v37;
	[tilespmem:v33+s17+$0x0] =	vst.idx.msk $0xffff, v34  }
0x31c: {  	v54 =	vadd.s32 v31, v50;
	v53 =	vor.u32 v0, v52;
	v34 =	vld.idx.msk [tilespmem:v36+s13+$0x0], $0xffff  }
0x31d: {  	v37 =	vadd.s32 v4, v54;
	_ =	sdelay $0x3  }
0x31e: {  	[tilespmem:v53+s17+$0x0] =	vst.idx.msk $0xffff, v34  }
0x31f: {  	v56 =	vadd.s32 v30, v50;
	v55 =	vor.u32 v18, v52;
	v34 =	vld.idx.msk [tilespmem:v37+s13+$0x0], $0xffff  }
0x320: {  	v37 =	vadd.s32 v6, v56;
	_ =	sdelay $0x3  }
0x321: {  	[tilespmem:v55+s17+$0x0] =	vst.idx.msk $0xffff, v34  }
0x322: {  	v58 =	vadd.s32 v28, v50;
	v57 =	vor.u32 v19, v52;
	v34 =	vld.idx.msk [tilespmem:v37+s13+$0x0], $0xffff  }
0x323: {  	v37 =	vadd.s32 v8, v58;
	_ =	sdelay $0x3  }
0x324: {  	[tilespmem:v57+s17+$0x0] =	vst.idx.msk $0xffff, v34  }
0x325: {  	v60 =	vadd.s32 v29, v50;
	v59 =	vor.u32 v20, v52;
	v34 =	vld.idx.msk [tilespmem:v37+s13+$0x0], $0xffff  }
0x326: {  	v37 =	vadd.s32 v10, v60;
	_ =	sdelay $0x3  }
0x327: {  	[tilespmem:v59+s17+$0x0] =	vst.idx.msk $0xffff, v34  }
0x328: {  	v62 =	vadd.s32 v27, v50;
	v61 =	vor.u32 v21, v52;
	v34 =	vld.idx.msk [tilespmem:v37+s13+$0x0], $0xffff  }
0x329: {  	v37 =	vadd.s32 v12, v62;
	_ =	sdelay $0x3  }
0x32a: {  	[tilespmem:v61+s17+$0x0] =	vst.idx.msk $0xffff, v34  }
0x32b: {  	v40 =	vadd.s32 v26, v50;
	v63 =	vor.u32 v22, v52;
	v34 =	vld.idx.msk [tilespmem:v37+s13+$0x0], $0xffff  }
0x32c: {  	v37 =	vadd.s32 v14, v40;
	_ =	sdelay $0x3  }
0x32d: {  	[tilespmem:v63+s17+$0x0] =	vst.idx.msk $0xffff, v34  }
0x32e: {  	v41 =	vor.u32 v23, v52;
	v35 =	vadd.s32 v25, v50;
	v34 =	vld.idx.msk [tilespmem:v37+s13+$0x0], $0xffff  }
0x32f: {  	v35 =	vadd.s32 v16, v35;
	_ =	sdelay $0x1  }
0x330: {  	s28 =	sadd.s32 $0x7, s28  }
0x331: {  	v42 =	vadd.s32 s28, v0  }
0x332: {  	v43 =	vand.u32 $0x3F, v42;
	[tilespmem:v41+s17+$0x0] =	vst.idx.msk $0xffff, v34  }
0x333: {  	v44 =	vadd.s32 v32, v43;
	v33 =	vor.u32 v24, v52;
	v35 =	vld.idx.msk [tilespmem:v35+s13+$0x0], $0xffff  }
0x334: {  	v32 =	vadd.s32 v1, v44;
	_ =	sdelay $0x2  }
0x335: {  	v45 =	vshll.u32 v42, $0x7  }
0x336: {  	v46 =	vand.u32 $0x1F80, v45;
	[tilespmem:v33+s17+$0x0] =	vst.idx.msk $0xffff, v35  }
0x337: {  	v31 =	vadd.s32 v31, v43;
	v47 =	vor.u32 v0, v46;
	v32 =	vld.idx.msk [tilespmem:v32+s13+$0x0], $0xffff  }
0x338: {  	v31 =	vadd.s32 v4, v31;
	_ =	sdelay $0x3  }
0x339: {  	[tilespmem:v47+s17+$0x0] =	vst.idx.msk $0xffff, v32  }
0x33a: {  	v30 =	vadd.s32 v30, v43;
	v48 =	vor.u32 v18, v46;
	v31 =	vld.idx.msk [tilespmem:v31+s13+$0x0], $0xffff  }
0x33b: {  	v30 =	vadd.s32 v6, v30;
	_ =	sdelay $0x3  }
0x33c: {  	[tilespmem:v48+s17+$0x0] =	vst.idx.msk $0xffff, v31  }
0x33d: {  	v28 =	vadd.s32 v28, v43;
	v31 =	vor.u32 v19, v46;
	v30 =	vld.idx.msk [tilespmem:v30+s13+$0x0], $0xffff  }
0x33e: {  	v28 =	vadd.s32 v8, v28;
	_ =	sdelay $0x3  }
0x33f: {  	[tilespmem:v31+s17+$0x0] =	vst.idx.msk $0xffff, v30  }
0x340: {  	v29 =	vadd.s32 v29, v43;
	v30 =	vor.u32 v20, v46;
	v28 =	vld.idx.msk [tilespmem:v28+s13+$0x0], $0xffff  }
0x341: {  	v29 =	vadd.s32 v10, v29;
	_ =	sdelay $0x3  }
0x342: {  	[tilespmem:v30+s17+$0x0] =	vst.idx.msk $0xffff, v28  }
0x343: {  	v27 =	vadd.s32 v27, v43;
	v28 =	vld.idx.msk [tilespmem:v29+s13+$0x0], $0xffff;
	v29 =	vor.u32 v21, v46  }
0x344: {  	v27 =	vadd.s32 v12, v27;
	_ =	sdelay $0x3  }
0x345: {  	[tilespmem:v29+s17+$0x0] =	vst.idx.msk $0xffff, v28  }
0x346: {  	v26 =	vadd.s32 v26, v43;
	v28 =	vor.u32 v22, v46;
	v27 =	vld.idx.msk [tilespmem:v27+s13+$0x0], $0xffff  }
0x347: {  	v26 =	vadd.s32 v14, v26;
	_ =	sdelay $0x3  }
0x348: {  	[tilespmem:v28+s17+$0x0] =	vst.idx.msk $0xffff, v27  }
0x349: {  	v25 =	vadd.s32 v25, v43;
	v27 =	vor.u32 v23, v46;
	v26 =	vld.idx.msk [tilespmem:v26+s13+$0x0], $0xffff  }
0x34a: {  	v25 =	vadd.s32 v16, v25;
	_ =	sdelay $0x3  }
0x34b: {  	[tilespmem:v27+s17+$0x0] =	vst.idx.msk $0xffff, v26  }
0x34c: {  	v26 =	vor.u32 v24, v46;
	v25 =	vld.idx.msk [tilespmem:v25+s13+$0x0], $0xffff;
	_ =	sdelay $0x3  }
0x34d: {  	s26 =	sadd.s32 s23, s26  }
0x34e: {  	s28 =	sadd.s32 s1, s26;
	[tilespmem:v26+s17+$0x0] =	vst.idx.msk $0xffff, v25  }
0x34f: {  	[hbm4b:s28+s12] =	stream.strided.scatter [tilespmem:s17], [sflag:$0x2], $0x2000, s18, s12, $0x38;
	[tilespmem:$0xC600] =	vst v63  }
0x350: {  	_ =	swait.ge [sflag:s14], $0x4000  }
0x351: {  	[sflag:s14] =	ssyncset.done $0x0  }
0x352: {  	p0 =	seq.s32 s24, $0x3;
	[sflag:s14] =	ssyncadd.s32 $0xFFFFC000  }
0x353: {  	v25 =	vld @!p0 [tilespmem:s25+$0x100];
	_ =	sdelay $0x4  }
0x354: {  	v26 =	vimm.s32 @!p0 $0x0;
	vm0 =	vgt.s32 @!p0 v25, $0x7BFFF  }
0x355: {  	v27 =	vsel @!p0 vm0, $0xFFF84000, v26  }
0x356: {  	v25 =	vadd.s32 @!p0 v25, v27  }
0x357: {  	[tilespmem:$0x400] =	vst @!p0 v25;
	v25 =	vsel @!p0 vm0, $0x40, v26  }
0x358: {  	[tilespmem:$0x500] =	vst @!p0 v25  }
0x359: {  	v25 =	vld @!p0 [tilespmem:s25+$0x110];
	_ =	sdelay $0x4  }
0x35a: {  	vm0 =	vgt.s32 @!p0 v25, $0x7BFFF  }
0x35b: {  	v27 =	vsel @!p0 vm0, $0xFFF84000, v26  }
0x35c: {  	v25 =	vadd.s32 @!p0 v25, v27  }
0x35d: {  	[tilespmem:$0x410] =	vst @!p0 v25;
	v25 =	vsel @!p0 vm0, $0x40, v26  }
0x35e: {  	[tilespmem:$0x510] =	vst @!p0 v25  }
0x35f: {  	v25 =	vld @!p0 [tilespmem:s25+$0x120];
	_ =	sdelay $0x4  }
0x360: {  	vm0 =	vgt.s32 @!p0 v25, $0x7BFFF  }
0x361: {  	v27 =	vsel @!p0 vm0, $0xFFF84000, v26  }
0x362: {  	v25 =	vadd.s32 @!p0 v25, v27  }
0x363: {  	[tilespmem:$0x420] =	vst @!p0 v25;
	v25 =	vsel @!p0 vm0, $0x40, v26  }
0x364: {  	[tilespmem:$0x520] =	vst @!p0 v25  }
0x365: {  	v25 =	vld @!p0 [tilespmem:s25+$0x130];
	_ =	sdelay $0x4  }
0x366: {  	vm0 =	vgt.s32 @!p0 v25, $0x7BFFF  }
0x367: {  	v27 =	vsel @!p0 vm0, $0xFFF84000, v26  }
0x368: {  	v25 =	vadd.s32 @!p0 v25, v27  }
0x369: {  	[tilespmem:$0x430] =	vst @!p0 v25;
	v25 =	vsel @!p0 vm0, $0x40, v26  }
0x36a: {  	[tilespmem:$0x530] =	vst @!p0 v25  }
0x36b: {  	v25 =	vld @!p0 [tilespmem:s25+$0x140];
	_ =	sdelay $0x4  }
0x36c: {  	vm0 =	vgt.s32 @!p0 v25, $0x7BFFF  }
0x36d: {  	v27 =	vsel @!p0 vm0, $0xFFF84000, v26  }
0x36e: {  	v25 =	vadd.s32 @!p0 v25, v27  }
0x36f: {  	[tilespmem:$0x440] =	vst @!p0 v25;
	v25 =	vsel @!p0 vm0, $0x40, v26  }
0x370: {  	[tilespmem:$0x540] =	vst @!p0 v25  }
0x371: {  	v25 =	vld @!p0 [tilespmem:s25+$0x150];
	_ =	sdelay $0x4  }
0x372: {  	vm0 =	vgt.s32 @!p0 v25, $0x7BFFF  }
0x373: {  	v27 =	vsel @!p0 vm0, $0xFFF84000, v26  }
0x374: {  	v25 =	vadd.s32 @!p0 v25, v27  }
0x375: {  	[tilespmem:$0x450] =	vst @!p0 v25;
	v25 =	vsel @!p0 vm0, $0x40, v26  }
0x376: {  	[tilespmem:$0x550] =	vst @!p0 v25  }
0x377: {  	v25 =	vld @!p0 [tilespmem:s25+$0x160];
	_ =	sdelay $0x4  }
0x378: {  	vm0 =	vgt.s32 @!p0 v25, $0x7BFFF  }
0x379: {  	v27 =	vsel @!p0 vm0, $0xFFF84000, v26  }
0x37a: {  	v25 =	vadd.s32 @!p0 v25, v27  }
0x37b: {  	[tilespmem:$0x460] =	vst @!p0 v25;
	v25 =	vsel @!p0 vm0, $0x40, v26  }
0x37c: {  	[tilespmem:$0x560] =	vst @!p0 v25  }
0x37d: {  	v25 =	vld @!p0 [tilespmem:s25+$0x170];
	_ =	sdelay $0x4  }
0x37e: {  	vm0 =	vgt.s32 @!p0 v25, $0x7BFFF  }
0x37f: {  	v27 =	vsel @!p0 vm0, $0xFFF84000, v26  }
0x380: {  	v25 =	vadd.s32 @!p0 v25, v27  }
0x381: {  	p1 =	seq.s32 @!p0 s24, $0x0;
	[tilespmem:$0x470] =	vst @!p0 v25;
	v25 =	vsel @!p0 vm0, $0x40, v26  }
0x382: {  	s29 =	simm.s32 @!p0 $0x600;
	s28 =	simm.s32 @!p0 $0x400;
	s25 =	simm.s32 @!p0 $0x80;
	[tilespmem:$0x570] =	vst @!p0 v25  }
0x383: {  	[tilespmem:s29], [sflag:$0x1] =	stream.indirect.gather @!p0 [hbm4b:s4+s25], $0x80, s28, s25, $0xb8;
	[tilespmem:$0xC600] =	vst v63  }
0x384: {  	p0 =	por p0, !p1  }
0x385: {  	_ =	swait.ge @p0 [sflag:s20], $0x2000  }
0x386: {  	[sflag:s20] =	ssyncset.done @p0 $0x0  }
0x387: {  	[sflag:s20] =	ssyncadd.s32 @p0 $0xFFFFE000  }
0x388: {  	v32 =	vld [tilespmem:$0x580];
	_ =	sdelay $0x1  }
0x389: {  	s30 =	simm.s32 $0x0  }
0x38a: {  	v25 =	vadd.s32 s30, v0  }
0x38b: {  	v49 =	vand.u32 $0x3F, v25  }
0x38c: {  	v26 =	vadd.s32 v32, v49  }
0x38d: {  	v31 =	vld [tilespmem:$0x590];
	v26 =	vadd.s32 v1, v26;
	_ =	sdelay $0x2  }
0x38e: {  	v25 =	vshll.u32 v25, $0x7  }
0x38f: {  	v50 =	vand.u32 $0x1C00, v25;
	v30 =	vld [tilespmem:$0x5A0]  }
0x390: {  	v52 =	vor.u32 v3, v50;
	v25 =	vadd.s32 v31, v49;
	v51 =	vld.idx.msk [tilespmem:v26+s16+$0x0], $0xffff  }
0x391: {  	v28 =	vld [tilespmem:$0x5B0];
	v53 =	vadd.s32 v4, v25  }
0x392: {  	v29 =	vld [tilespmem:$0x5C0]  }
0x393: {  	v27 =	vld [tilespmem:$0x5D0]  }
0x394: {  	v25 =	vld [tilespmem:$0x5F0]  }
0x395: {  	v26 =	vld [tilespmem:$0x5E0];
	[tilespmem:v52+s19+$0x0] =	vst.idx.msk $0xffff, v51  }
0x396: {  	v54 =	vor.u32 v5, v50;
	v55 =	vadd.s32 v30, v49;
	v35 =	vld.idx.msk [tilespmem:v53+s16+$0x0], $0xffff  }
0x397: {  	v37 =	vadd.s32 v6, v55;
	_ =	sdelay $0x3  }
0x398: {  	[tilespmem:v54+s19+$0x0] =	vst.idx.msk $0xffff, v35  }
0x399: {  	v56 =	vor.u32 v7, v50;
	v57 =	vadd.s32 v28, v49;
	v35 =	vld.idx.msk [tilespmem:v37+s16+$0x0], $0xffff  }
0x39a: {  	v37 =	vadd.s32 v8, v57;
	_ =	sdelay $0x3  }
0x39b: {  	[tilespmem:v56+s19+$0x0] =	vst.idx.msk $0xffff, v35  }
0x39c: {  	v58 =	vor.u32 v9, v50;
	v59 =	vadd.s32 v29, v49;
	v35 =	vld.idx.msk [tilespmem:v37+s16+$0x0], $0xffff  }
0x39d: {  	v37 =	vadd.s32 v10, v59;
	_ =	sdelay $0x3  }
0x39e: {  	[tilespmem:v58+s19+$0x0] =	vst.idx.msk $0xffff, v35  }
0x39f: {  	v60 =	vor.u32 v11, v50;
	v61 =	vadd.s32 v27, v49;
	v35 =	vld.idx.msk [tilespmem:v37+s16+$0x0], $0xffff  }
0x3a0: {  	v37 =	vadd.s32 v12, v61;
	_ =	sdelay $0x3  }
0x3a1: {  	[tilespmem:v60+s19+$0x0] =	vst.idx.msk $0xffff, v35  }
0x3a2: {  	v62 =	vor.u32 v13, v50;
	v63 =	vadd.s32 v26, v49;
	v35 =	vld.idx.msk [tilespmem:v37+s16+$0x0], $0xffff  }
0x3a3: {  	v37 =	vadd.s32 v14, v63;
	_ =	sdelay $0x3  }
0x3a4: {  	[tilespmem:v62+s19+$0x0] =	vst.idx.msk $0xffff, v35  }
0x3a5: {  	v40 =	vor.u32 v15, v50;
	v33 =	vadd.s32 v25, v49;
	v35 =	vld.idx.msk [tilespmem:v37+s16+$0x0], $0xffff  }
0x3a6: {  	v33 =	vadd.s32 v16, v33;
	_ =	sdelay $0x1  }
0x3a7: {  	s31 =	simm.s32 $0x1  }
0x3a8: {  	v41 =	vadd.s32 s31, v0  }
0x3a9: {  	v42 =	vand.u32 $0x3F, v41;
	[tilespmem:v40+s19+$0x0] =	vst.idx.msk $0xffff, v35  }
0x3aa: {  	v34 =	vor.u32 v17, v50;
	v43 =	vadd.s32 v32, v42;
	v33 =	vld.idx.msk [tilespmem:v33+s16+$0x0], $0xffff  }
0x3ab: {  	v36 =	vadd.s32 v1, v43;
	_ =	sdelay $0x2  }
0x3ac: {  	v37 =	vshll.u32 v41, $0x7  }
0x3ad: {  	v44 =	vand.u32 $0x1F80, v37;
	[tilespmem:v34+s19+$0x0] =	vst.idx.msk $0xffff, v33  }
0x3ae: {  	v46 =	vadd.s32 v31, v42;
	v45 =	vor.u32 v0, v44;
	v34 =	vld.idx.msk [tilespmem:v36+s16+$0x0], $0xffff  }
0x3af: {  	v37 =	vadd.s32 v4, v46;
	_ =	sdelay $0x3  }
0x3b0: {  	[tilespmem:v45+s19+$0x0] =	vst.idx.msk $0xffff, v34  }
0x3b1: {  	v48 =	vadd.s32 v30, v42;
	v47 =	vor.u32 v18, v44;
	v34 =	vld.idx.msk [tilespmem:v37+s16+$0x0], $0xffff  }
0x3b2: {  	v37 =	vadd.s32 v6, v48;
	_ =	sdelay $0x3  }
0x3b3: {  	[tilespmem:v47+s19+$0x0] =	vst.idx.msk $0xffff, v34  }
0x3b4: {  	v50 =	vadd.s32 v28, v42;
	v49 =	vor.u32 v19, v44;
	v34 =	vld.idx.msk [tilespmem:v37+s16+$0x0], $0xffff  }
0x3b5: {  	v37 =	vadd.s32 v8, v50;
	_ =	sdelay $0x3  }
0x3b6: {  	[tilespmem:v49+s19+$0x0] =	vst.idx.msk $0xffff, v34  }
0x3b7: {  	v52 =	vadd.s32 v29, v42;
	v51 =	vor.u32 v20, v44;
	v34 =	vld.idx.msk [tilespmem:v37+s16+$0x0], $0xffff  }
0x3b8: {  	v37 =	vadd.s32 v10, v52;
	_ =	sdelay $0x3  }
0x3b9: {  	[tilespmem:v51+s19+$0x0] =	vst.idx.msk $0xffff, v34  }
0x3ba: {  	v54 =	vadd.s32 v27, v42;
	v53 =	vor.u32 v21, v44;
	v34 =	vld.idx.msk [tilespmem:v37+s16+$0x0], $0xffff  }
0x3bb: {  	v37 =	vadd.s32 v12, v54;
	_ =	sdelay $0x3  }
0x3bc: {  	[tilespmem:v53+s19+$0x0] =	vst.idx.msk $0xffff, v34  }
0x3bd: {  	v56 =	vadd.s32 v26, v42;
	v55 =	vor.u32 v22, v44;
	v34 =	vld.idx.msk [tilespmem:v37+s16+$0x0], $0xffff  }
0x3be: {  	v37 =	vadd.s32 v14, v56;
	_ =	sdelay $0x3  }
0x3bf: {  	[tilespmem:v55+s19+$0x0] =	vst.idx.msk $0xffff, v34  }
0x3c0: {  	v57 =	vor.u32 v23, v44;
	v35 =	vadd.s32 v25, v42;
	v34 =	vld.idx.msk [tilespmem:v37+s16+$0x0], $0xffff  }
0x3c1: {  	v35 =	vadd.s32 v16, v35;
	_ =	sdelay $0x1  }
0x3c2: {  	s29 =	simm.s32 $0x2  }
0x3c3: {  	v58 =	vadd.s32 s29, v0  }
0x3c4: {  	v59 =	vand.u32 $0x3F, v58;
	[tilespmem:v57+s19+$0x0] =	vst.idx.msk $0xffff, v34  }
0x3c5: {  	v60 =	vadd.s32 v32, v59;
	v33 =	vor.u32 v24, v44;
	v35 =	vld.idx.msk [tilespmem:v35+s16+$0x0], $0xffff  }
0x3c6: {  	v36 =	vadd.s32 v1, v60;
	_ =	sdelay $0x2  }
0x3c7: {  	v37 =	vshll.u32 v58, $0x7  }
0x3c8: {  	v61 =	vand.u32 $0x1F80, v37;
	[tilespmem:v33+s19+$0x0] =	vst.idx.msk $0xffff, v35  }
0x3c9: {  	v63 =	vadd.s32 v31, v59;
	v62 =	vor.u32 v0, v61;
	v35 =	vld.idx.msk [tilespmem:v36+s16+$0x0], $0xffff  }
0x3ca: {  	v37 =	vadd.s32 v4, v63;
	_ =	sdelay $0x3  }
0x3cb: {  	[tilespmem:v62+s19+$0x0] =	vst.idx.msk $0xffff, v35  }
0x3cc: {  	v41 =	vadd.s32 v30, v59;
	v40 =	vor.u32 v18, v61;
	v35 =	vld.idx.msk [tilespmem:v37+s16+$0x0], $0xffff  }
0x3cd: {  	v37 =	vadd.s32 v6, v41;
	_ =	sdelay $0x3  }
0x3ce: {  	[tilespmem:v40+s19+$0x0] =	vst.idx.msk $0xffff, v35  }
0x3cf: {  	v43 =	vadd.s32 v28, v59;
	v42 =	vor.u32 v19, v61;
	v35 =	vld.idx.msk [tilespmem:v37+s16+$0x0], $0xffff  }
0x3d0: {  	v37 =	vadd.s32 v8, v43;
	_ =	sdelay $0x3  }
0x3d1: {  	[tilespmem:v42+s19+$0x0] =	vst.idx.msk $0xffff, v35  }
0x3d2: {  	v45 =	vadd.s32 v29, v59;
	v44 =	vor.u32 v20, v61;
	v35 =	vld.idx.msk [tilespmem:v37+s16+$0x0], $0xffff  }
0x3d3: {  	v37 =	vadd.s32 v10, v45;
	_ =	sdelay $0x3  }
0x3d4: {  	[tilespmem:v44+s19+$0x0] =	vst.idx.msk $0xffff, v35  }
0x3d5: {  	v47 =	vadd.s32 v27, v59;
	v46 =	vor.u32 v21, v61;
	v35 =	vld.idx.msk [tilespmem:v37+s16+$0x0], $0xffff  }
0x3d6: {  	v37 =	vadd.s32 v12, v47;
	_ =	sdelay $0x3  }
0x3d7: {  	[tilespmem:v46+s19+$0x0] =	vst.idx.msk $0xffff, v35  }
0x3d8: {  	v49 =	vadd.s32 v26, v59;
	v48 =	vor.u32 v22, v61;
	v35 =	vld.idx.msk [tilespmem:v37+s16+$0x0], $0xffff  }
0x3d9: {  	v37 =	vadd.s32 v14, v49;
	_ =	sdelay $0x3  }
0x3da: {  	[tilespmem:v48+s19+$0x0] =	vst.idx.msk $0xffff, v35  }
0x3db: {  	v50 =	vor.u32 v23, v61;
	v34 =	vadd.s32 v25, v59;
	v35 =	vld.idx.msk [tilespmem:v37+s16+$0x0], $0xffff  }
0x3dc: {  	v34 =	vadd.s32 v16, v34;
	_ =	sdelay $0x1  }
0x3dd: {  	s30 =	simm.s32 $0x3  }
0x3de: {  	v51 =	vadd.s32 s30, v0  }
0x3df: {  	v52 =	vand.u32 $0x3F, v51;
	[tilespmem:v50+s19+$0x0] =	vst.idx.msk $0xffff, v35  }
0x3e0: {  	v53 =	vadd.s32 v32, v52;
	v33 =	vor.u32 v24, v61;
	v34 =	vld.idx.msk [tilespmem:v34+s16+$0x0], $0xffff  }
0x3e1: {  	v36 =	vadd.s32 v1, v53;
	_ =	sdelay $0x2  }
0x3e2: {  	v37 =	vshll.u32 v51, $0x7  }
0x3e3: {  	v54 =	vand.u32 $0x1F80, v37;
	[tilespmem:v33+s19+$0x0] =	vst.idx.msk $0xffff, v34  }
0x3e4: {  	v56 =	vadd.s32 v31, v52;
	v55 =	vor.u32 v0, v54;
	v34 =	vld.idx.msk [tilespmem:v36+s16+$0x0], $0xffff  }
0x3e5: {  	v37 =	vadd.s32 v4, v56;
	_ =	sdelay $0x3  }
0x3e6: {  	[tilespmem:v55+s19+$0x0] =	vst.idx.msk $0xffff, v34  }
0x3e7: {  	v58 =	vadd.s32 v30, v52;
	v57 =	vor.u32 v18, v54;
	v34 =	vld.idx.msk [tilespmem:v37+s16+$0x0], $0xffff  }
0x3e8: {  	v37 =	vadd.s32 v6, v58;
	_ =	sdelay $0x3  }
0x3e9: {  	[tilespmem:v57+s19+$0x0] =	vst.idx.msk $0xffff, v34  }
0x3ea: {  	v60 =	vadd.s32 v28, v52;
	v59 =	vor.u32 v19, v54;
	v34 =	vld.idx.msk [tilespmem:v37+s16+$0x0], $0xffff  }
0x3eb: {  	v37 =	vadd.s32 v8, v60;
	_ =	sdelay $0x3  }
0x3ec: {  	[tilespmem:v59+s19+$0x0] =	vst.idx.msk $0xffff, v34  }
0x3ed: {  	v62 =	vadd.s32 v29, v52;
	v61 =	vor.u32 v20, v54;
	v34 =	vld.idx.msk [tilespmem:v37+s16+$0x0], $0xffff  }
0x3ee: {  	v37 =	vadd.s32 v10, v62;
	_ =	sdelay $0x3  }
0x3ef: {  	[tilespmem:v61+s19+$0x0] =	vst.idx.msk $0xffff, v34  }
0x3f0: {  	v40 =	vadd.s32 v27, v52;
	v63 =	vor.u32 v21, v54;
	v34 =	vld.idx.msk [tilespmem:v37+s16+$0x0], $0xffff  }
0x3f1: {  	v37 =	vadd.s32 v12, v40;
	_ =	sdelay $0x3  }
0x3f2: {  	[tilespmem:v63+s19+$0x0] =	vst.idx.msk $0xffff, v34  }
0x3f3: {  	v42 =	vadd.s32 v26, v52;
	v41 =	vor.u32 v22, v54;
	v34 =	vld.idx.msk [tilespmem:v37+s16+$0x0], $0xffff  }
0x3f4: {  	v37 =	vadd.s32 v14, v42;
	_ =	sdelay $0x3  }
0x3f5: {  	[tilespmem:v41+s19+$0x0] =	vst.idx.msk $0xffff, v34  }
0x3f6: {  	v43 =	vor.u32 v23, v54;
	v35 =	vadd.s32 v25, v52;
	v34 =	vld.idx.msk [tilespmem:v37+s16+$0x0], $0xffff  }
0x3f7: {  	v35 =	vadd.s32 v16, v35;
	_ =	sdelay $0x1  }
0x3f8: {  	s31 =	simm.s32 $0x4  }
0x3f9: {  	v44 =	vadd.s32 s31, v0  }
0x3fa: {  	v45 =	vand.u32 $0x3F, v44;
	[tilespmem:v43+s19+$0x0] =	vst.idx.msk $0xffff, v34  }
0x3fb: {  	v46 =	vadd.s32 v32, v45;
	v33 =	vor.u32 v24, v54;
	v35 =	vld.idx.msk [tilespmem:v35+s16+$0x0], $0xffff  }
0x3fc: {  	v36 =	vadd.s32 v1, v46;
	_ =	sdelay $0x2  }
0x3fd: {  	v37 =	vshll.u32 v44, $0x7  }
0x3fe: {  	v47 =	vand.u32 $0x1F80, v37;
	[tilespmem:v33+s19+$0x0] =	vst.idx.msk $0xffff, v35  }
0x3ff: {  	v49 =	vadd.s32 v31, v45;
	v48 =	vor.u32 v0, v47;
	v35 =	vld.idx.msk [tilespmem:v36+s16+$0x0], $0xffff  }
0x400: {  	v37 =	vadd.s32 v4, v49;
	_ =	sdelay $0x3  }
0x401: {  	[tilespmem:v48+s19+$0x0] =	vst.idx.msk $0xffff, v35  }
0x402: {  	v51 =	vadd.s32 v30, v45;
	v50 =	vor.u32 v18, v47;
	v35 =	vld.idx.msk [tilespmem:v37+s16+$0x0], $0xffff  }
0x403: {  	v37 =	vadd.s32 v6, v51;
	_ =	sdelay $0x3  }
0x404: {  	[tilespmem:v50+s19+$0x0] =	vst.idx.msk $0xffff, v35  }
0x405: {  	v53 =	vadd.s32 v28, v45;
	v52 =	vor.u32 v19, v47;
	v35 =	vld.idx.msk [tilespmem:v37+s16+$0x0], $0xffff  }
0x406: {  	v37 =	vadd.s32 v8, v53;
	_ =	sdelay $0x3  }
0x407: {  	[tilespmem:v52+s19+$0x0] =	vst.idx.msk $0xffff, v35  }
0x408: {  	v55 =	vadd.s32 v29, v45;
	v54 =	vor.u32 v20, v47;
	v35 =	vld.idx.msk [tilespmem:v37+s16+$0x0], $0xffff  }
0x409: {  	v37 =	vadd.s32 v10, v55;
	_ =	sdelay $0x3  }
0x40a: {  	[tilespmem:v54+s19+$0x0] =	vst.idx.msk $0xffff, v35  }
0x40b: {  	v57 =	vadd.s32 v27, v45;
	v56 =	vor.u32 v21, v47;
	v35 =	vld.idx.msk [tilespmem:v37+s16+$0x0], $0xffff  }
0x40c: {  	v37 =	vadd.s32 v12, v57;
	_ =	sdelay $0x3  }
0x40d: {  	[tilespmem:v56+s19+$0x0] =	vst.idx.msk $0xffff, v35  }
0x40e: {  	v59 =	vadd.s32 v26, v45;
	v58 =	vor.u32 v22, v47;
	v35 =	vld.idx.msk [tilespmem:v37+s16+$0x0], $0xffff  }
0x40f: {  	v37 =	vadd.s32 v14, v59;
	_ =	sdelay $0x3  }
0x410: {  	[tilespmem:v58+s19+$0x0] =	vst.idx.msk $0xffff, v35  }
0x411: {  	v60 =	vor.u32 v23, v47;
	v34 =	vadd.s32 v25, v45;
	v35 =	vld.idx.msk [tilespmem:v37+s16+$0x0], $0xffff  }
0x412: {  	v34 =	vadd.s32 v16, v34;
	_ =	sdelay $0x1  }
0x413: {  	s29 =	simm.s32 $0x5  }
0x414: {  	v61 =	vadd.s32 s29, v0  }
0x415: {  	v62 =	vand.u32 $0x3F, v61;
	[tilespmem:v60+s19+$0x0] =	vst.idx.msk $0xffff, v35  }
0x416: {  	v63 =	vadd.s32 v32, v62;
	v33 =	vor.u32 v24, v47;
	v34 =	vld.idx.msk [tilespmem:v34+s16+$0x0], $0xffff  }
0x417: {  	v36 =	vadd.s32 v1, v63;
	_ =	sdelay $0x2  }
0x418: {  	v37 =	vshll.u32 v61, $0x7  }
0x419: {  	v40 =	vand.u32 $0x1F80, v37;
	[tilespmem:v33+s19+$0x0] =	vst.idx.msk $0xffff, v34  }
0x41a: {  	v42 =	vadd.s32 v31, v62;
	v41 =	vor.u32 v0, v40;
	v34 =	vld.idx.msk [tilespmem:v36+s16+$0x0], $0xffff  }
0x41b: {  	v37 =	vadd.s32 v4, v42;
	_ =	sdelay $0x3  }
0x41c: {  	[tilespmem:v41+s19+$0x0] =	vst.idx.msk $0xffff, v34  }
0x41d: {  	v44 =	vadd.s32 v30, v62;
	v43 =	vor.u32 v18, v40;
	v34 =	vld.idx.msk [tilespmem:v37+s16+$0x0], $0xffff  }
0x41e: {  	v37 =	vadd.s32 v6, v44;
	_ =	sdelay $0x3  }
0x41f: {  	[tilespmem:v43+s19+$0x0] =	vst.idx.msk $0xffff, v34  }
0x420: {  	v46 =	vadd.s32 v28, v62;
	v45 =	vor.u32 v19, v40;
	v34 =	vld.idx.msk [tilespmem:v37+s16+$0x0], $0xffff  }
0x421: {  	v37 =	vadd.s32 v8, v46;
	_ =	sdelay $0x3  }
0x422: {  	[tilespmem:v45+s19+$0x0] =	vst.idx.msk $0xffff, v34  }
0x423: {  	v48 =	vadd.s32 v29, v62;
	v47 =	vor.u32 v20, v40;
	v34 =	vld.idx.msk [tilespmem:v37+s16+$0x0], $0xffff  }
0x424: {  	v37 =	vadd.s32 v10, v48;
	_ =	sdelay $0x3  }
0x425: {  	[tilespmem:v47+s19+$0x0] =	vst.idx.msk $0xffff, v34  }
0x426: {  	v50 =	vadd.s32 v27, v62;
	v49 =	vor.u32 v21, v40;
	v34 =	vld.idx.msk [tilespmem:v37+s16+$0x0], $0xffff  }
0x427: {  	v37 =	vadd.s32 v12, v50;
	_ =	sdelay $0x3  }
0x428: {  	[tilespmem:v49+s19+$0x0] =	vst.idx.msk $0xffff, v34  }
0x429: {  	v52 =	vadd.s32 v26, v62;
	v51 =	vor.u32 v22, v40;
	v34 =	vld.idx.msk [tilespmem:v37+s16+$0x0], $0xffff  }
0x42a: {  	v37 =	vadd.s32 v14, v52;
	_ =	sdelay $0x3  }
0x42b: {  	[tilespmem:v51+s19+$0x0] =	vst.idx.msk $0xffff, v34  }
0x42c: {  	v53 =	vor.u32 v23, v40;
	v35 =	vadd.s32 v25, v62;
	v34 =	vld.idx.msk [tilespmem:v37+s16+$0x0], $0xffff  }
0x42d: {  	v35 =	vadd.s32 v16, v35;
	_ =	sdelay $0x1  }
0x42e: {  	s30 =	simm.s32 $0x6  }
0x42f: {  	v54 =	vadd.s32 s30, v0  }
0x430: {  	v55 =	vand.u32 $0x3F, v54;
	[tilespmem:v53+s19+$0x0] =	vst.idx.msk $0xffff, v34  }
0x431: {  	v56 =	vadd.s32 v32, v55;
	v33 =	vor.u32 v24, v40;
	v35 =	vld.idx.msk [tilespmem:v35+s16+$0x0], $0xffff  }
0x432: {  	v36 =	vadd.s32 v1, v56;
	_ =	sdelay $0x2  }
0x433: {  	v37 =	vshll.u32 v54, $0x7  }
0x434: {  	v57 =	vand.u32 $0x1F80, v37;
	[tilespmem:v33+s19+$0x0] =	vst.idx.msk $0xffff, v35  }
0x435: {  	v59 =	vadd.s32 v31, v55;
	v58 =	vor.u32 v0, v57;
	v35 =	vld.idx.msk [tilespmem:v36+s16+$0x0], $0xffff  }
0x436: {  	v37 =	vadd.s32 v4, v59;
	_ =	sdelay $0x3  }
0x437: {  	[tilespmem:v58+s19+$0x0] =	vst.idx.msk $0xffff, v35  }
0x438: {  	v61 =	vadd.s32 v30, v55;
	v60 =	vor.u32 v18, v57;
	v35 =	vld.idx.msk [tilespmem:v37+s16+$0x0], $0xffff  }
0x439: {  	v37 =	vadd.s32 v6, v61;
	_ =	sdelay $0x3  }
0x43a: {  	[tilespmem:v60+s19+$0x0] =	vst.idx.msk $0xffff, v35  }
0x43b: {  	v63 =	vadd.s32 v28, v55;
	v62 =	vor.u32 v19, v57;
	v35 =	vld.idx.msk [tilespmem:v37+s16+$0x0], $0xffff  }
0x43c: {  	v37 =	vadd.s32 v8, v63;
	_ =	sdelay $0x3  }
0x43d: {  	[tilespmem:v62+s19+$0x0] =	vst.idx.msk $0xffff, v35  }
0x43e: {  	v41 =	vadd.s32 v29, v55;
	v40 =	vor.u32 v20, v57;
	v35 =	vld.idx.msk [tilespmem:v37+s16+$0x0], $0xffff  }
0x43f: {  	v37 =	vadd.s32 v10, v41;
	_ =	sdelay $0x3  }
0x440: {  	[tilespmem:v40+s19+$0x0] =	vst.idx.msk $0xffff, v35  }
0x441: {  	v43 =	vadd.s32 v27, v55;
	v42 =	vor.u32 v21, v57;
	v35 =	vld.idx.msk [tilespmem:v37+s16+$0x0], $0xffff  }
0x442: {  	v37 =	vadd.s32 v12, v43;
	_ =	sdelay $0x3  }
0x443: {  	[tilespmem:v42+s19+$0x0] =	vst.idx.msk $0xffff, v35  }
0x444: {  	v45 =	vadd.s32 v26, v55;
	v44 =	vor.u32 v22, v57;
	v35 =	vld.idx.msk [tilespmem:v37+s16+$0x0], $0xffff  }
0x445: {  	v37 =	vadd.s32 v14, v45;
	_ =	sdelay $0x3  }
0x446: {  	[tilespmem:v44+s19+$0x0] =	vst.idx.msk $0xffff, v35  }
0x447: {  	v46 =	vor.u32 v23, v57;
	v34 =	vadd.s32 v25, v55;
	v35 =	vld.idx.msk [tilespmem:v37+s16+$0x0], $0xffff  }
0x448: {  	v34 =	vadd.s32 v16, v34;
	_ =	sdelay $0x1  }
0x449: {  	s31 =	simm.s32 $0x7  }
0x44a: {  	v47 =	vadd.s32 s31, v0  }
0x44b: {  	v48 =	vand.u32 $0x3F, v47;
	[tilespmem:v46+s19+$0x0] =	vst.idx.msk $0xffff, v35  }
0x44c: {  	v49 =	vadd.s32 v32, v48;
	v33 =	vor.u32 v24, v57;
	v34 =	vld.idx.msk [tilespmem:v34+s16+$0x0], $0xffff  }
0x44d: {  	v36 =	vadd.s32 v1, v49;
	_ =	sdelay $0x2  }
0x44e: {  	v37 =	vshll.u32 v47, $0x7  }
0x44f: {  	[tilespmem:v33+s19+$0x0] =	vst.idx.msk $0xffff, v34;
	v33 =	vand.u32 $0x1F80, v37  }
0x450: {  	v51 =	vadd.s32 v31, v48;
	v34 =	vld.idx.msk [tilespmem:v36+s16+$0x0], $0xffff;
	v50 =	vor.u32 v0, v33  }
0x451: {  	v37 =	vadd.s32 v4, v51;
	_ =	sdelay $0x3  }
0x452: {  	[tilespmem:v50+s19+$0x0] =	vst.idx.msk $0xffff, v34  }
0x453: {  	v53 =	vadd.s32 v30, v48;
	v52 =	vor.u32 v18, v33;
	v34 =	vld.idx.msk [tilespmem:v37+s16+$0x0], $0xffff  }
0x454: {  	v37 =	vadd.s32 v6, v53;
	_ =	sdelay $0x3  }
0x455: {  	[tilespmem:v52+s19+$0x0] =	vst.idx.msk $0xffff, v34  }
0x456: {  	v55 =	vadd.s32 v28, v48;
	v54 =	vor.u32 v19, v33;
	v34 =	vld.idx.msk [tilespmem:v37+s16+$0x0], $0xffff  }
0x457: {  	v37 =	vadd.s32 v8, v55;
	_ =	sdelay $0x3  }
0x458: {  	[tilespmem:v54+s19+$0x0] =	vst.idx.msk $0xffff, v34  }
0x459: {  	v57 =	vadd.s32 v29, v48;
	v56 =	vor.u32 v20, v33;
	v34 =	vld.idx.msk [tilespmem:v37+s16+$0x0], $0xffff  }
0x45a: {  	v37 =	vadd.s32 v10, v57;
	_ =	sdelay $0x3  }
0x45b: {  	[tilespmem:v56+s19+$0x0] =	vst.idx.msk $0xffff, v34  }
0x45c: {  	v59 =	vadd.s32 v27, v48;
	v58 =	vor.u32 v21, v33;
	v34 =	vld.idx.msk [tilespmem:v37+s16+$0x0], $0xffff  }
0x45d: {  	v37 =	vadd.s32 v12, v59;
	_ =	sdelay $0x3  }
0x45e: {  	[tilespmem:v58+s19+$0x0] =	vst.idx.msk $0xffff, v34  }
0x45f: {  	v61 =	vadd.s32 v26, v48;
	v60 =	vor.u32 v22, v33;
	v34 =	vld.idx.msk [tilespmem:v37+s16+$0x0], $0xffff  }
0x460: {  	v37 =	vadd.s32 v14, v61;
	_ =	sdelay $0x3  }
0x461: {  	[tilespmem:v60+s19+$0x0] =	vst.idx.msk $0xffff, v34  }
0x462: {  	v63 =	vadd.s32 v25, v48;
	v62 =	vor.u32 v23, v33;
	v36 =	vld.idx.msk [tilespmem:v37+s16+$0x0], $0xffff  }
0x463: {  	v35 =	vadd.s32 v16, v63;
	_ =	sdelay $0x2  }
0x464: {  	s25 =	simm.s32 $0x8  }
0x465: {  	s28 =	simm.s32 $0x10;
	v34 =	vadd.s32 s25, v0;
	[tilespmem:v62+s19+$0x0] =	vst.idx.msk $0xffff, v36  }
.LBB2_6:
0x466: {  	p0 =	slt.u32 s28, $0x38;
	v36 =	vand.u32 $0x3F, v34;
	v35 =	vld.idx.msk [tilespmem:v35+s16+$0x0], $0xffff  }
0x467: {  	v33 =	vor.u32 v24, v33;
	v37 =	vadd.s32 v32, v36  }
0x468: {  	v37 =	vadd.s32 v1, v37;
	_ =	sdelay $0x3  }
0x469: {  	v34 =	vshll.u32 v34, $0x7;
	[tilespmem:v33+s19+$0x0] =	vst.idx.msk $0xffff, v35  }
0x46a: {  	v34 =	vand.u32 $0x1C00, v34;
	v33 =	vld.idx.msk [tilespmem:v37+s16+$0x0], $0xffff  }
0x46b: {  	v35 =	vor.u32 v3, v34;
	v37 =	vadd.s32 v31, v36  }
0x46c: {  	v37 =	vadd.s32 v4, v37;
	_ =	sdelay $0x3  }
0x46d: {  	[tilespmem:v35+s19+$0x0] =	vst.idx.msk $0xffff, v33  }
0x46e: {  	v33 =	vld.idx.msk [tilespmem:v37+s16+$0x0], $0xffff  }
0x46f: {  	v35 =	vor.u32 v5, v34;
	v37 =	vadd.s32 v30, v36  }
0x470: {  	v37 =	vadd.s32 v6, v37;
	_ =	sdelay $0x3  }
0x471: {  	[tilespmem:v35+s19+$0x0] =	vst.idx.msk $0xffff, v33  }
0x472: {  	v33 =	vld.idx.msk [tilespmem:v37+s16+$0x0], $0xffff  }
0x473: {  	v35 =	vor.u32 v7, v34;
	v37 =	vadd.s32 v28, v36  }
0x474: {  	v37 =	vadd.s32 v8, v37;
	_ =	sdelay $0x3  }
0x475: {  	[tilespmem:v35+s19+$0x0] =	vst.idx.msk $0xffff, v33  }
0x476: {  	v33 =	vld.idx.msk [tilespmem:v37+s16+$0x0], $0xffff  }
0x477: {  	v35 =	vor.u32 v9, v34;
	v37 =	vadd.s32 v29, v36  }
0x478: {  	v37 =	vadd.s32 v10, v37;
	_ =	sdelay $0x3  }
0x479: {  	[tilespmem:v35+s19+$0x0] =	vst.idx.msk $0xffff, v33  }
0x47a: {  	v33 =	vld.idx.msk [tilespmem:v37+s16+$0x0], $0xffff  }
0x47b: {  	v35 =	vor.u32 v11, v34;
	v37 =	vadd.s32 v27, v36  }
0x47c: {  	v37 =	vadd.s32 v12, v37;
	_ =	sdelay $0x3  }
0x47d: {  	[tilespmem:v35+s19+$0x0] =	vst.idx.msk $0xffff, v33  }
0x47e: {  	v33 =	vld.idx.msk [tilespmem:v37+s16+$0x0], $0xffff  }
0x47f: {  	v35 =	vor.u32 v13, v34;
	v37 =	vadd.s32 v26, v36  }
0x480: {  	v37 =	vadd.s32 v14, v37;
	_ =	sdelay $0x3  }
0x481: {  	[tilespmem:v35+s19+$0x0] =	vst.idx.msk $0xffff, v33  }
0x482: {  	v33 =	vld.idx.msk [tilespmem:v37+s16+$0x0], $0xffff  }
0x483: {  	v36 =	vadd.s32 v25, v36;
	v35 =	vor.u32 v15, v34  }
0x484: {  	v36 =	vadd.s32 v16, v36;
	_ =	sdelay $0x2  }
0x485: {  	s29 =	sadd.s32 $0x1, s25  }
0x486: {  	[tilespmem:v35+s19+$0x0] =	vst.idx.msk $0xffff, v33;
	v33 =	vadd.s32 s29, v0  }
0x487: {  	v35 =	vld.idx.msk [tilespmem:v36+s16+$0x0], $0xffff;
	v36 =	vand.u32 $0x3F, v33  }
0x488: {  	v34 =	vor.u32 v17, v34;
	v37 =	vadd.s32 v32, v36  }
0x489: {  	v37 =	vadd.s32 v1, v37;
	_ =	sdelay $0x3  }
0x48a: {  	v33 =	vshll.u32 v33, $0x7;
	[tilespmem:v34+s19+$0x0] =	vst.idx.msk $0xffff, v35  }
0x48b: {  	v33 =	vand.u32 $0x1F80, v33;
	v34 =	vld.idx.msk [tilespmem:v37+s16+$0x0], $0xffff  }
0x48c: {  	v35 =	vor.u32 v0, v33;
	v37 =	vadd.s32 v31, v36  }
0x48d: {  	v37 =	vadd.s32 v4, v37;
	_ =	sdelay $0x3  }
0x48e: {  	[tilespmem:v35+s19+$0x0] =	vst.idx.msk $0xffff, v34  }
0x48f: {  	v34 =	vld.idx.msk [tilespmem:v37+s16+$0x0], $0xffff  }
0x490: {  	v35 =	vor.u32 v18, v33;
	v37 =	vadd.s32 v30, v36  }
0x491: {  	v37 =	vadd.s32 v6, v37;
	_ =	sdelay $0x3  }
0x492: {  	[tilespmem:v35+s19+$0x0] =	vst.idx.msk $0xffff, v34  }
0x493: {  	v34 =	vld.idx.msk [tilespmem:v37+s16+$0x0], $0xffff  }
0x494: {  	v35 =	vor.u32 v19, v33;
	v37 =	vadd.s32 v28, v36  }
0x495: {  	v37 =	vadd.s32 v8, v37;
	_ =	sdelay $0x3  }
0x496: {  	[tilespmem:v35+s19+$0x0] =	vst.idx.msk $0xffff, v34  }
0x497: {  	v34 =	vld.idx.msk [tilespmem:v37+s16+$0x0], $0xffff  }
0x498: {  	v35 =	vor.u32 v20, v33;
	v37 =	vadd.s32 v29, v36  }
0x499: {  	v37 =	vadd.s32 v10, v37;
	_ =	sdelay $0x3  }
0x49a: {  	[tilespmem:v35+s19+$0x0] =	vst.idx.msk $0xffff, v34  }
0x49b: {  	v34 =	vld.idx.msk [tilespmem:v37+s16+$0x0], $0xffff  }
0x49c: {  	v35 =	vor.u32 v21, v33;
	v37 =	vadd.s32 v27, v36  }
0x49d: {  	v37 =	vadd.s32 v12, v37;
	_ =	sdelay $0x3  }
0x49e: {  	[tilespmem:v35+s19+$0x0] =	vst.idx.msk $0xffff, v34  }
0x49f: {  	v34 =	vld.idx.msk [tilespmem:v37+s16+$0x0], $0xffff  }
0x4a0: {  	v35 =	vor.u32 v22, v33;
	v37 =	vadd.s32 v26, v36  }
0x4a1: {  	v37 =	vadd.s32 v14, v37;
	_ =	sdelay $0x3  }
0x4a2: {  	[tilespmem:v35+s19+$0x0] =	vst.idx.msk $0xffff, v34  }
0x4a3: {  	v34 =	vld.idx.msk [tilespmem:v37+s16+$0x0], $0xffff  }
0x4a4: {  	v36 =	vadd.s32 v25, v36;
	v35 =	vor.u32 v23, v33  }
0x4a5: {  	v36 =	vadd.s32 v16, v36;
	_ =	sdelay $0x2  }
0x4a6: {  	s29 =	sadd.s32 $0x2, s25  }
0x4a7: {  	[tilespmem:v35+s19+$0x0] =	vst.idx.msk $0xffff, v34;
	v34 =	vadd.s32 s29, v0  }
0x4a8: {  	v35 =	vld.idx.msk [tilespmem:v36+s16+$0x0], $0xffff;
	v36 =	vand.u32 $0x3F, v34  }
0x4a9: {  	v33 =	vor.u32 v24, v33;
	v37 =	vadd.s32 v32, v36  }
0x4aa: {  	v37 =	vadd.s32 v1, v37;
	_ =	sdelay $0x3  }
0x4ab: {  	[tilespmem:v33+s19+$0x0] =	vst.idx.msk $0xffff, v35;
	v33 =	vshll.u32 v34, $0x7  }
0x4ac: {  	v34 =	vld.idx.msk [tilespmem:v37+s16+$0x0], $0xffff;
	v33 =	vand.u32 $0x1F80, v33  }
0x4ad: {  	v37 =	vadd.s32 v31, v36;
	v35 =	vor.u32 v0, v33  }
0x4ae: {  	v37 =	vadd.s32 v4, v37;
	_ =	sdelay $0x3  }
0x4af: {  	[tilespmem:v35+s19+$0x0] =	vst.idx.msk $0xffff, v34  }
0x4b0: {  	v34 =	vld.idx.msk [tilespmem:v37+s16+$0x0], $0xffff  }
0x4b1: {  	v35 =	vor.u32 v18, v33;
	v37 =	vadd.s32 v30, v36  }
0x4b2: {  	v37 =	vadd.s32 v6, v37;
	_ =	sdelay $0x3  }
0x4b3: {  	[tilespmem:v35+s19+$0x0] =	vst.idx.msk $0xffff, v34  }
0x4b4: {  	v34 =	vld.idx.msk [tilespmem:v37+s16+$0x0], $0xffff  }
0x4b5: {  	v35 =	vor.u32 v19, v33;
	v37 =	vadd.s32 v28, v36  }
0x4b6: {  	v37 =	vadd.s32 v8, v37;
	_ =	sdelay $0x3  }
0x4b7: {  	[tilespmem:v35+s19+$0x0] =	vst.idx.msk $0xffff, v34  }
0x4b8: {  	v34 =	vld.idx.msk [tilespmem:v37+s16+$0x0], $0xffff  }
0x4b9: {  	v35 =	vor.u32 v20, v33;
	v37 =	vadd.s32 v29, v36  }
0x4ba: {  	v37 =	vadd.s32 v10, v37;
	_ =	sdelay $0x3  }
0x4bb: {  	[tilespmem:v35+s19+$0x0] =	vst.idx.msk $0xffff, v34  }
0x4bc: {  	v34 =	vld.idx.msk [tilespmem:v37+s16+$0x0], $0xffff  }
0x4bd: {  	v35 =	vor.u32 v21, v33;
	v37 =	vadd.s32 v27, v36  }
0x4be: {  	v37 =	vadd.s32 v12, v37;
	_ =	sdelay $0x3  }
0x4bf: {  	[tilespmem:v35+s19+$0x0] =	vst.idx.msk $0xffff, v34  }
0x4c0: {  	v34 =	vld.idx.msk [tilespmem:v37+s16+$0x0], $0xffff  }
0x4c1: {  	v35 =	vor.u32 v22, v33;
	v37 =	vadd.s32 v26, v36  }
0x4c2: {  	v37 =	vadd.s32 v14, v37;
	_ =	sdelay $0x3  }
0x4c3: {  	[tilespmem:v35+s19+$0x0] =	vst.idx.msk $0xffff, v34  }
0x4c4: {  	v34 =	vld.idx.msk [tilespmem:v37+s16+$0x0], $0xffff  }
0x4c5: {  	v36 =	vadd.s32 v25, v36;
	v35 =	vor.u32 v23, v33  }
0x4c6: {  	v36 =	vadd.s32 v16, v36;
	_ =	sdelay $0x2  }
0x4c7: {  	s29 =	sadd.s32 $0x3, s25  }
0x4c8: {  	[tilespmem:v35+s19+$0x0] =	vst.idx.msk $0xffff, v34;
	v34 =	vadd.s32 s29, v0  }
0x4c9: {  	v35 =	vld.idx.msk [tilespmem:v36+s16+$0x0], $0xffff;
	v36 =	vand.u32 $0x3F, v34  }
0x4ca: {  	v33 =	vor.u32 v24, v33;
	v37 =	vadd.s32 v32, v36  }
0x4cb: {  	v37 =	vadd.s32 v1, v37;
	_ =	sdelay $0x3  }
0x4cc: {  	[tilespmem:v33+s19+$0x0] =	vst.idx.msk $0xffff, v35;
	v33 =	vshll.u32 v34, $0x7  }
0x4cd: {  	v34 =	vld.idx.msk [tilespmem:v37+s16+$0x0], $0xffff;
	v33 =	vand.u32 $0x1F80, v33  }
0x4ce: {  	v37 =	vadd.s32 v31, v36;
	v35 =	vor.u32 v0, v33  }
0x4cf: {  	v37 =	vadd.s32 v4, v37;
	_ =	sdelay $0x3  }
0x4d0: {  	[tilespmem:v35+s19+$0x0] =	vst.idx.msk $0xffff, v34  }
0x4d1: {  	v34 =	vld.idx.msk [tilespmem:v37+s16+$0x0], $0xffff  }
0x4d2: {  	v35 =	vor.u32 v18, v33;
	v37 =	vadd.s32 v30, v36  }
0x4d3: {  	v37 =	vadd.s32 v6, v37;
	_ =	sdelay $0x3  }
0x4d4: {  	[tilespmem:v35+s19+$0x0] =	vst.idx.msk $0xffff, v34  }
0x4d5: {  	v34 =	vld.idx.msk [tilespmem:v37+s16+$0x0], $0xffff  }
0x4d6: {  	v35 =	vor.u32 v19, v33;
	v37 =	vadd.s32 v28, v36  }
0x4d7: {  	v37 =	vadd.s32 v8, v37;
	_ =	sdelay $0x3  }
0x4d8: {  	[tilespmem:v35+s19+$0x0] =	vst.idx.msk $0xffff, v34  }
0x4d9: {  	v34 =	vld.idx.msk [tilespmem:v37+s16+$0x0], $0xffff  }
0x4da: {  	v35 =	vor.u32 v20, v33;
	v37 =	vadd.s32 v29, v36  }
0x4db: {  	v37 =	vadd.s32 v10, v37;
	_ =	sdelay $0x3  }
0x4dc: {  	[tilespmem:v35+s19+$0x0] =	vst.idx.msk $0xffff, v34  }
0x4dd: {  	v34 =	vld.idx.msk [tilespmem:v37+s16+$0x0], $0xffff  }
0x4de: {  	v35 =	vor.u32 v21, v33;
	v37 =	vadd.s32 v27, v36  }
0x4df: {  	v37 =	vadd.s32 v12, v37;
	_ =	sdelay $0x3  }
0x4e0: {  	[tilespmem:v35+s19+$0x0] =	vst.idx.msk $0xffff, v34  }
0x4e1: {  	v34 =	vld.idx.msk [tilespmem:v37+s16+$0x0], $0xffff  }
0x4e2: {  	v35 =	vor.u32 v22, v33;
	v37 =	vadd.s32 v26, v36  }
0x4e3: {  	v37 =	vadd.s32 v14, v37;
	_ =	sdelay $0x3  }
0x4e4: {  	[tilespmem:v35+s19+$0x0] =	vst.idx.msk $0xffff, v34  }
0x4e5: {  	v34 =	vld.idx.msk [tilespmem:v37+s16+$0x0], $0xffff  }
0x4e6: {  	v36 =	vadd.s32 v25, v36;
	v35 =	vor.u32 v23, v33  }
0x4e7: {  	v36 =	vadd.s32 v16, v36;
	_ =	sdelay $0x2  }
0x4e8: {  	s29 =	sadd.s32 $0x4, s25  }
0x4e9: {  	[tilespmem:v35+s19+$0x0] =	vst.idx.msk $0xffff, v34;
	v34 =	vadd.s32 s29, v0  }
0x4ea: {  	v35 =	vld.idx.msk [tilespmem:v36+s16+$0x0], $0xffff;
	v36 =	vand.u32 $0x3F, v34  }
0x4eb: {  	v33 =	vor.u32 v24, v33;
	v37 =	vadd.s32 v32, v36  }
0x4ec: {  	v37 =	vadd.s32 v1, v37;
	_ =	sdelay $0x3  }
0x4ed: {  	[tilespmem:v33+s19+$0x0] =	vst.idx.msk $0xffff, v35;
	v33 =	vshll.u32 v34, $0x7  }
0x4ee: {  	v34 =	vld.idx.msk [tilespmem:v37+s16+$0x0], $0xffff;
	v33 =	vand.u32 $0x1F80, v33  }
0x4ef: {  	v37 =	vadd.s32 v31, v36;
	v35 =	vor.u32 v0, v33  }
0x4f0: {  	v37 =	vadd.s32 v4, v37;
	_ =	sdelay $0x3  }
0x4f1: {  	[tilespmem:v35+s19+$0x0] =	vst.idx.msk $0xffff, v34  }
0x4f2: {  	v34 =	vld.idx.msk [tilespmem:v37+s16+$0x0], $0xffff  }
0x4f3: {  	v35 =	vor.u32 v18, v33;
	v37 =	vadd.s32 v30, v36  }
0x4f4: {  	v37 =	vadd.s32 v6, v37;
	_ =	sdelay $0x3  }
0x4f5: {  	[tilespmem:v35+s19+$0x0] =	vst.idx.msk $0xffff, v34  }
0x4f6: {  	v34 =	vld.idx.msk [tilespmem:v37+s16+$0x0], $0xffff  }
0x4f7: {  	v35 =	vor.u32 v19, v33;
	v37 =	vadd.s32 v28, v36  }
0x4f8: {  	v37 =	vadd.s32 v8, v37;
	_ =	sdelay $0x3  }
0x4f9: {  	[tilespmem:v35+s19+$0x0] =	vst.idx.msk $0xffff, v34  }
0x4fa: {  	v34 =	vld.idx.msk [tilespmem:v37+s16+$0x0], $0xffff  }
0x4fb: {  	v35 =	vor.u32 v20, v33;
	v37 =	vadd.s32 v29, v36  }
0x4fc: {  	v37 =	vadd.s32 v10, v37;
	_ =	sdelay $0x3  }
0x4fd: {  	[tilespmem:v35+s19+$0x0] =	vst.idx.msk $0xffff, v34  }
0x4fe: {  	v34 =	vld.idx.msk [tilespmem:v37+s16+$0x0], $0xffff  }
0x4ff: {  	v35 =	vor.u32 v21, v33;
	v37 =	vadd.s32 v27, v36  }
0x500: {  	v37 =	vadd.s32 v12, v37;
	_ =	sdelay $0x3  }
0x501: {  	[tilespmem:v35+s19+$0x0] =	vst.idx.msk $0xffff, v34  }
0x502: {  	v34 =	vld.idx.msk [tilespmem:v37+s16+$0x0], $0xffff  }
0x503: {  	v35 =	vor.u32 v22, v33;
	v37 =	vadd.s32 v26, v36  }
0x504: {  	v37 =	vadd.s32 v14, v37;
	_ =	sdelay $0x3  }
0x505: {  	[tilespmem:v35+s19+$0x0] =	vst.idx.msk $0xffff, v34  }
0x506: {  	v34 =	vld.idx.msk [tilespmem:v37+s16+$0x0], $0xffff  }
0x507: {  	v36 =	vadd.s32 v25, v36;
	v35 =	vor.u32 v23, v33  }
0x508: {  	v36 =	vadd.s32 v16, v36;
	_ =	sdelay $0x2  }
0x509: {  	s29 =	sadd.s32 $0x5, s25  }
0x50a: {  	[tilespmem:v35+s19+$0x0] =	vst.idx.msk $0xffff, v34;
	v34 =	vadd.s32 s29, v0  }
0x50b: {  	v35 =	vld.idx.msk [tilespmem:v36+s16+$0x0], $0xffff;
	v36 =	vand.u32 $0x3F, v34  }
0x50c: {  	v33 =	vor.u32 v24, v33;
	v37 =	vadd.s32 v32, v36  }
0x50d: {  	v37 =	vadd.s32 v1, v37;
	_ =	sdelay $0x3  }
0x50e: {  	[tilespmem:v33+s19+$0x0] =	vst.idx.msk $0xffff, v35;
	v33 =	vshll.u32 v34, $0x7  }
0x50f: {  	v34 =	vld.idx.msk [tilespmem:v37+s16+$0x0], $0xffff;
	v33 =	vand.u32 $0x1F80, v33  }
0x510: {  	v37 =	vadd.s32 v31, v36;
	v35 =	vor.u32 v0, v33  }
0x511: {  	v37 =	vadd.s32 v4, v37;
	_ =	sdelay $0x3  }
0x512: {  	[tilespmem:v35+s19+$0x0] =	vst.idx.msk $0xffff, v34  }
0x513: {  	v34 =	vld.idx.msk [tilespmem:v37+s16+$0x0], $0xffff  }
0x514: {  	v35 =	vor.u32 v18, v33;
	v37 =	vadd.s32 v30, v36  }
0x515: {  	v37 =	vadd.s32 v6, v37;
	_ =	sdelay $0x3  }
0x516: {  	[tilespmem:v35+s19+$0x0] =	vst.idx.msk $0xffff, v34  }
0x517: {  	v34 =	vld.idx.msk [tilespmem:v37+s16+$0x0], $0xffff  }
0x518: {  	v35 =	vor.u32 v19, v33;
	v37 =	vadd.s32 v28, v36  }
0x519: {  	v37 =	vadd.s32 v8, v37;
	_ =	sdelay $0x3  }
0x51a: {  	[tilespmem:v35+s19+$0x0] =	vst.idx.msk $0xffff, v34  }
0x51b: {  	v34 =	vld.idx.msk [tilespmem:v37+s16+$0x0], $0xffff  }
0x51c: {  	v35 =	vor.u32 v20, v33;
	v37 =	vadd.s32 v29, v36  }
0x51d: {  	v37 =	vadd.s32 v10, v37;
	_ =	sdelay $0x3  }
0x51e: {  	[tilespmem:v35+s19+$0x0] =	vst.idx.msk $0xffff, v34  }
0x51f: {  	v34 =	vld.idx.msk [tilespmem:v37+s16+$0x0], $0xffff  }
0x520: {  	v35 =	vor.u32 v21, v33;
	v37 =	vadd.s32 v27, v36  }
0x521: {  	v37 =	vadd.s32 v12, v37;
	_ =	sdelay $0x3  }
0x522: {  	[tilespmem:v35+s19+$0x0] =	vst.idx.msk $0xffff, v34  }
0x523: {  	v34 =	vld.idx.msk [tilespmem:v37+s16+$0x0], $0xffff  }
0x524: {  	v35 =	vor.u32 v22, v33;
	v37 =	vadd.s32 v26, v36  }
0x525: {  	v37 =	vadd.s32 v14, v37;
	_ =	sdelay $0x3  }
0x526: {  	[tilespmem:v35+s19+$0x0] =	vst.idx.msk $0xffff, v34  }
0x527: {  	v34 =	vld.idx.msk [tilespmem:v37+s16+$0x0], $0xffff  }
0x528: {  	v36 =	vadd.s32 v25, v36;
	v35 =	vor.u32 v23, v33  }
0x529: {  	v36 =	vadd.s32 v16, v36;
	_ =	sdelay $0x2  }
0x52a: {  	s29 =	sadd.s32 $0x6, s25  }
0x52b: {  	[tilespmem:v35+s19+$0x0] =	vst.idx.msk $0xffff, v34;
	v34 =	vadd.s32 s29, v0  }
0x52c: {  	v35 =	vld.idx.msk [tilespmem:v36+s16+$0x0], $0xffff;
	v36 =	vand.u32 $0x3F, v34  }
0x52d: {  	v33 =	vor.u32 v24, v33;
	v37 =	vadd.s32 v32, v36  }
0x52e: {  	v37 =	vadd.s32 v1, v37;
	_ =	sdelay $0x3  }
0x52f: {  	[tilespmem:v33+s19+$0x0] =	vst.idx.msk $0xffff, v35;
	v33 =	vshll.u32 v34, $0x7  }
0x530: {  	v34 =	vld.idx.msk [tilespmem:v37+s16+$0x0], $0xffff;
	v33 =	vand.u32 $0x1F80, v33  }
0x531: {  	v37 =	vadd.s32 v31, v36;
	v35 =	vor.u32 v0, v33  }
0x532: {  	v37 =	vadd.s32 v4, v37;
	_ =	sdelay $0x3  }
0x533: {  	[tilespmem:v35+s19+$0x0] =	vst.idx.msk $0xffff, v34  }
0x534: {  	v34 =	vld.idx.msk [tilespmem:v37+s16+$0x0], $0xffff  }
0x535: {  	v35 =	vor.u32 v18, v33;
	v37 =	vadd.s32 v30, v36  }
0x536: {  	v37 =	vadd.s32 v6, v37;
	_ =	sdelay $0x3  }
0x537: {  	[tilespmem:v35+s19+$0x0] =	vst.idx.msk $0xffff, v34  }
0x538: {  	v34 =	vld.idx.msk [tilespmem:v37+s16+$0x0], $0xffff  }
0x539: {  	v35 =	vor.u32 v19, v33;
	v37 =	vadd.s32 v28, v36  }
0x53a: {  	v37 =	vadd.s32 v8, v37;
	_ =	sdelay $0x3  }
0x53b: {  	[tilespmem:v35+s19+$0x0] =	vst.idx.msk $0xffff, v34  }
0x53c: {  	v34 =	vld.idx.msk [tilespmem:v37+s16+$0x0], $0xffff  }
0x53d: {  	v35 =	vor.u32 v20, v33;
	v37 =	vadd.s32 v29, v36  }
0x53e: {  	v37 =	vadd.s32 v10, v37;
	_ =	sdelay $0x3  }
0x53f: {  	[tilespmem:v35+s19+$0x0] =	vst.idx.msk $0xffff, v34  }
0x540: {  	v34 =	vld.idx.msk [tilespmem:v37+s16+$0x0], $0xffff  }
0x541: {  	v35 =	vor.u32 v21, v33;
	v37 =	vadd.s32 v27, v36  }
0x542: {  	v37 =	vadd.s32 v12, v37;
	_ =	sdelay $0x3  }
0x543: {  	[tilespmem:v35+s19+$0x0] =	vst.idx.msk $0xffff, v34  }
0x544: {  	v34 =	vld.idx.msk [tilespmem:v37+s16+$0x0], $0xffff  }
0x545: {  	v35 =	vor.u32 v22, v33;
	v37 =	vadd.s32 v26, v36  }
0x546: {  	v37 =	vadd.s32 v14, v37;
	_ =	sdelay $0x3  }
0x547: {  	[tilespmem:v35+s19+$0x0] =	vst.idx.msk $0xffff, v34  }
0x548: {  	v34 =	vld.idx.msk [tilespmem:v37+s16+$0x0], $0xffff  }
0x549: {  	v36 =	vadd.s32 v25, v36;
	v35 =	vor.u32 v23, v33  }
0x54a: {  	v36 =	vadd.s32 v16, v36;
	_ =	sdelay $0x2  }
0x54b: {  	s29 =	sadd.s32 $0x7, s25;
	s25 =	smov.u32 s28  }
0x54c: {  	[tilespmem:v35+s19+$0x0] =	vst.idx.msk $0xffff, v34;
	v34 =	vadd.s32 s29, v0  }
0x54d: {  	v35 =	vld.idx.msk [tilespmem:v36+s16+$0x0], $0xffff;
	v36 =	vand.u32 $0x3F, v34  }
0x54e: {  	v33 =	vor.u32 v24, v33;
	v37 =	vadd.s32 v32, v36  }
0x54f: {  	v37 =	vadd.s32 v1, v37;
	_ =	sdelay $0x3  }
0x550: {  	[tilespmem:v33+s19+$0x0] =	vst.idx.msk $0xffff, v35;
	v33 =	vshll.u32 v34, $0x7  }
0x551: {  	v34 =	vld.idx.msk [tilespmem:v37+s16+$0x0], $0xffff;
	v33 =	vand.u32 $0x1F80, v33  }
0x552: {  	v37 =	vadd.s32 v31, v36;
	v35 =	vor.u32 v0, v33  }
0x553: {  	v37 =	vadd.s32 v4, v37;
	_ =	sdelay $0x3  }
0x554: {  	[tilespmem:v35+s19+$0x0] =	vst.idx.msk $0xffff, v34  }
0x555: {  	v34 =	vld.idx.msk [tilespmem:v37+s16+$0x0], $0xffff  }
0x556: {  	v35 =	vor.u32 v18, v33;
	v37 =	vadd.s32 v30, v36  }
0x557: {  	v37 =	vadd.s32 v6, v37;
	_ =	sdelay $0x3  }
0x558: {  	[tilespmem:v35+s19+$0x0] =	vst.idx.msk $0xffff, v34  }
0x559: {  	v34 =	vld.idx.msk [tilespmem:v37+s16+$0x0], $0xffff  }
0x55a: {  	v35 =	vor.u32 v19, v33;
	v37 =	vadd.s32 v28, v36  }
0x55b: {  	v37 =	vadd.s32 v8, v37;
	_ =	sdelay $0x3  }
0x55c: {  	[tilespmem:v35+s19+$0x0] =	vst.idx.msk $0xffff, v34  }
0x55d: {  	v34 =	vld.idx.msk [tilespmem:v37+s16+$0x0], $0xffff  }
0x55e: {  	v35 =	vor.u32 v20, v33;
	v37 =	vadd.s32 v29, v36  }
0x55f: {  	v37 =	vadd.s32 v10, v37;
	_ =	sdelay $0x3  }
0x560: {  	[tilespmem:v35+s19+$0x0] =	vst.idx.msk $0xffff, v34  }
0x561: {  	v34 =	vld.idx.msk [tilespmem:v37+s16+$0x0], $0xffff  }
0x562: {  	v35 =	vor.u32 v21, v33;
	v37 =	vadd.s32 v27, v36  }
0x563: {  	v37 =	vadd.s32 v12, v37;
	_ =	sdelay $0x3  }
0x564: {  	[tilespmem:v35+s19+$0x0] =	vst.idx.msk $0xffff, v34  }
0x565: {  	v34 =	vld.idx.msk [tilespmem:v37+s16+$0x0], $0xffff  }
0x566: {  	v35 =	vor.u32 v22, v33;
	v37 =	vadd.s32 v26, v36  }
0x567: {  	v37 =	vadd.s32 v14, v37;
	_ =	sdelay $0x3  }
0x568: {  	[tilespmem:v35+s19+$0x0] =	vst.idx.msk $0xffff, v34  }
0x569: {  	v37 =	vld.idx.msk [tilespmem:v37+s16+$0x0], $0xffff  }
0x56a: {  	v38 =	vor.u32 v23, v33;
	v34 =	vadd.s32 v25, v36  }
.Ltmp1:
0x56b: {  	v35 =	vadd.s32 v16, v34;
	(pc) =	sbr.rel @p0 .LBB2_6-.Ltmp1, $2  }
0x56c: {  	_ =	sdelay $0x2  }
0x56d: {  	s28 =	sadd.s32 $0x8, s28;
	v34 =	vadd.s32 s25, v0;
	[tilespmem:v38+s19+$0x0] =	vst.idx.msk $0xffff, v37  }
0x56e: {  	_ =	sdelay $0x2  }
0x56f: {  	v36 =	vand.u32 $0x3F, v34  }
0x570: {  	v35 =	vld.idx.msk [tilespmem:v35+s16+$0x0], $0xffff;
	v33 =	vor.u32 v24, v33;
	v37 =	vadd.s32 v32, v36  }
0x571: {  	v37 =	vadd.s32 v1, v37;
	_ =	sdelay $0x2  }
0x572: {  	v51 =	vshll.u32 v34, $0x7  }
0x573: {  	v52 =	vand.u32 $0x1C00, v51;
	[tilespmem:v33+s19+$0x0] =	vst.idx.msk $0xffff, v35  }
0x574: {  	v55 =	vadd.s32 v31, v36;
	v54 =	vor.u32 v3, v52;
	v53 =	vld.idx.msk [tilespmem:v37+s16+$0x0], $0xffff  }
0x575: {  	v37 =	vadd.s32 v4, v55;
	_ =	sdelay $0x3  }
0x576: {  	[tilespmem:v54+s19+$0x0] =	vst.idx.msk $0xffff, v53  }
0x577: {  	v57 =	vadd.s32 v30, v36;
	v56 =	vor.u32 v5, v52;
	v34 =	vld.idx.msk [tilespmem:v37+s16+$0x0], $0xffff  }
0x578: {  	v37 =	vadd.s32 v6, v57;
	_ =	sdelay $0x3  }
0x579: {  	[tilespmem:v56+s19+$0x0] =	vst.idx.msk $0xffff, v34  }
0x57a: {  	v59 =	vadd.s32 v28, v36;
	v58 =	vor.u32 v7, v52;
	v34 =	vld.idx.msk [tilespmem:v37+s16+$0x0], $0xffff  }
0x57b: {  	v37 =	vadd.s32 v8, v59;
	_ =	sdelay $0x3  }
0x57c: {  	[tilespmem:v58+s19+$0x0] =	vst.idx.msk $0xffff, v34  }
0x57d: {  	v61 =	vadd.s32 v29, v36;
	v60 =	vor.u32 v9, v52;
	v34 =	vld.idx.msk [tilespmem:v37+s16+$0x0], $0xffff  }
0x57e: {  	v37 =	vadd.s32 v10, v61;
	_ =	sdelay $0x3  }
0x57f: {  	[tilespmem:v60+s19+$0x0] =	vst.idx.msk $0xffff, v34  }
0x580: {  	v63 =	vadd.s32 v27, v36;
	v62 =	vor.u32 v11, v52;
	v34 =	vld.idx.msk [tilespmem:v37+s16+$0x0], $0xffff  }
0x581: {  	v37 =	vadd.s32 v12, v63;
	_ =	sdelay $0x3  }
0x582: {  	[tilespmem:v62+s19+$0x0] =	vst.idx.msk $0xffff, v34  }
0x583: {  	v41 =	vadd.s32 v26, v36;
	v40 =	vor.u32 v13, v52;
	v34 =	vld.idx.msk [tilespmem:v37+s16+$0x0], $0xffff  }
0x584: {  	v37 =	vadd.s32 v14, v41;
	_ =	sdelay $0x3  }
0x585: {  	[tilespmem:v40+s19+$0x0] =	vst.idx.msk $0xffff, v34  }
0x586: {  	v36 =	vadd.s32 v25, v36;
	v42 =	vor.u32 v15, v52;
	v34 =	vld.idx.msk [tilespmem:v37+s16+$0x0], $0xffff  }
0x587: {  	v36 =	vadd.s32 v16, v36;
	_ =	sdelay $0x1  }
0x588: {  	s28 =	sadd.s32 $0x1, s25  }
0x589: {  	v43 =	vadd.s32 s28, v0  }
0x58a: {  	v44 =	vand.u32 $0x3F, v43;
	[tilespmem:v42+s19+$0x0] =	vst.idx.msk $0xffff, v34  }
0x58b: {  	v45 =	vadd.s32 v32, v44;
	v33 =	vor.u32 v17, v52;
	v35 =	vld.idx.msk [tilespmem:v36+s16+$0x0], $0xffff  }
0x58c: {  	v36 =	vadd.s32 v1, v45;
	_ =	sdelay $0x2  }
0x58d: {  	v37 =	vshll.u32 v43, $0x7  }
0x58e: {  	v46 =	vand.u32 $0x1F80, v37;
	[tilespmem:v33+s19+$0x0] =	vst.idx.msk $0xffff, v35  }
0x58f: {  	v48 =	vadd.s32 v31, v44;
	v47 =	vor.u32 v0, v46;
	v35 =	vld.idx.msk [tilespmem:v36+s16+$0x0], $0xffff  }
0x590: {  	v37 =	vadd.s32 v4, v48;
	_ =	sdelay $0x3  }
0x591: {  	[tilespmem:v47+s19+$0x0] =	vst.idx.msk $0xffff, v35  }
0x592: {  	v50 =	vadd.s32 v30, v44;
	v49 =	vor.u32 v18, v46;
	v35 =	vld.idx.msk [tilespmem:v37+s16+$0x0], $0xffff  }
0x593: {  	v37 =	vadd.s32 v6, v50;
	_ =	sdelay $0x3  }
0x594: {  	[tilespmem:v49+s19+$0x0] =	vst.idx.msk $0xffff, v35  }
0x595: {  	v52 =	vadd.s32 v28, v44;
	v51 =	vor.u32 v19, v46;
	v35 =	vld.idx.msk [tilespmem:v37+s16+$0x0], $0xffff  }
0x596: {  	v37 =	vadd.s32 v8, v52;
	_ =	sdelay $0x3  }
0x597: {  	[tilespmem:v51+s19+$0x0] =	vst.idx.msk $0xffff, v35  }
0x598: {  	v54 =	vadd.s32 v29, v44;
	v53 =	vor.u32 v20, v46;
	v35 =	vld.idx.msk [tilespmem:v37+s16+$0x0], $0xffff  }
0x599: {  	v37 =	vadd.s32 v10, v54;
	_ =	sdelay $0x3  }
0x59a: {  	[tilespmem:v53+s19+$0x0] =	vst.idx.msk $0xffff, v35  }
0x59b: {  	v56 =	vadd.s32 v27, v44;
	v55 =	vor.u32 v21, v46;
	v35 =	vld.idx.msk [tilespmem:v37+s16+$0x0], $0xffff  }
0x59c: {  	v37 =	vadd.s32 v12, v56;
	_ =	sdelay $0x3  }
0x59d: {  	[tilespmem:v55+s19+$0x0] =	vst.idx.msk $0xffff, v35  }
0x59e: {  	v58 =	vadd.s32 v26, v44;
	v57 =	vor.u32 v22, v46;
	v35 =	vld.idx.msk [tilespmem:v37+s16+$0x0], $0xffff  }
0x59f: {  	v37 =	vadd.s32 v14, v58;
	_ =	sdelay $0x3  }
0x5a0: {  	[tilespmem:v57+s19+$0x0] =	vst.idx.msk $0xffff, v35  }
0x5a1: {  	v59 =	vor.u32 v23, v46;
	v34 =	vadd.s32 v25, v44;
	v35 =	vld.idx.msk [tilespmem:v37+s16+$0x0], $0xffff  }
0x5a2: {  	v34 =	vadd.s32 v16, v34;
	_ =	sdelay $0x1  }
0x5a3: {  	s31 =	sadd.s32 $0x2, s25  }
0x5a4: {  	v60 =	vadd.s32 s31, v0  }
0x5a5: {  	v61 =	vand.u32 $0x3F, v60;
	[tilespmem:v59+s19+$0x0] =	vst.idx.msk $0xffff, v35  }
0x5a6: {  	v62 =	vadd.s32 v32, v61;
	v33 =	vor.u32 v24, v46;
	v34 =	vld.idx.msk [tilespmem:v34+s16+$0x0], $0xffff  }
0x5a7: {  	v36 =	vadd.s32 v1, v62;
	_ =	sdelay $0x2  }
0x5a8: {  	v37 =	vshll.u32 v60, $0x7  }
0x5a9: {  	v63 =	vand.u32 $0x1F80, v37;
	[tilespmem:v33+s19+$0x0] =	vst.idx.msk $0xffff, v34  }
0x5aa: {  	v41 =	vadd.s32 v31, v61;
	v40 =	vor.u32 v0, v63;
	v34 =	vld.idx.msk [tilespmem:v36+s16+$0x0], $0xffff  }
0x5ab: {  	v37 =	vadd.s32 v4, v41;
	_ =	sdelay $0x3  }
0x5ac: {  	[tilespmem:v40+s19+$0x0] =	vst.idx.msk $0xffff, v34  }
0x5ad: {  	v43 =	vadd.s32 v30, v61;
	v42 =	vor.u32 v18, v63;
	v34 =	vld.idx.msk [tilespmem:v37+s16+$0x0], $0xffff  }
0x5ae: {  	v37 =	vadd.s32 v6, v43;
	_ =	sdelay $0x3  }
0x5af: {  	[tilespmem:v42+s19+$0x0] =	vst.idx.msk $0xffff, v34  }
0x5b0: {  	v45 =	vadd.s32 v28, v61;
	v44 =	vor.u32 v19, v63;
	v34 =	vld.idx.msk [tilespmem:v37+s16+$0x0], $0xffff  }
0x5b1: {  	v37 =	vadd.s32 v8, v45;
	_ =	sdelay $0x3  }
0x5b2: {  	[tilespmem:v44+s19+$0x0] =	vst.idx.msk $0xffff, v34  }
0x5b3: {  	v47 =	vadd.s32 v29, v61;
	v46 =	vor.u32 v20, v63;
	v34 =	vld.idx.msk [tilespmem:v37+s16+$0x0], $0xffff  }
0x5b4: {  	v37 =	vadd.s32 v10, v47;
	_ =	sdelay $0x3  }
0x5b5: {  	[tilespmem:v46+s19+$0x0] =	vst.idx.msk $0xffff, v34  }
0x5b6: {  	v49 =	vadd.s32 v27, v61;
	v48 =	vor.u32 v21, v63;
	v34 =	vld.idx.msk [tilespmem:v37+s16+$0x0], $0xffff  }
0x5b7: {  	v37 =	vadd.s32 v12, v49;
	_ =	sdelay $0x3  }
0x5b8: {  	[tilespmem:v48+s19+$0x0] =	vst.idx.msk $0xffff, v34  }
0x5b9: {  	v51 =	vadd.s32 v26, v61;
	v50 =	vor.u32 v22, v63;
	v34 =	vld.idx.msk [tilespmem:v37+s16+$0x0], $0xffff  }
0x5ba: {  	v37 =	vadd.s32 v14, v51;
	_ =	sdelay $0x3  }
0x5bb: {  	[tilespmem:v50+s19+$0x0] =	vst.idx.msk $0xffff, v34  }
0x5bc: {  	v52 =	vor.u32 v23, v63;
	v35 =	vadd.s32 v25, v61;
	v34 =	vld.idx.msk [tilespmem:v37+s16+$0x0], $0xffff  }
0x5bd: {  	v35 =	vadd.s32 v16, v35;
	_ =	sdelay $0x1  }
0x5be: {  	s29 =	sadd.s32 $0x3, s25  }
0x5bf: {  	v53 =	vadd.s32 s29, v0  }
0x5c0: {  	v54 =	vand.u32 $0x3F, v53;
	[tilespmem:v52+s19+$0x0] =	vst.idx.msk $0xffff, v34  }
0x5c1: {  	v55 =	vadd.s32 v32, v54;
	v33 =	vor.u32 v24, v63;
	v35 =	vld.idx.msk [tilespmem:v35+s16+$0x0], $0xffff  }
0x5c2: {  	v36 =	vadd.s32 v1, v55;
	_ =	sdelay $0x2  }
0x5c3: {  	v37 =	vshll.u32 v53, $0x7  }
0x5c4: {  	v56 =	vand.u32 $0x1F80, v37;
	[tilespmem:v33+s19+$0x0] =	vst.idx.msk $0xffff, v35  }
0x5c5: {  	v58 =	vadd.s32 v31, v54;
	v57 =	vor.u32 v0, v56;
	v35 =	vld.idx.msk [tilespmem:v36+s16+$0x0], $0xffff  }
0x5c6: {  	v37 =	vadd.s32 v4, v58;
	_ =	sdelay $0x3  }
0x5c7: {  	[tilespmem:v57+s19+$0x0] =	vst.idx.msk $0xffff, v35  }
0x5c8: {  	v60 =	vadd.s32 v30, v54;
	v59 =	vor.u32 v18, v56;
	v35 =	vld.idx.msk [tilespmem:v37+s16+$0x0], $0xffff  }
0x5c9: {  	v37 =	vadd.s32 v6, v60;
	_ =	sdelay $0x3  }
0x5ca: {  	[tilespmem:v59+s19+$0x0] =	vst.idx.msk $0xffff, v35  }
0x5cb: {  	v62 =	vadd.s32 v28, v54;
	v61 =	vor.u32 v19, v56;
	v35 =	vld.idx.msk [tilespmem:v37+s16+$0x0], $0xffff  }
0x5cc: {  	v37 =	vadd.s32 v8, v62;
	_ =	sdelay $0x3  }
0x5cd: {  	[tilespmem:v61+s19+$0x0] =	vst.idx.msk $0xffff, v35  }
0x5ce: {  	v40 =	vadd.s32 v29, v54;
	v63 =	vor.u32 v20, v56;
	v35 =	vld.idx.msk [tilespmem:v37+s16+$0x0], $0xffff  }
0x5cf: {  	v37 =	vadd.s32 v10, v40;
	_ =	sdelay $0x3  }
0x5d0: {  	[tilespmem:v63+s19+$0x0] =	vst.idx.msk $0xffff, v35  }
0x5d1: {  	v42 =	vadd.s32 v27, v54;
	v41 =	vor.u32 v21, v56;
	v35 =	vld.idx.msk [tilespmem:v37+s16+$0x0], $0xffff  }
0x5d2: {  	v37 =	vadd.s32 v12, v42;
	_ =	sdelay $0x3  }
0x5d3: {  	[tilespmem:v41+s19+$0x0] =	vst.idx.msk $0xffff, v35  }
0x5d4: {  	v44 =	vadd.s32 v26, v54;
	v43 =	vor.u32 v22, v56;
	v35 =	vld.idx.msk [tilespmem:v37+s16+$0x0], $0xffff  }
0x5d5: {  	v37 =	vadd.s32 v14, v44;
	_ =	sdelay $0x3  }
0x5d6: {  	[tilespmem:v43+s19+$0x0] =	vst.idx.msk $0xffff, v35  }
0x5d7: {  	v45 =	vor.u32 v23, v56;
	v34 =	vadd.s32 v25, v54;
	v35 =	vld.idx.msk [tilespmem:v37+s16+$0x0], $0xffff  }
0x5d8: {  	v34 =	vadd.s32 v16, v34;
	_ =	sdelay $0x1  }
0x5d9: {  	s30 =	sadd.s32 $0x4, s25  }
0x5da: {  	v46 =	vadd.s32 s30, v0  }
0x5db: {  	v47 =	vand.u32 $0x3F, v46;
	[tilespmem:v45+s19+$0x0] =	vst.idx.msk $0xffff, v35  }
0x5dc: {  	v48 =	vadd.s32 v32, v47;
	v33 =	vor.u32 v24, v56;
	v34 =	vld.idx.msk [tilespmem:v34+s16+$0x0], $0xffff  }
0x5dd: {  	v36 =	vadd.s32 v1, v48;
	_ =	sdelay $0x2  }
0x5de: {  	v37 =	vshll.u32 v46, $0x7  }
0x5df: {  	v49 =	vand.u32 $0x1F80, v37;
	[tilespmem:v33+s19+$0x0] =	vst.idx.msk $0xffff, v34  }
0x5e0: {  	v51 =	vadd.s32 v31, v47;
	v50 =	vor.u32 v0, v49;
	v34 =	vld.idx.msk [tilespmem:v36+s16+$0x0], $0xffff  }
0x5e1: {  	v37 =	vadd.s32 v4, v51;
	_ =	sdelay $0x3  }
0x5e2: {  	[tilespmem:v50+s19+$0x0] =	vst.idx.msk $0xffff, v34  }
0x5e3: {  	v53 =	vadd.s32 v30, v47;
	v52 =	vor.u32 v18, v49;
	v34 =	vld.idx.msk [tilespmem:v37+s16+$0x0], $0xffff  }
0x5e4: {  	v37 =	vadd.s32 v6, v53;
	_ =	sdelay $0x3  }
0x5e5: {  	[tilespmem:v52+s19+$0x0] =	vst.idx.msk $0xffff, v34  }
0x5e6: {  	v55 =	vadd.s32 v28, v47;
	v54 =	vor.u32 v19, v49;
	v34 =	vld.idx.msk [tilespmem:v37+s16+$0x0], $0xffff  }
0x5e7: {  	v37 =	vadd.s32 v8, v55;
	_ =	sdelay $0x3  }
0x5e8: {  	[tilespmem:v54+s19+$0x0] =	vst.idx.msk $0xffff, v34  }
0x5e9: {  	v57 =	vadd.s32 v29, v47;
	v56 =	vor.u32 v20, v49;
	v34 =	vld.idx.msk [tilespmem:v37+s16+$0x0], $0xffff  }
0x5ea: {  	v37 =	vadd.s32 v10, v57;
	_ =	sdelay $0x3  }
0x5eb: {  	[tilespmem:v56+s19+$0x0] =	vst.idx.msk $0xffff, v34  }
0x5ec: {  	v59 =	vadd.s32 v27, v47;
	v58 =	vor.u32 v21, v49;
	v34 =	vld.idx.msk [tilespmem:v37+s16+$0x0], $0xffff  }
0x5ed: {  	v37 =	vadd.s32 v12, v59;
	_ =	sdelay $0x3  }
0x5ee: {  	[tilespmem:v58+s19+$0x0] =	vst.idx.msk $0xffff, v34  }
0x5ef: {  	v61 =	vadd.s32 v26, v47;
	v60 =	vor.u32 v22, v49;
	v34 =	vld.idx.msk [tilespmem:v37+s16+$0x0], $0xffff  }
0x5f0: {  	v37 =	vadd.s32 v14, v61;
	_ =	sdelay $0x3  }
0x5f1: {  	[tilespmem:v60+s19+$0x0] =	vst.idx.msk $0xffff, v34  }
0x5f2: {  	v62 =	vor.u32 v23, v49;
	v35 =	vadd.s32 v25, v47;
	v34 =	vld.idx.msk [tilespmem:v37+s16+$0x0], $0xffff  }
0x5f3: {  	v35 =	vadd.s32 v16, v35;
	_ =	sdelay $0x1  }
0x5f4: {  	s31 =	sadd.s32 $0x5, s25  }
0x5f5: {  	v63 =	vadd.s32 s31, v0  }
0x5f6: {  	v40 =	vand.u32 $0x3F, v63;
	[tilespmem:v62+s19+$0x0] =	vst.idx.msk $0xffff, v34  }
0x5f7: {  	v41 =	vadd.s32 v32, v40;
	v33 =	vor.u32 v24, v49;
	v35 =	vld.idx.msk [tilespmem:v35+s16+$0x0], $0xffff  }
0x5f8: {  	v36 =	vadd.s32 v1, v41;
	_ =	sdelay $0x2  }
0x5f9: {  	v37 =	vshll.u32 v63, $0x7  }
0x5fa: {  	v42 =	vand.u32 $0x1F80, v37;
	[tilespmem:v33+s19+$0x0] =	vst.idx.msk $0xffff, v35  }
0x5fb: {  	v44 =	vadd.s32 v31, v40;
	v43 =	vor.u32 v0, v42;
	v35 =	vld.idx.msk [tilespmem:v36+s16+$0x0], $0xffff  }
0x5fc: {  	v37 =	vadd.s32 v4, v44;
	_ =	sdelay $0x3  }
0x5fd: {  	[tilespmem:v43+s19+$0x0] =	vst.idx.msk $0xffff, v35  }
0x5fe: {  	v46 =	vadd.s32 v30, v40;
	v45 =	vor.u32 v18, v42;
	v35 =	vld.idx.msk [tilespmem:v37+s16+$0x0], $0xffff  }
0x5ff: {  	v37 =	vadd.s32 v6, v46;
	_ =	sdelay $0x3  }
0x600: {  	[tilespmem:v45+s19+$0x0] =	vst.idx.msk $0xffff, v35  }
0x601: {  	v48 =	vadd.s32 v28, v40;
	v47 =	vor.u32 v19, v42;
	v35 =	vld.idx.msk [tilespmem:v37+s16+$0x0], $0xffff  }
0x602: {  	v37 =	vadd.s32 v8, v48;
	_ =	sdelay $0x3  }
0x603: {  	[tilespmem:v47+s19+$0x0] =	vst.idx.msk $0xffff, v35  }
0x604: {  	v50 =	vadd.s32 v29, v40;
	v49 =	vor.u32 v20, v42;
	v35 =	vld.idx.msk [tilespmem:v37+s16+$0x0], $0xffff  }
0x605: {  	v37 =	vadd.s32 v10, v50;
	_ =	sdelay $0x3  }
0x606: {  	[tilespmem:v49+s19+$0x0] =	vst.idx.msk $0xffff, v35  }
0x607: {  	v52 =	vadd.s32 v27, v40;
	v51 =	vor.u32 v21, v42;
	v35 =	vld.idx.msk [tilespmem:v37+s16+$0x0], $0xffff  }
0x608: {  	v37 =	vadd.s32 v12, v52;
	_ =	sdelay $0x3  }
0x609: {  	[tilespmem:v51+s19+$0x0] =	vst.idx.msk $0xffff, v35  }
0x60a: {  	v54 =	vadd.s32 v26, v40;
	v53 =	vor.u32 v22, v42;
	v35 =	vld.idx.msk [tilespmem:v37+s16+$0x0], $0xffff  }
0x60b: {  	v37 =	vadd.s32 v14, v54;
	_ =	sdelay $0x3  }
0x60c: {  	[tilespmem:v53+s19+$0x0] =	vst.idx.msk $0xffff, v35  }
0x60d: {  	v55 =	vor.u32 v23, v42;
	v34 =	vadd.s32 v25, v40;
	v35 =	vld.idx.msk [tilespmem:v37+s16+$0x0], $0xffff  }
0x60e: {  	v34 =	vadd.s32 v16, v34;
	_ =	sdelay $0x1  }
0x60f: {  	s29 =	sadd.s32 $0x6, s25  }
0x610: {  	v56 =	vadd.s32 s29, v0  }
0x611: {  	v57 =	vand.u32 $0x3F, v56;
	[tilespmem:v55+s19+$0x0] =	vst.idx.msk $0xffff, v35  }
0x612: {  	v58 =	vadd.s32 v32, v57;
	v33 =	vor.u32 v24, v42;
	v34 =	vld.idx.msk [tilespmem:v34+s16+$0x0], $0xffff  }
0x613: {  	v36 =	vadd.s32 v1, v58;
	_ =	sdelay $0x2  }
0x614: {  	v37 =	vshll.u32 v56, $0x7  }
0x615: {  	v59 =	vand.u32 $0x1F80, v37;
	[tilespmem:v33+s19+$0x0] =	vst.idx.msk $0xffff, v34  }
0x616: {  	v61 =	vadd.s32 v31, v57;
	v60 =	vor.u32 v0, v59;
	v34 =	vld.idx.msk [tilespmem:v36+s16+$0x0], $0xffff  }
0x617: {  	v37 =	vadd.s32 v4, v61;
	_ =	sdelay $0x3  }
0x618: {  	[tilespmem:v60+s19+$0x0] =	vst.idx.msk $0xffff, v34  }
0x619: {  	v63 =	vadd.s32 v30, v57;
	v62 =	vor.u32 v18, v59;
	v34 =	vld.idx.msk [tilespmem:v37+s16+$0x0], $0xffff  }
0x61a: {  	v37 =	vadd.s32 v6, v63;
	_ =	sdelay $0x3  }
0x61b: {  	[tilespmem:v62+s19+$0x0] =	vst.idx.msk $0xffff, v34  }
0x61c: {  	v41 =	vadd.s32 v28, v57;
	v40 =	vor.u32 v19, v59;
	v34 =	vld.idx.msk [tilespmem:v37+s16+$0x0], $0xffff  }
0x61d: {  	v37 =	vadd.s32 v8, v41;
	_ =	sdelay $0x3  }
0x61e: {  	[tilespmem:v40+s19+$0x0] =	vst.idx.msk $0xffff, v34  }
0x61f: {  	v43 =	vadd.s32 v29, v57;
	v42 =	vor.u32 v20, v59;
	v34 =	vld.idx.msk [tilespmem:v37+s16+$0x0], $0xffff  }
0x620: {  	v37 =	vadd.s32 v10, v43;
	_ =	sdelay $0x3  }
0x621: {  	[tilespmem:v42+s19+$0x0] =	vst.idx.msk $0xffff, v34  }
0x622: {  	v45 =	vadd.s32 v27, v57;
	v44 =	vor.u32 v21, v59;
	v34 =	vld.idx.msk [tilespmem:v37+s16+$0x0], $0xffff  }
0x623: {  	v37 =	vadd.s32 v12, v45;
	_ =	sdelay $0x3  }
0x624: {  	[tilespmem:v44+s19+$0x0] =	vst.idx.msk $0xffff, v34  }
0x625: {  	v47 =	vadd.s32 v26, v57;
	v46 =	vor.u32 v22, v59;
	v34 =	vld.idx.msk [tilespmem:v37+s16+$0x0], $0xffff  }
0x626: {  	v37 =	vadd.s32 v14, v47;
	_ =	sdelay $0x3  }
0x627: {  	[tilespmem:v46+s19+$0x0] =	vst.idx.msk $0xffff, v34  }
0x628: {  	v48 =	vor.u32 v23, v59;
	v35 =	vadd.s32 v25, v57;
	v34 =	vld.idx.msk [tilespmem:v37+s16+$0x0], $0xffff  }
0x629: {  	v35 =	vadd.s32 v16, v35;
	_ =	sdelay $0x1  }
0x62a: {  	s30 =	sadd.s32 $0x7, s25  }
0x62b: {  	v49 =	vadd.s32 s30, v0  }
0x62c: {  	v50 =	vand.u32 $0x3F, v49;
	[tilespmem:v48+s19+$0x0] =	vst.idx.msk $0xffff, v34  }
0x62d: {  	v51 =	vadd.s32 v32, v50;
	v33 =	vor.u32 v24, v59;
	v35 =	vld.idx.msk [tilespmem:v35+s16+$0x0], $0xffff  }
0x62e: {  	v32 =	vadd.s32 v1, v51;
	_ =	sdelay $0x2  }
0x62f: {  	v52 =	vshll.u32 v49, $0x7  }
0x630: {  	v53 =	vand.u32 $0x1F80, v52;
	[tilespmem:v33+s19+$0x0] =	vst.idx.msk $0xffff, v35  }
0x631: {  	v54 =	vor.u32 v0, v53;
	v55 =	vadd.s32 v31, v50;
	v32 =	vld.idx.msk [tilespmem:v32+s16+$0x0], $0xffff  }
0x632: {  	v31 =	vadd.s32 v4, v55;
	_ =	sdelay $0x3  }
0x633: {  	[tilespmem:v54+s19+$0x0] =	vst.idx.msk $0xffff, v32  }
0x634: {  	v56 =	vor.u32 v18, v53;
	v57 =	vadd.s32 v30, v50;
	v31 =	vld.idx.msk [tilespmem:v31+s16+$0x0], $0xffff  }
0x635: {  	v30 =	vadd.s32 v6, v57;
	_ =	sdelay $0x3  }
0x636: {  	[tilespmem:v56+s19+$0x0] =	vst.idx.msk $0xffff, v31  }
0x637: {  	v58 =	vor.u32 v19, v53;
	v59 =	vadd.s32 v28, v50;
	v30 =	vld.idx.msk [tilespmem:v30+s16+$0x0], $0xffff  }
0x638: {  	v28 =	vadd.s32 v8, v59;
	_ =	sdelay $0x3  }
0x639: {  	[tilespmem:v58+s19+$0x0] =	vst.idx.msk $0xffff, v30  }
0x63a: {  	v61 =	vadd.s32 v29, v50;
	v60 =	vor.u32 v20, v53;
	v28 =	vld.idx.msk [tilespmem:v28+s16+$0x0], $0xffff  }
0x63b: {  	v29 =	vadd.s32 v10, v61;
	_ =	sdelay $0x3  }
0x63c: {  	[tilespmem:v60+s19+$0x0] =	vst.idx.msk $0xffff, v28  }
0x63d: {  	v27 =	vadd.s32 v27, v50;
	v62 =	vor.u32 v21, v53;
	v28 =	vld.idx.msk [tilespmem:v29+s16+$0x0], $0xffff  }
0x63e: {  	v27 =	vadd.s32 v12, v27;
	_ =	sdelay $0x3  }
0x63f: {  	[tilespmem:v62+s19+$0x0] =	vst.idx.msk $0xffff, v28  }
0x640: {  	v26 =	vadd.s32 v26, v50;
	v63 =	vor.u32 v22, v53;
	v27 =	vld.idx.msk [tilespmem:v27+s16+$0x0], $0xffff  }
0x641: {  	v26 =	vadd.s32 v14, v26;
	_ =	sdelay $0x3  }
0x642: {  	[tilespmem:v63+s19+$0x0] =	vst.idx.msk $0xffff, v27  }
0x643: {  	v25 =	vadd.s32 v25, v50;
	v27 =	vor.u32 v23, v53;
	v26 =	vld.idx.msk [tilespmem:v26+s16+$0x0], $0xffff  }
0x644: {  	v25 =	vadd.s32 v16, v25;
	_ =	sdelay $0x3  }
0x645: {  	[tilespmem:v27+s19+$0x0] =	vst.idx.msk $0xffff, v26  }
0x646: {  	s24 =	sadd.s32 $0x1, s24;
	v26 =	vor.u32 v24, v53;
	v25 =	vld.idx.msk [tilespmem:v25+s16+$0x0], $0xffff  }
0x647: {  	p0 =	sne.s32 s24, $0x4  }
.Ltmp2:
0x648: {  	_ = 	snop;
	(pc) =	sbr.rel @p0 .LBB2_3-.Ltmp2, $3  }
0x649: {  	_ =	sdelay $0x1  }
0x64a: {  	s31 =	sadd.s32 s26, s7;
	[tilespmem:v26+s19+$0x0] =	vst.idx.msk $0xffff, v25  }
0x64b: {  	[hbm4b:s31+s12] =	stream.strided.scatter [tilespmem:s19], [sflag:$0x2], $0x2000, s18, s12, $0x38;
	[tilespmem:$0xC600] =	vst v63  }
0x64c: {  	s21 =	sadd.s32 $0x1, s21  }
0x64d: {  	_ =	swait.ge [sflag:s20], $0x2000;
	p0 =	sne.s32 s21, $0x19  }
.Ltmp3:
0x64e: {  	[sflag:s20] =	ssyncset.done $0x0;
	(pc) =	sbr.rel @p0 .LBB2_2-.Ltmp3, $4  }
0x64f: {  	[sflag:s20] =	ssyncadd.s32 $0xFFFFE000  }
0x650: {  	_ =	swait.ge [sflag:s20], $0x2000  }
0x651: {  	[sflag:s20] =	ssyncset.done $0x0  }
0x652: {  	[sflag:s20] =	ssyncadd.s32 $0xFFFFE000  }
0x653: {  	s2 =	sadd.s32 $0x1, s2  }
0x654: {  	p0 =	sne.s32 s2, s8  }
.Ltmp4:
0x655: {  	_ = 	snop;
	(pc) =	sbr.rel @p0 .LBB2_1-.Ltmp4, $1  }
0x656: {  	_ =	sdelay $0x3  }
0x657: {  	_ =	sfence.sel $0x180000  }
0x658: {  	[bflag:$0x0] =	sbarrier.arrive $0xFFFF  }
0x659: {  	p0 =	sne.s32 s3, $0x0;
	_ =	strace $0x90000047  }
0x65a: {  	s0 =	sadd.s32 @!p0 $0x100000, s0;
	[bflag:$0x2] =	sbarrier.arrive $0xFFFF  }
0x65b: {  	[sflag:s0] =	ssyncadd.tile.s32 @!p0 $0x1;
	_ =	shalt  }
.Lfunc_end2:
_tile_overlayer_lowered:
.L_overlay_start_2:
0x65c: {  	(tag) =	ssettag $0x2  }
0x65d: {  	s0 =	rddreg [dreg:$0x0];
	s2 =	stileid.u32  }
0x65e: {  	s1 =	rddreg [dreg:$0x1];
	p0 =	sne.s32 s2, $0x0  }
0x65f: {  	s3 =	rddreg [dreg:$0x2];
	[bflag:$0x3] =	sbarrier.arrive $0xFFFF;
	s2 =	simm.s32 @!p0 $0x1C03  }
0x660: {  	[timem:s3], [sflag:s2] =	dma.local @!p0 [hbm:s0], s1  }
0x661: {  	s0 =	simm.s32 @!p0 $0x3  }
0x662: {  	_ =	swait.ge @!p0 [sflag:s0], s1  }
0x663: {  	s1 =	ssub.s32 @!p0 $0x0, s1;
	[sflag:s0] =	ssyncset.done @!p0 $0x0  }
0x664: {  	[sflag:s0] =	ssyncadd.s32 @!p0 s1  }
0x665: {  	[bflag:$0x3] =	sbarrier.arrive $0xFFFF  }
0x666: {  	_ =	shalt  }

</sc_bundles>
